<compile_context>
chip_gen: v7x
topology: tpu7x:2x2x1
jax: 0.10.2.dev20260603
libtpu: 0.0.44.dev20260713+nightly
codegen_flags: <defaults>
</compile_context>

<pallas_src>
import functools

import jax
import jax.numpy as jnp
from jax import lax
from jax.experimental import pallas as pl
from jax.experimental.pallas import tpu as pltpu
from jax.experimental.pallas import tpu_sc as plsc

_K = 20
_M = 8
_C = 64
_B = 4
_N = 10000
_P = _B * _N
_R = _K * _P
_W = 128

_NW = 32
_CH = 200
_NCHUNK = _R // _CH
_NCW = _NCHUNK // _NW


def _sc_gather_body(ncw, tab_hbm, idx_hbm, out_hbm,
                    idx0, idx1, buf0, buf1, gs0, gs1, ws0, ws1):
    wid = lax.axis_index("s") * 2 + lax.axis_index("c")
    idx_v = [idx0, idx1]
    rows_v = [buf0, buf1]
    gsem = [gs0, gs1]
    wsem = [ws0, ws1]

    def base(j):
        return (wid + _NW * j) * _CH

    pltpu.sync_copy(idx_hbm.at[pl.ds(base(0), _CH)], idx0)
    pltpu.async_copy(tab_hbm.at[idx0], buf0, gs0)

    def pair(jj, carry):
        for b in range(2):
            j = jj * 2 + b
            nb = 1 - b

            @pl.when(j + 1 < ncw)
            def _prefetch():
                @pl.when(j >= 1)
                def _reuse_guard():
                    pltpu.make_async_copy(rows_v[nb],
                                          out_hbm.at[pl.ds(0, _CH)],
                                          wsem[nb]).wait()
                pltpu.sync_copy(idx_hbm.at[pl.ds(base(j + 1), _CH)],
                                idx_v[nb])
                pltpu.async_copy(tab_hbm.at[idx_v[nb]], rows_v[nb], gsem[nb])

            pltpu.make_async_copy(tab_hbm.at[idx_v[b]], rows_v[b],
                                  gsem[b]).wait()
            pltpu.async_copy(rows_v[b], out_hbm.at[pl.ds(base(j), _CH)],
                             wsem[b])
        return carry

    lax.fori_loop(0, ncw // 2, pair, 0)
    if ncw % 2:
        last = ncw - 1
        pltpu.make_async_copy(tab_hbm.at[idx_v[0]], rows_v[0],
                              gsem[0]).wait()
        pltpu.async_copy(rows_v[0], out_hbm.at[pl.ds(base(last), _CH)],
                         wsem[0])
    pltpu.make_async_copy(rows_v[1], out_hbm.at[pl.ds(0, _CH)],
                          wsem[1]).wait()
    pltpu.make_async_copy(rows_v[0], out_hbm.at[pl.ds(0, _CH)],
                          wsem[0]).wait()


def _make_sc_gather(nrows):
    ncw = nrows // _CH // _NW
    assert ncw * _CH * _NW == nrows
    mesh = plsc.VectorSubcoreMesh(core_axis_name="c", subcore_axis_name="s")
    f = pl.kernel(
        functools.partial(_sc_gather_body, ncw),
        out_type=jax.ShapeDtypeStruct((nrows, _W), jnp.float32),
        mesh=mesh,
        scratch_types=[
            pltpu.VMEM((_CH,), jnp.int32),
            pltpu.VMEM((_CH,), jnp.int32),
            pltpu.VMEM((_CH, _W), jnp.float32),
            pltpu.VMEM((_CH, _W), jnp.float32),
            pltpu.SemaphoreType.DMA,
            pltpu.SemaphoreType.DMA,
            pltpu.SemaphoreType.DMA,
            pltpu.SemaphoreType.DMA,
        ],
    )
    return f


_PB = 200
_PB8 = _PB // 8


def _tc_body(fg_ref, op_ref, kpk_ref, res_ref, wr_ref, b_ref, o_ref):
    kpk = kpk_ref[...]
    fgc = fg_ref[...].reshape(_PB8, _K * 8, _W)
    f0 = fgc[:, 0:8, :].reshape(_PB, _W)
    pmx0 = jnp.maximum(jnp.zeros((_PB, _M * _C), jnp.float32)
                       + op_ref[0:1, :], 0.0)
    sx = pmx0
    g = pmx0 * jnp.concatenate([f0[:, 0:_C]] * _M, axis=1)
    for k in range(1, _K):
        fk = fgc[:, k * 8:(k + 1) * 8, :].reshape(_PB, _W)
        dk = fk - f0
        pmx = jnp.dot(dk, kpk, preferred_element_type=jnp.float32)
        pmx = jnp.maximum(pmx, 0.0)
        sx = sx + pmx
        g = g + pmx * jnp.concatenate([fk[:, 0:_C]] * _M, axis=1)
    g = g * (1.0 / (sx + 1e-6))
    out = jnp.dot(g, wr_ref[...], preferred_element_type=jnp.float32)
    out = out + b_ref[...]
    out = jnp.maximum(out, 0.2 * out)
    o_ref[...] = out + res_ref[...][:, 0:_C]


def _make_tc_compute(nrows, blk0):
    grid = nrows // (_PB * _K)

    def call(fgp, opx, kpk, tab, wr, bias):
        return pl.pallas_call(
            _tc_body,
            grid=(grid,),
            in_specs=[
                pl.BlockSpec((_PB * _K, _W), lambda i: (i, 0)),
                pl.BlockSpec((_K, _M * _C), lambda i: (0, 0)),
                pl.BlockSpec((_W, _M * _C), lambda i: (0, 0)),
                pl.BlockSpec((_PB, _W), lambda i: (i + blk0, 0)),
                pl.BlockSpec((_M * _C, _C), lambda i: (0, 0)),
                pl.BlockSpec((1, _C), lambda i: (0, 0)),
            ],
            out_specs=pl.BlockSpec((_PB, _C), lambda i: (i, 0)),
            out_shape=jax.ShapeDtypeStruct((grid * _PB, _C), jnp.float32),
        )(fgp, opx, kpk, tab, wr, bias)

    return call


_PARTS = (192000, 192000, 192000, 224000)


def kernel(x, feature, neigh_indexs, kernels, one_padding, conv_w, conv_b):
    tab = jnp.concatenate(
        [feature.transpose(0, 2, 1).reshape(_P, _C),
         x.transpose(0, 2, 1).reshape(_P, 3),
         jnp.zeros((_P, _W - _C - 3), jnp.float32)], axis=1)

    offs = (jnp.arange(_B, dtype=jnp.int32) * _N).reshape(_B, 1, 1)
    gidx = neigh_indexs[:, :, :_K] + offs
    idx_perm = gidx.reshape(_P // 8, 8, _K).swapaxes(1, 2).reshape(_R)

    fgs = []
    r0 = 0
    for nr in _PARTS:
        fgs.append(_make_sc_gather(nr)(tab, idx_perm[r0:r0 + nr]))
        r0 += nr

    kpk = jnp.zeros((_W, _M * _C), jnp.float32)
    kpk = kpk.at[_C:_C + 3, :].set(jnp.repeat(kernels, _C, axis=1))
    opx = jnp.repeat(one_padding, _C, axis=1)
    wr = conv_w.reshape(_C, _C, _M).transpose(2, 1, 0).reshape(_M * _C, _C)
    bias = conv_b.reshape(1, _C)

    outs = []
    r0 = 0
    for nr, fg in zip(_PARTS, fgs):
        outs.append(_make_tc_compute(nr, r0 // (_PB * _K))(fg, opx, kpk,
                                                           tab, wr, bias))
        r0 += nr
    out = jnp.concatenate(outs, axis=0)
    return out.reshape(_B, _N, _C).transpose(0, 2, 1)

# --- scband reference (transcript-rebuilt; emitter-appended) ---
"""Pipeline reference for scband-pai-conv-15702400434772 (READ-ONLY COPY).

The authoritative reference and input builder live on the scoring server;
editing this copy changes nothing except your own understanding.
"""

import jax, jax.numpy as jnp
import numpy as np

K = 20
NUM_KERNEL = 8
IN_C = 64
OUT_C = 64
DILATION = 1
B = 4
N = 10000

KERNELS = jnp.array([
    [0.62, -0.41, 0.93, -0.17, 0.28, 0.74, -0.58, 0.35],
    [-0.22, 0.81, -0.64, 0.47, -0.39, 0.15, 0.69, -0.73],
    [0.44, -0.56, 0.12, 0.88, -0.91, 0.33, -0.25, 0.57],
], dtype=jnp.float32)


def setup_inputs(seed: int = 0) -> dict:
    key = jax.random.key(seed)
    k1, k2, k3, k4 = jax.random.split(key, 4)
    x = jax.random.normal(k1, (B, 3, N), dtype=jnp.float32)
    feature = jax.random.normal(k2, (B, IN_C, N), dtype=jnp.float32)
    neigh_indexs = jax.random.randint(k3, (B, N, K), 0, N, dtype=jnp.int32)
    one_padding = jnp.zeros((K, NUM_KERNEL), dtype=jnp.float32).at[0, 0].set(1.0)
    conv_w = jax.random.normal(k4, (OUT_C, IN_C * NUM_KERNEL), dtype=jnp.float32) * 0.05
    conv_b = jnp.zeros((OUT_C,), dtype=jnp.float32)
    return {"x": x, "feature": feature, "neigh_indexs": neigh_indexs,
            "kernels": KERNELS, "one_padding": one_padding,
            "conv_w": conv_w, "conv_b": conv_b}


def topkmax(permatrix):
    permatrix = jax.nn.relu(permatrix)
    return permatrix / (jnp.sum(permatrix, axis=1, keepdims=True) + 1e-6)


def reference(x, feature, neigh_indexs, kernels, one_padding, conv_w, conv_b):
    bsize, num_feat, num_pts = feature.shape
    xp = jnp.transpose(x, (0, 2, 1)).reshape(bsize * num_pts, 3)
    neigh_index = neigh_indexs[:, :, : K * DILATION : DILATION]
    idx_base = (jnp.arange(bsize, dtype=neigh_index.dtype) * num_pts).reshape(-1, 1, 1)
    ni = (neigh_index + idx_base).reshape(-1)
    x_neighs = jnp.take(xp, ni, axis=0).reshape(bsize * num_pts, K, 3)
    x_relative = x_neighs - x_neighs[:, 0:1, :]
    feats = jnp.transpose(feature, (0, 2, 1)).reshape(bsize * num_pts, num_feat)
    feats = jnp.take(feats, ni, axis=0).reshape(bsize * num_pts, K, num_feat)
    feats = jnp.transpose(feats, (0, 2, 1))
    permatrix = jnp.matmul(x_relative, kernels) + one_padding
    permatrix = topkmax(permatrix)
    feats = jnp.matmul(feats, permatrix).reshape(bsize, num_pts, -1)
    feats = jnp.transpose(feats, (0, 2, 1))
    out = jnp.einsum('oc,bcn->bon', conv_w, feats) + conv_b[None, :, None]
    out = jax.nn.leaky_relu(out, 0.2)
    out = out + feature  # residual since in_c == out_c
    return out

if __name__ == "__main__":
    import jax
    _d = setup_inputs()
    print(jax.jit(kernel)(*tuple(_d.values())))

</pallas_src>

<mosaic_0001>
#map = affine_map<(d0, d1) -> (0, 0)>
#map1 = affine_map<(d0, d1) -> (0)>
module attributes {stable_mosaic.version = 14 : i64} {
  func.func @_sc_gather_body(%arg0: i32, %arg1: i32, %arg2: memref<40000x128xf32, #tpu.memory_space<hbm>>, %arg3: memref<192000xi32, #tpu.memory_space<hbm>>, %arg4: memref<192000x128xf32, #tpu.memory_space<hbm>>, %arg5: memref<200xi32, #tpu.memory_space<vmem>>, %arg6: memref<200xi32, #tpu.memory_space<vmem>>, %arg7: memref<200x128xf32, #tpu.memory_space<vmem>>, %arg8: memref<200x128xf32, #tpu.memory_space<vmem>>, %arg9: memref<!tpu.dma_semaphore, #tpu.memory_space<semaphore_mem>>, %arg10: memref<!tpu.dma_semaphore, #tpu.memory_space<semaphore_mem>>, %arg11: memref<!tpu.dma_semaphore, #tpu.memory_space<semaphore_mem>>, %arg12: memref<!tpu.dma_semaphore, #tpu.memory_space<semaphore_mem>>) attributes {dimension_semantics = [#tpu.dimension_semantics<core_parallel>, #tpu.dimension_semantics<subcore_parallel>], iteration_bounds = array<i64: 2, 16>, scalar_prefetch = 0 : i64, scratch_operands = 8 : i64, tpu.core_type = #tpu.core_type<sc_vector_subcore>, window_params = [{transform_indices = #map}, {transform_indices = #map1}, {transform_indices = #map}]} {
    %mul3A = arith.constant 2 : i32
    %mul3A_0 = arith.muli %arg1, %mul3A : i32
    %add3A = arith.addi %mul3A_0, %arg0 : i32
    %add3A_1 = arith.constant 0 : i32
    %add3A_2 = arith.addi %add3A, %add3A_1 : i32
    %mul3A_3 = arith.constant 200 : i32
    %mul3A_4 = arith.muli %add3A_2, %mul3A_3 : i32
    "tpu.region"() ({
      %run_scoped3A = tpu.sem_alloc : memref<!tpu.dma_semaphore, #tpu.memory_space<semaphore_mem>>
      %dma_start3A_23 = tpu.memref_slice %arg3[%mul3A_4] : memref<192000xi32, #tpu.memory_space<hbm>> -> memref<200xi32, #tpu.memory_space<hbm>>
      %dma_start3A_24 = tpu.memref_slice %arg3[%mul3A_4] : memref<192000xi32, #tpu.memory_space<hbm>> -> memref<200xi32, #tpu.memory_space<hbm>>
      tpu.enqueue_dma source(%dma_start3A_24 : memref<200xi32, #tpu.memory_space<hbm>>) target(%arg5 : memref<200xi32, #tpu.memory_space<vmem>>) target_semaphore(%run_scoped3A : memref<!tpu.dma_semaphore, #tpu.memory_space<semaphore_mem>>)
      %dma_wait3A_25 = tpu.memref_slice %arg3[%mul3A_4] : memref<192000xi32, #tpu.memory_space<hbm>> -> memref<200xi32, #tpu.memory_space<hbm>>
      %dma_wait3A_26 = tpu.memref_slice %arg3[%mul3A_4] : memref<192000xi32, #tpu.memory_space<hbm>> -> memref<200xi32, #tpu.memory_space<hbm>>
      tpu.wait_dma2 semaphore(%run_scoped3A : memref<!tpu.dma_semaphore, #tpu.memory_space<semaphore_mem>>) src(%dma_wait3A_26 : memref<200xi32, #tpu.memory_space<hbm>>) dst(%arg5 : memref<200xi32, #tpu.memory_space<vmem>>)
      tpu.yield
    }) : () -> ()
    %dma_start3A = arith.constant 0 : i32
    %dma_start3A_5 = arith.constant 0 : i32
    %dma_start3A_6 = tpu.memref_slice %arg2[%dma_start3A, %dma_start3A_5] : memref<40000x128xf32, #tpu.memory_space<hbm>> -> memref<40000x128xf32, #tpu.memory_space<hbm>>
    tpu.enqueue_indirect_dma source(%dma_start3A_6 : memref<40000x128xf32, #tpu.memory_space<hbm>>) target(%arg7 : memref<200x128xf32, #tpu.memory_space<vmem>>) offsets(%arg5 : memref<200xi32, #tpu.memory_space<vmem>>) semaphore(%arg9 : memref<!tpu.dma_semaphore, #tpu.memory_space<semaphore_mem>>)
    %scan3A = arith.constant 0 : i32
    %scan3A_7 = arith.constant 0 : i32
    %scan3A_8 = arith.constant 15 : i32
    %scan3A_9 = arith.addi %scan3A_7, %scan3A_8 : i32
    %scan3A_10 = arith.constant 1 : i32
    scf.for %scan3A_23 = %scan3A_7 to %scan3A_9 step %scan3A_10  : i32 {
      %mul3A_24 = arith.constant 2 : i32
      %mul3A_25 = arith.muli %scan3A_23, %mul3A_24 : i32
      %add3A_26 = arith.constant 0 : i32
      %add3A_27 = arith.addi %mul3A_25, %add3A_26 : i32
      %add3A_28 = arith.constant 1 : i32
      %add3A_29 = arith.addi %add3A_27, %add3A_28 : i32
      %lt3A = arith.constant 30 : i32
      %lt3A_30 = arith.cmpi slt, %add3A_29, %lt3A : i32
      %convert_element_type3A = arith.extui %lt3A_30 : i1 to i32
      %cond3A = arith.constant 0 : i32
      %cond3A_31 = arith.cmpi ne, %convert_element_type3A, %cond3A : i32
      scf.if %cond3A_31 {
        %ge3A = arith.constant 1 : i32
        %ge3A_67 = arith.cmpi sge, %add3A_27, %ge3A : i32
        %convert_element_type3A_68 = arith.extui %ge3A_67 : i1 to i32
        %cond3A_69 = arith.constant 0 : i32
        %cond3A_70 = arith.cmpi ne, %convert_element_type3A_68, %cond3A_69 : i32
        scf.if %cond3A_70 {
          %dma_wait3A_81 = arith.constant 0 : i32
          %dma_wait3A_82 = arith.constant 0 : i32
          %dma_wait3A_83 = tpu.memref_slice %arg4[%dma_wait3A_81, %dma_wait3A_82] : memref<192000x128xf32, #tpu.memory_space<hbm>> -> memref<200x128xf32, #tpu.memory_space<hbm>>
          %dma_wait3A_84 = arith.constant 0 : i32
          %dma_wait3A_85 = arith.constant 0 : i32
          %dma_wait3A_86 = tpu.memref_slice %arg4[%dma_wait3A_84, %dma_wait3A_85] : memref<192000x128xf32, #tpu.memory_space<hbm>> -> memref<200x128xf32, #tpu.memory_space<hbm>>
          tpu.wait_dma2 semaphore(%arg12 : memref<!tpu.dma_semaphore, #tpu.memory_space<semaphore_mem>>) src(%arg8 : memref<200x128xf32, #tpu.memory_space<vmem>>) dst(%dma_wait3A_86 : memref<200x128xf32, #tpu.memory_space<hbm>>)
        } else {
        }
        %add3A_71 = arith.constant 1 : i32
        %add3A_72 = arith.addi %add3A_27, %add3A_71 : i32
        %mul3A_73 = arith.constant 32 : i32
        %mul3A_74 = arith.muli %mul3A_73, %add3A_72 : i32
        %add3A_75 = arith.addi %add3A, %mul3A_74 : i32
        %mul3A_76 = arith.constant 200 : i32
        %mul3A_77 = arith.muli %add3A_75, %mul3A_76 : i32
        "tpu.region"() ({
          %run_scoped3A = tpu.sem_alloc : memref<!tpu.dma_semaphore, #tpu.memory_space<semaphore_mem>>
          %dma_start3A_81 = tpu.memref_slice %arg3[%mul3A_77] : memref<192000xi32, #tpu.memory_space<hbm>> -> memref<200xi32, #tpu.memory_space<hbm>>
          %dma_start3A_82 = tpu.memref_slice %arg3[%mul3A_77] : memref<192000xi32, #tpu.memory_space<hbm>> -> memref<200xi32, #tpu.memory_space<hbm>>
          tpu.enqueue_dma source(%dma_start3A_82 : memref<200xi32, #tpu.memory_space<hbm>>) target(%arg6 : memref<200xi32, #tpu.memory_space<vmem>>) target_semaphore(%run_scoped3A : memref<!tpu.dma_semaphore, #tpu.memory_space<semaphore_mem>>)
          %dma_wait3A_83 = tpu.memref_slice %arg3[%mul3A_77] : memref<192000xi32, #tpu.memory_space<hbm>> -> memref<200xi32, #tpu.memory_space<hbm>>
          %dma_wait3A_84 = tpu.memref_slice %arg3[%mul3A_77] : memref<192000xi32, #tpu.memory_space<hbm>> -> memref<200xi32, #tpu.memory_space<hbm>>
          tpu.wait_dma2 semaphore(%run_scoped3A : memref<!tpu.dma_semaphore, #tpu.memory_space<semaphore_mem>>) src(%dma_wait3A_84 : memref<200xi32, #tpu.memory_space<hbm>>) dst(%arg6 : memref<200xi32, #tpu.memory_space<vmem>>)
          tpu.yield
        }) : () -> ()
        %dma_start3A_78 = arith.constant 0 : i32
        %dma_start3A_79 = arith.constant 0 : i32
        %dma_start3A_80 = tpu.memref_slice %arg2[%dma_start3A_78, %dma_start3A_79] : memref<40000x128xf32, #tpu.memory_space<hbm>> -> memref<40000x128xf32, #tpu.memory_space<hbm>>
        tpu.enqueue_indirect_dma source(%dma_start3A_80 : memref<40000x128xf32, #tpu.memory_space<hbm>>) target(%arg8 : memref<200x128xf32, #tpu.memory_space<vmem>>) offsets(%arg6 : memref<200xi32, #tpu.memory_space<vmem>>) semaphore(%arg10 : memref<!tpu.dma_semaphore, #tpu.memory_space<semaphore_mem>>)
      } else {
      }
      %dma_wait3A_32 = arith.constant 0 : i32
      %dma_wait3A_33 = arith.constant 0 : i32
      %dma_wait3A_34 = tpu.memref_slice %arg2[%dma_wait3A_32, %dma_wait3A_33] : memref<40000x128xf32, #tpu.memory_space<hbm>> -> memref<40000x128xf32, #tpu.memory_space<hbm>>
      tpu.wait_indirect_dma semaphore(%arg9 : memref<!tpu.dma_semaphore, #tpu.memory_space<semaphore_mem>>) src(%dma_wait3A_34 : memref<40000x128xf32, #tpu.memory_space<hbm>>) dst(%arg7 : memref<200x128xf32, #tpu.memory_space<vmem>>)
      %mul3A_35 = arith.constant 32 : i32
      %mul3A_36 = arith.muli %mul3A_35, %add3A_27 : i32
      %add3A_37 = arith.addi %add3A, %mul3A_36 : i32
      %mul3A_38 = arith.constant 200 : i32
      %mul3A_39 = arith.muli %add3A_37, %mul3A_38 : i32
      %dma_start3A_40 = arith.constant 0 : i32
      %dma_start3A_41 = tpu.memref_slice %arg4[%mul3A_39, %dma_start3A_40] : memref<192000x128xf32, #tpu.memory_space<hbm>> -> memref<200x128xf32, #tpu.memory_space<hbm>>
      %dma_start3A_42 = arith.constant 0 : i32
      %dma_start3A_43 = tpu.memref_slice %arg4[%mul3A_39, %dma_start3A_42] : memref<192000x128xf32, #tpu.memory_space<hbm>> -> memref<200x128xf32, #tpu.memory_space<hbm>>
      tpu.enqueue_dma source(%arg7 : memref<200x128xf32, #tpu.memory_space<vmem>>) target(%dma_start3A_43 : memref<200x128xf32, #tpu.memory_space<hbm>>) target_semaphore(%arg11 : memref<!tpu.dma_semaphore, #tpu.memory_space<semaphore_mem>>)
      %mul3A_44 = arith.constant 2 : i32
      %mul3A_45 = arith.muli %scan3A_23, %mul3A_44 : i32
      %add3A_46 = arith.constant 1 : i32
      %add3A_47 = arith.addi %mul3A_45, %add3A_46 : i32
      %add3A_48 = arith.constant 1 : i32
      %add3A_49 = arith.addi %add3A_47, %add3A_48 : i32
      %lt3A_50 = arith.constant 30 : i32
      %lt3A_51 = arith.cmpi slt, %add3A_49, %lt3A_50 : i32
      %convert_element_type3A_52 = arith.extui %lt3A_51 : i1 to i32
      %cond3A_53 = arith.constant 0 : i32
      %cond3A_54 = arith.cmpi ne, %convert_element_type3A_52, %cond3A_53 : i32
      scf.if %cond3A_54 {
        %ge3A = arith.constant 1 : i32
        %ge3A_67 = arith.cmpi sge, %add3A_47, %ge3A : i32
        %convert_element_type3A_68 = arith.extui %ge3A_67 : i1 to i32
        %cond3A_69 = arith.constant 0 : i32
        %cond3A_70 = arith.cmpi ne, %convert_element_type3A_68, %cond3A_69 : i32
        scf.if %cond3A_70 {
          %dma_wait3A_81 = arith.constant 0 : i32
          %dma_wait3A_82 = arith.constant 0 : i32
          %dma_wait3A_83 = tpu.memref_slice %arg4[%dma_wait3A_81, %dma_wait3A_82] : memref<192000x128xf32, #tpu.memory_space<hbm>> -> memref<200x128xf32, #tpu.memory_space<hbm>>
          %dma_wait3A_84 = arith.constant 0 : i32
          %dma_wait3A_85 = arith.constant 0 : i32
          %dma_wait3A_86 = tpu.memref_slice %arg4[%dma_wait3A_84, %dma_wait3A_85] : memref<192000x128xf32, #tpu.memory_space<hbm>> -> memref<200x128xf32, #tpu.memory_space<hbm>>
          tpu.wait_dma2 semaphore(%arg11 : memref<!tpu.dma_semaphore, #tpu.memory_space<semaphore_mem>>) src(%arg7 : memref<200x128xf32, #tpu.memory_space<vmem>>) dst(%dma_wait3A_86 : memref<200x128xf32, #tpu.memory_space<hbm>>)
        } else {
        }
        %add3A_71 = arith.constant 1 : i32
        %add3A_72 = arith.addi %add3A_47, %add3A_71 : i32
        %mul3A_73 = arith.constant 32 : i32
        %mul3A_74 = arith.muli %mul3A_73, %add3A_72 : i32
        %add3A_75 = arith.addi %add3A, %mul3A_74 : i32
        %mul3A_76 = arith.constant 200 : i32
        %mul3A_77 = arith.muli %add3A_75, %mul3A_76 : i32
        "tpu.region"() ({
          %run_scoped3A = tpu.sem_alloc : memref<!tpu.dma_semaphore, #tpu.memory_space<semaphore_mem>>
          %dma_start3A_81 = tpu.memref_slice %arg3[%mul3A_77] : memref<192000xi32, #tpu.memory_space<hbm>> -> memref<200xi32, #tpu.memory_space<hbm>>
          %dma_start3A_82 = tpu.memref_slice %arg3[%mul3A_77] : memref<192000xi32, #tpu.memory_space<hbm>> -> memref<200xi32, #tpu.memory_space<hbm>>
          tpu.enqueue_dma source(%dma_start3A_82 : memref<200xi32, #tpu.memory_space<hbm>>) target(%arg5 : memref<200xi32, #tpu.memory_space<vmem>>) target_semaphore(%run_scoped3A : memref<!tpu.dma_semaphore, #tpu.memory_space<semaphore_mem>>)
          %dma_wait3A_83 = tpu.memref_slice %arg3[%mul3A_77] : memref<192000xi32, #tpu.memory_space<hbm>> -> memref<200xi32, #tpu.memory_space<hbm>>
          %dma_wait3A_84 = tpu.memref_slice %arg3[%mul3A_77] : memref<192000xi32, #tpu.memory_space<hbm>> -> memref<200xi32, #tpu.memory_space<hbm>>
          tpu.wait_dma2 semaphore(%run_scoped3A : memref<!tpu.dma_semaphore, #tpu.memory_space<semaphore_mem>>) src(%dma_wait3A_84 : memref<200xi32, #tpu.memory_space<hbm>>) dst(%arg5 : memref<200xi32, #tpu.memory_space<vmem>>)
          tpu.yield
        }) : () -> ()
        %dma_start3A_78 = arith.constant 0 : i32
        %dma_start3A_79 = arith.constant 0 : i32
        %dma_start3A_80 = tpu.memref_slice %arg2[%dma_start3A_78, %dma_start3A_79] : memref<40000x128xf32, #tpu.memory_space<hbm>> -> memref<40000x128xf32, #tpu.memory_space<hbm>>
        tpu.enqueue_indirect_dma source(%dma_start3A_80 : memref<40000x128xf32, #tpu.memory_space<hbm>>) target(%arg7 : memref<200x128xf32, #tpu.memory_space<vmem>>) offsets(%arg5 : memref<200xi32, #tpu.memory_space<vmem>>) semaphore(%arg9 : memref<!tpu.dma_semaphore, #tpu.memory_space<semaphore_mem>>)
      } else {
      }
      %dma_wait3A_55 = arith.constant 0 : i32
      %dma_wait3A_56 = arith.constant 0 : i32
      %dma_wait3A_57 = tpu.memref_slice %arg2[%dma_wait3A_55, %dma_wait3A_56] : memref<40000x128xf32, #tpu.memory_space<hbm>> -> memref<40000x128xf32, #tpu.memory_space<hbm>>
      tpu.wait_indirect_dma semaphore(%arg10 : memref<!tpu.dma_semaphore, #tpu.memory_space<semaphore_mem>>) src(%dma_wait3A_57 : memref<40000x128xf32, #tpu.memory_space<hbm>>) dst(%arg8 : memref<200x128xf32, #tpu.memory_space<vmem>>)
      %mul3A_58 = arith.constant 32 : i32
      %mul3A_59 = arith.muli %mul3A_58, %add3A_47 : i32
      %add3A_60 = arith.addi %add3A, %mul3A_59 : i32
      %mul3A_61 = arith.constant 200 : i32
      %mul3A_62 = arith.muli %add3A_60, %mul3A_61 : i32
      %dma_start3A_63 = arith.constant 0 : i32
      %dma_start3A_64 = tpu.memref_slice %arg4[%mul3A_62, %dma_start3A_63] : memref<192000x128xf32, #tpu.memory_space<hbm>> -> memref<200x128xf32, #tpu.memory_space<hbm>>
      %dma_start3A_65 = arith.constant 0 : i32
      %dma_start3A_66 = tpu.memref_slice %arg4[%mul3A_62, %dma_start3A_65] : memref<192000x128xf32, #tpu.memory_space<hbm>> -> memref<200x128xf32, #tpu.memory_space<hbm>>
      tpu.enqueue_dma source(%arg8 : memref<200x128xf32, #tpu.memory_space<vmem>>) target(%dma_start3A_66 : memref<200x128xf32, #tpu.memory_space<hbm>>) target_semaphore(%arg12 : memref<!tpu.dma_semaphore, #tpu.memory_space<semaphore_mem>>)
    }
    %scan3A_11 = arith.constant 15 : i32
    %dma_wait3A = arith.constant 0 : i32
    %dma_wait3A_12 = arith.constant 0 : i32
    %dma_wait3A_13 = tpu.memref_slice %arg4[%dma_wait3A, %dma_wait3A_12] : memref<192000x128xf32, #tpu.memory_space<hbm>> -> memref<200x128xf32, #tpu.memory_space<hbm>>
    %dma_wait3A_14 = arith.constant 0 : i32
    %dma_wait3A_15 = arith.constant 0 : i32
    %dma_wait3A_16 = tpu.memref_slice %arg4[%dma_wait3A_14, %dma_wait3A_15] : memref<192000x128xf32, #tpu.memory_space<hbm>> -> memref<200x128xf32, #tpu.memory_space<hbm>>
    tpu.wait_dma2 semaphore(%arg12 : memref<!tpu.dma_semaphore, #tpu.memory_space<semaphore_mem>>) src(%arg8 : memref<200x128xf32, #tpu.memory_space<vmem>>) dst(%dma_wait3A_16 : memref<200x128xf32, #tpu.memory_space<hbm>>)
    %dma_wait3A_17 = arith.constant 0 : i32
    %dma_wait3A_18 = arith.constant 0 : i32
    %dma_wait3A_19 = tpu.memref_slice %arg4[%dma_wait3A_17, %dma_wait3A_18] : memref<192000x128xf32, #tpu.memory_space<hbm>> -> memref<200x128xf32, #tpu.memory_space<hbm>>
    %dma_wait3A_20 = arith.constant 0 : i32
    %dma_wait3A_21 = arith.constant 0 : i32
    %dma_wait3A_22 = tpu.memref_slice %arg4[%dma_wait3A_20, %dma_wait3A_21] : memref<192000x128xf32, #tpu.memory_space<hbm>> -> memref<200x128xf32, #tpu.memory_space<hbm>>
    tpu.wait_dma2 semaphore(%arg11 : memref<!tpu.dma_semaphore, #tpu.memory_space<semaphore_mem>>) src(%arg7 : memref<200x128xf32, #tpu.memory_space<vmem>>) dst(%dma_wait3A_22 : memref<200x128xf32, #tpu.memory_space<hbm>>)
    return
  }
}

#map = affine_map<(d0, d1) -> (0, 0)>
#map1 = affine_map<(d0, d1) -> (0)>
module attributes {stable_mosaic.version = 14 : i64} {
  func.func @_sc_gather_body(%arg0: i32, %arg1: i32, %arg2: memref<40000x128xf32, #tpu.memory_space<hbm>>, %arg3: memref<192000xi32, #tpu.memory_space<hbm>>, %arg4: memref<192000x128xf32, #tpu.memory_space<hbm>>, %arg5: memref<200xi32, #tpu.memory_space<vmem>>, %arg6: memref<200xi32, #tpu.memory_space<vmem>>, %arg7: memref<200x128xf32, #tpu.memory_space<vmem>>, %arg8: memref<200x128xf32, #tpu.memory_space<vmem>>, %arg9: memref<!tpu.dma_semaphore, #tpu.memory_space<semaphore_mem>>, %arg10: memref<!tpu.dma_semaphore, #tpu.memory_space<semaphore_mem>>, %arg11: memref<!tpu.dma_semaphore, #tpu.memory_space<semaphore_mem>>, %arg12: memref<!tpu.dma_semaphore, #tpu.memory_space<semaphore_mem>>) attributes {dimension_semantics = [#tpu.dimension_semantics<core_parallel>, #tpu.dimension_semantics<subcore_parallel>], iteration_bounds = array<i64: 2, 16>, scalar_prefetch = 0 : i64, scratch_operands = 8 : i64, tpu.core_type = #tpu.core_type<sc_vector_subcore>, window_params = [{transform_indices = #map}, {transform_indices = #map1}, {transform_indices = #map}]} {
    %mul3A = arith.constant 2 : i32
    %mul3A_0 = arith.muli %arg1, %mul3A : i32
    %add3A = arith.addi %mul3A_0, %arg0 : i32
    %add3A_1 = arith.constant 0 : i32
    %add3A_2 = arith.addi %add3A, %add3A_1 : i32
    %mul3A_3 = arith.constant 200 : i32
    %mul3A_4 = arith.muli %add3A_2, %mul3A_3 : i32
    "tpu.region"() ({
      %run_scoped3A = tpu.sem_alloc : memref<!tpu.dma_semaphore, #tpu.memory_space<semaphore_mem>>
      %dma_start3A_23 = tpu.memref_slice %arg3[%mul3A_4] : memref<192000xi32, #tpu.memory_space<hbm>> -> memref<200xi32, #tpu.memory_space<hbm>>
      %dma_start3A_24 = tpu.memref_slice %arg3[%mul3A_4] : memref<192000xi32, #tpu.memory_space<hbm>> -> memref<200xi32, #tpu.memory_space<hbm>>
      tpu.enqueue_dma source(%dma_start3A_24 : memref<200xi32, #tpu.memory_space<hbm>>) target(%arg5 : memref<200xi32, #tpu.memory_space<vmem>>) target_semaphore(%run_scoped3A : memref<!tpu.dma_semaphore, #tpu.memory_space<semaphore_mem>>)
      %dma_wait3A_25 = tpu.memref_slice %arg3[%mul3A_4] : memref<192000xi32, #tpu.memory_space<hbm>> -> memref<200xi32, #tpu.memory_space<hbm>>
      %dma_wait3A_26 = tpu.memref_slice %arg3[%mul3A_4] : memref<192000xi32, #tpu.memory_space<hbm>> -> memref<200xi32, #tpu.memory_space<hbm>>
      tpu.wait_dma2 semaphore(%run_scoped3A : memref<!tpu.dma_semaphore, #tpu.memory_space<semaphore_mem>>) src(%dma_wait3A_26 : memref<200xi32, #tpu.memory_space<hbm>>) dst(%arg5 : memref<200xi32, #tpu.memory_space<vmem>>)
      tpu.yield
    }) : () -> ()
    %dma_start3A = arith.constant 0 : i32
    %dma_start3A_5 = arith.constant 0 : i32
    %dma_start3A_6 = tpu.memref_slice %arg2[%dma_start3A, %dma_start3A_5] : memref<40000x128xf32, #tpu.memory_space<hbm>> -> memref<40000x128xf32, #tpu.memory_space<hbm>>
    tpu.enqueue_indirect_dma source(%dma_start3A_6 : memref<40000x128xf32, #tpu.memory_space<hbm>>) target(%arg7 : memref<200x128xf32, #tpu.memory_space<vmem>>) offsets(%arg5 : memref<200xi32, #tpu.memory_space<vmem>>) semaphore(%arg9 : memref<!tpu.dma_semaphore, #tpu.memory_space<semaphore_mem>>)
    %scan3A = arith.constant 0 : i32
    %scan3A_7 = arith.constant 0 : i32
    %scan3A_8 = arith.constant 15 : i32
    %scan3A_9 = arith.addi %scan3A_7, %scan3A_8 : i32
    %scan3A_10 = arith.constant 1 : i32
    scf.for %scan3A_23 = %scan3A_7 to %scan3A_9 step %scan3A_10  : i32 {
      %mul3A_24 = arith.constant 2 : i32
      %mul3A_25 = arith.muli %scan3A_23, %mul3A_24 : i32
      %add3A_26 = arith.constant 0 : i32
      %add3A_27 = arith.addi %mul3A_25, %add3A_26 : i32
      %add3A_28 = arith.constant 1 : i32
      %add3A_29 = arith.addi %add3A_27, %add3A_28 : i32
      %lt3A = arith.constant 30 : i32
      %lt3A_30 = arith.cmpi slt, %add3A_29, %lt3A : i32
      %convert_element_type3A = arith.extui %lt3A_30 : i1 to i32
      %cond3A = arith.constant 0 : i32
      %cond3A_31 = arith.cmpi ne, %convert_element_type3A, %cond3A : i32
      scf.if %cond3A_31 {
        %ge3A = arith.constant 1 : i32
        %ge3A_67 = arith.cmpi sge, %add3A_27, %ge3A : i32
        %convert_element_type3A_68 = arith.extui %ge3A_67 : i1 to i32
        %cond3A_69 = arith.constant 0 : i32
        %cond3A_70 = arith.cmpi ne, %convert_element_type3A_68, %cond3A_69 : i32
        scf.if %cond3A_70 {
          %dma_wait3A_81 = arith.constant 0 : i32
          %dma_wait3A_82 = arith.constant 0 : i32
          %dma_wait3A_83 = tpu.memref_slice %arg4[%dma_wait3A_81, %dma_wait3A_82] : memref<192000x128xf32, #tpu.memory_space<hbm>> -> memref<200x128xf32, #tpu.memory_space<hbm>>
          %dma_wait3A_84 = arith.constant 0 : i32
          %dma_wait3A_85 = arith.constant 0 : i32
          %dma_wait3A_86 = tpu.memref_slice %arg4[%dma_wait3A_84, %dma_wait3A_85] : memref<192000x128xf32, #tpu.memory_space<hbm>> -> memref<200x128xf32, #tpu.memory_space<hbm>>
          tpu.wait_dma2 semaphore(%arg12 : memref<!tpu.dma_semaphore, #tpu.memory_space<semaphore_mem>>) src(%arg8 : memref<200x128xf32, #tpu.memory_space<vmem>>) dst(%dma_wait3A_86 : memref<200x128xf32, #tpu.memory_space<hbm>>)
        } else {
        }
        %add3A_71 = arith.constant 1 : i32
        %add3A_72 = arith.addi %add3A_27, %add3A_71 : i32
        %mul3A_73 = arith.constant 32 : i32
        %mul3A_74 = arith.muli %mul3A_73, %add3A_72 : i32
        %add3A_75 = arith.addi %add3A, %mul3A_74 : i32
        %mul3A_76 = arith.constant 200 : i32
        %mul3A_77 = arith.muli %add3A_75, %mul3A_76 : i32
        "tpu.region"() ({
          %run_scoped3A = tpu.sem_alloc : memref<!tpu.dma_semaphore, #tpu.memory_space<semaphore_mem>>
          %dma_start3A_81 = tpu.memref_slice %arg3[%mul3A_77] : memref<192000xi32, #tpu.memory_space<hbm>> -> memref<200xi32, #tpu.memory_space<hbm>>
          %dma_start3A_82 = tpu.memref_slice %arg3[%mul3A_77] : memref<192000xi32, #tpu.memory_space<hbm>> -> memref<200xi32, #tpu.memory_space<hbm>>
          tpu.enqueue_dma source(%dma_start3A_82 : memref<200xi32, #tpu.memory_space<hbm>>) target(%arg6 : memref<200xi32, #tpu.memory_space<vmem>>) target_semaphore(%run_scoped3A : memref<!tpu.dma_semaphore, #tpu.memory_space<semaphore_mem>>)
          %dma_wait3A_83 = tpu.memref_slice %arg3[%mul3A_77] : memref<192000xi32, #tpu.memory_space<hbm>> -> memref<200xi32, #tpu.memory_space<hbm>>
          %dma_wait3A_84 = tpu.memref_slice %arg3[%mul3A_77] : memref<192000xi32, #tpu.memory_space<hbm>> -> memref<200xi32, #tpu.memory_space<hbm>>
          tpu.wait_dma2 semaphore(%run_scoped3A : memref<!tpu.dma_semaphore, #tpu.memory_space<semaphore_mem>>) src(%dma_wait3A_84 : memref<200xi32, #tpu.memory_space<hbm>>) dst(%arg6 : memref<200xi32, #tpu.memory_space<vmem>>)
          tpu.yield
        }) : () -> ()
        %dma_start3A_78 = arith.constant 0 : i32
        %dma_start3A_79 = arith.constant 0 : i32
        %dma_start3A_80 = tpu.memref_slice %arg2[%dma_start3A_78, %dma_start3A_79] : memref<40000x128xf32, #tpu.memory_space<hbm>> -> memref<40000x128xf32, #tpu.memory_space<hbm>>
        tpu.enqueue_indirect_dma source(%dma_start3A_80 : memref<40000x128xf32, #tpu.memory_space<hbm>>) target(%arg8 : memref<200x128xf32, #tpu.memory_space<vmem>>) offsets(%arg6 : memref<200xi32, #tpu.memory_space<vmem>>) semaphore(%arg10 : memref<!tpu.dma_semaphore, #tpu.memory_space<semaphore_mem>>)
      } else {
      }
      %dma_wait3A_32 = arith.constant 0 : i32
      %dma_wait3A_33 = arith.constant 0 : i32
      %dma_wait3A_34 = tpu.memref_slice %arg2[%dma_wait3A_32, %dma_wait3A_33] : memref<40000x128xf32, #tpu.memory_space<hbm>> -> memref<40000x128xf32, #tpu.memory_space<hbm>>
      tpu.wait_indirect_dma semaphore(%arg9 : memref<!tpu.dma_semaphore, #tpu.memory_space<semaphore_mem>>) src(%dma_wait3A_34 : memref<40000x128xf32, #tpu.memory_space<hbm>>) dst(%arg7 : memref<200x128xf32, #tpu.memory_space<vmem>>)
      %mul3A_35 = arith.constant 32 : i32
      %mul3A_36 = arith.muli %mul3A_35, %add3A_27 : i32
      %add3A_37 = arith.addi %add3A, %mul3A_36 : i32
      %mul3A_38 = arith.constant 200 : i32
      %mul3A_39 = arith.muli %add3A_37, %mul3A_38 : i32
      %dma_start3A_40 = arith.constant 0 : i32
      %dma_start3A_41 = tpu.memref_slice %arg4[%mul3A_39, %dma_start3A_40] : memref<192000x128xf32, #tpu.memory_space<hbm>> -> memref<200x128xf32, #tpu.memory_space<hbm>>
      %dma_start3A_42 = arith.constant 0 : i32
      %dma_start3A_43 = tpu.memref_slice %arg4[%mul3A_39, %dma_start3A_42] : memref<192000x128xf32, #tpu.memory_space<hbm>> -> memref<200x128xf32, #tpu.memory_space<hbm>>
      tpu.enqueue_dma source(%arg7 : memref<200x128xf32, #tpu.memory_space<vmem>>) target(%dma_start3A_43 : memref<200x128xf32, #tpu.memory_space<hbm>>) target_semaphore(%arg11 : memref<!tpu.dma_semaphore, #tpu.memory_space<semaphore_mem>>)
      %mul3A_44 = arith.constant 2 : i32
      %mul3A_45 = arith.muli %scan3A_23, %mul3A_44 : i32
      %add3A_46 = arith.constant 1 : i32
      %add3A_47 = arith.addi %mul3A_45, %add3A_46 : i32
      %add3A_48 = arith.constant 1 : i32
      %add3A_49 = arith.addi %add3A_47, %add3A_48 : i32
      %lt3A_50 = arith.constant 30 : i32
      %lt3A_51 = arith.cmpi slt, %add3A_49, %lt3A_50 : i32
      %convert_element_type3A_52 = arith.extui %lt3A_51 : i1 to i32
      %cond3A_53 = arith.constant 0 : i32
      %cond3A_54 = arith.cmpi ne, %convert_element_type3A_52, %cond3A_53 : i32
      scf.if %cond3A_54 {
        %ge3A = arith.constant 1 : i32
        %ge3A_67 = arith.cmpi sge, %add3A_47, %ge3A : i32
        %convert_element_type3A_68 = arith.extui %ge3A_67 : i1 to i32
        %cond3A_69 = arith.constant 0 : i32
        %cond3A_70 = arith.cmpi ne, %convert_element_type3A_68, %cond3A_69 : i32
        scf.if %cond3A_70 {
          %dma_wait3A_81 = arith.constant 0 : i32
          %dma_wait3A_82 = arith.constant 0 : i32
          %dma_wait3A_83 = tpu.memref_slice %arg4[%dma_wait3A_81, %dma_wait3A_82] : memref<192000x128xf32, #tpu.memory_space<hbm>> -> memref<200x128xf32, #tpu.memory_space<hbm>>
          %dma_wait3A_84 = arith.constant 0 : i32
          %dma_wait3A_85 = arith.constant 0 : i32
          %dma_wait3A_86 = tpu.memref_slice %arg4[%dma_wait3A_84, %dma_wait3A_85] : memref<192000x128xf32, #tpu.memory_space<hbm>> -> memref<200x128xf32, #tpu.memory_space<hbm>>
          tpu.wait_dma2 semaphore(%arg11 : memref<!tpu.dma_semaphore, #tpu.memory_space<semaphore_mem>>) src(%arg7 : memref<200x128xf32, #tpu.memory_space<vmem>>) dst(%dma_wait3A_86 : memref<200x128xf32, #tpu.memory_space<hbm>>)
        } else {
        }
        %add3A_71 = arith.constant 1 : i32
        %add3A_72 = arith.addi %add3A_47, %add3A_71 : i32
        %mul3A_73 = arith.constant 32 : i32
        %mul3A_74 = arith.muli %mul3A_73, %add3A_72 : i32
        %add3A_75 = arith.addi %add3A, %mul3A_74 : i32
        %mul3A_76 = arith.constant 200 : i32
        %mul3A_77 = arith.muli %add3A_75, %mul3A_76 : i32
        "tpu.region"() ({
          %run_scoped3A = tpu.sem_alloc : memref<!tpu.dma_semaphore, #tpu.memory_space<semaphore_mem>>
          %dma_start3A_81 = tpu.memref_slice %arg3[%mul3A_77] : memref<192000xi32, #tpu.memory_space<hbm>> -> memref<200xi32, #tpu.memory_space<hbm>>
          %dma_start3A_82 = tpu.memref_slice %arg3[%mul3A_77] : memref<192000xi32, #tpu.memory_space<hbm>> -> memref<200xi32, #tpu.memory_space<hbm>>
          tpu.enqueue_dma source(%dma_start3A_82 : memref<200xi32, #tpu.memory_space<hbm>>) target(%arg5 : memref<200xi32, #tpu.memory_space<vmem>>) target_semaphore(%run_scoped3A : memref<!tpu.dma_semaphore, #tpu.memory_space<semaphore_mem>>)
          %dma_wait3A_83 = tpu.memref_slice %arg3[%mul3A_77] : memref<192000xi32, #tpu.memory_space<hbm>> -> memref<200xi32, #tpu.memory_space<hbm>>
          %dma_wait3A_84 = tpu.memref_slice %arg3[%mul3A_77] : memref<192000xi32, #tpu.memory_space<hbm>> -> memref<200xi32, #tpu.memory_space<hbm>>
          tpu.wait_dma2 semaphore(%run_scoped3A : memref<!tpu.dma_semaphore, #tpu.memory_space<semaphore_mem>>) src(%dma_wait3A_84 : memref<200xi32, #tpu.memory_space<hbm>>) dst(%arg5 : memref<200xi32, #tpu.memory_space<vmem>>)
          tpu.yield
        }) : () -> ()
        %dma_start3A_78 = arith.constant 0 : i32
        %dma_start3A_79 = arith.constant 0 : i32
        %dma_start3A_80 = tpu.memref_slice %arg2[%dma_start3A_78, %dma_start3A_79] : memref<40000x128xf32, #tpu.memory_space<hbm>> -> memref<40000x128xf32, #tpu.memory_space<hbm>>
        tpu.enqueue_indirect_dma source(%dma_start3A_80 : memref<40000x128xf32, #tpu.memory_space<hbm>>) target(%arg7 : memref<200x128xf32, #tpu.memory_space<vmem>>) offsets(%arg5 : memref<200xi32, #tpu.memory_space<vmem>>) semaphore(%arg9 : memref<!tpu.dma_semaphore, #tpu.memory_space<semaphore_mem>>)
      } else {
      }
      %dma_wait3A_55 = arith.constant 0 : i32
      %dma_wait3A_56 = arith.constant 0 : i32
      %dma_wait3A_57 = tpu.memref_slice %arg2[%dma_wait3A_55, %dma_wait3A_56] : memref<40000x128xf32, #tpu.memory_space<hbm>> -> memref<40000x128xf32, #tpu.memory_space<hbm>>
      tpu.wait_indirect_dma semaphore(%arg10 : memref<!tpu.dma_semaphore, #tpu.memory_space<semaphore_mem>>) src(%dma_wait3A_57 : memref<40000x128xf32, #tpu.memory_space<hbm>>) dst(%arg8 : memref<200x128xf32, #tpu.memory_space<vmem>>)
      %mul3A_58 = arith.constant 32 : i32
      %mul3A_59 = arith.muli %mul3A_58, %add3A_47 : i32
      %add3A_60 = arith.addi %add3A, %mul3A_59 : i32
      %mul3A_61 = arith.constant 200 : i32
      %mul3A_62 = arith.muli %add3A_60, %mul3A_61 : i32
      %dma_start3A_63 = arith.constant 0 : i32
      %dma_start3A_64 = tpu.memref_slice %arg4[%mul3A_62, %dma_start3A_63] : memref<192000x128xf32, #tpu.memory_space<hbm>> -> memref<200x128xf32, #tpu.memory_space<hbm>>
      %dma_start3A_65 = arith.constant 0 : i32
      %dma_start3A_66 = tpu.memref_slice %arg4[%mul3A_62, %dma_start3A_65] : memref<192000x128xf32, #tpu.memory_space<hbm>> -> memref<200x128xf32, #tpu.memory_space<hbm>>
      tpu.enqueue_dma source(%arg8 : memref<200x128xf32, #tpu.memory_space<vmem>>) target(%dma_start3A_66 : memref<200x128xf32, #tpu.memory_space<hbm>>) target_semaphore(%arg12 : memref<!tpu.dma_semaphore, #tpu.memory_space<semaphore_mem>>)
    }
    %scan3A_11 = arith.constant 15 : i32
    %dma_wait3A = arith.constant 0 : i32
    %dma_wait3A_12 = arith.constant 0 : i32
    %dma_wait3A_13 = tpu.memref_slice %arg4[%dma_wait3A, %dma_wait3A_12] : memref<192000x128xf32, #tpu.memory_space<hbm>> -> memref<200x128xf32, #tpu.memory_space<hbm>>
    %dma_wait3A_14 = arith.constant 0 : i32
    %dma_wait3A_15 = arith.constant 0 : i32
    %dma_wait3A_16 = tpu.memref_slice %arg4[%dma_wait3A_14, %dma_wait3A_15] : memref<192000x128xf32, #tpu.memory_space<hbm>> -> memref<200x128xf32, #tpu.memory_space<hbm>>
    tpu.wait_dma2 semaphore(%arg12 : memref<!tpu.dma_semaphore, #tpu.memory_space<semaphore_mem>>) src(%arg8 : memref<200x128xf32, #tpu.memory_space<vmem>>) dst(%dma_wait3A_16 : memref<200x128xf32, #tpu.memory_space<hbm>>)
    %dma_wait3A_17 = arith.constant 0 : i32
    %dma_wait3A_18 = arith.constant 0 : i32
    %dma_wait3A_19 = tpu.memref_slice %arg4[%dma_wait3A_17, %dma_wait3A_18] : memref<192000x128xf32, #tpu.memory_space<hbm>> -> memref<200x128xf32, #tpu.memory_space<hbm>>
    %dma_wait3A_20 = arith.constant 0 : i32
    %dma_wait3A_21 = arith.constant 0 : i32
    %dma_wait3A_22 = tpu.memref_slice %arg4[%dma_wait3A_20, %dma_wait3A_21] : memref<192000x128xf32, #tpu.memory_space<hbm>> -> memref<200x128xf32, #tpu.memory_space<hbm>>
    tpu.wait_dma2 semaphore(%arg11 : memref<!tpu.dma_semaphore, #tpu.memory_space<semaphore_mem>>) src(%arg7 : memref<200x128xf32, #tpu.memory_space<vmem>>) dst(%dma_wait3A_22 : memref<200x128xf32, #tpu.memory_space<hbm>>)
    return
  }
}

#map = affine_map<(d0, d1) -> (0, 0)>
#map1 = affine_map<(d0, d1) -> (0)>
module attributes {stable_mosaic.version = 14 : i64} {
  func.func @_sc_gather_body(%arg0: i32, %arg1: i32, %arg2: memref<40000x128xf32, #tpu.memory_space<hbm>>, %arg3: memref<192000xi32, #tpu.memory_space<hbm>>, %arg4: memref<192000x128xf32, #tpu.memory_space<hbm>>, %arg5: memref<200xi32, #tpu.memory_space<vmem>>, %arg6: memref<200xi32, #tpu.memory_space<vmem>>, %arg7: memref<200x128xf32, #tpu.memory_space<vmem>>, %arg8: memref<200x128xf32, #tpu.memory_space<vmem>>, %arg9: memref<!tpu.dma_semaphore, #tpu.memory_space<semaphore_mem>>, %arg10: memref<!tpu.dma_semaphore, #tpu.memory_space<semaphore_mem>>, %arg11: memref<!tpu.dma_semaphore, #tpu.memory_space<semaphore_mem>>, %arg12: memref<!tpu.dma_semaphore, #tpu.memory_space<semaphore_mem>>) attributes {dimension_semantics = [#tpu.dimension_semantics<core_parallel>, #tpu.dimension_semantics<subcore_parallel>], iteration_bounds = array<i64: 2, 16>, scalar_prefetch = 0 : i64, scratch_operands = 8 : i64, tpu.core_type = #tpu.core_type<sc_vector_subcore>, window_params = [{transform_indices = #map}, {transform_indices = #map1}, {transform_indices = #map}]} {
    %mul3A = arith.constant 2 : i32
    %mul3A_0 = arith.muli %arg1, %mul3A : i32
    %add3A = arith.addi %mul3A_0, %arg0 : i32
    %add3A_1 = arith.constant 0 : i32
    %add3A_2 = arith.addi %add3A, %add3A_1 : i32
    %mul3A_3 = arith.constant 200 : i32
    %mul3A_4 = arith.muli %add3A_2, %mul3A_3 : i32
    "tpu.region"() ({
      %run_scoped3A = tpu.sem_alloc : memref<!tpu.dma_semaphore, #tpu.memory_space<semaphore_mem>>
      %dma_start3A_23 = tpu.memref_slice %arg3[%mul3A_4] : memref<192000xi32, #tpu.memory_space<hbm>> -> memref<200xi32, #tpu.memory_space<hbm>>
      %dma_start3A_24 = tpu.memref_slice %arg3[%mul3A_4] : memref<192000xi32, #tpu.memory_space<hbm>> -> memref<200xi32, #tpu.memory_space<hbm>>
      tpu.enqueue_dma source(%dma_start3A_24 : memref<200xi32, #tpu.memory_space<hbm>>) target(%arg5 : memref<200xi32, #tpu.memory_space<vmem>>) target_semaphore(%run_scoped3A : memref<!tpu.dma_semaphore, #tpu.memory_space<semaphore_mem>>)
      %dma_wait3A_25 = tpu.memref_slice %arg3[%mul3A_4] : memref<192000xi32, #tpu.memory_space<hbm>> -> memref<200xi32, #tpu.memory_space<hbm>>
      %dma_wait3A_26 = tpu.memref_slice %arg3[%mul3A_4] : memref<192000xi32, #tpu.memory_space<hbm>> -> memref<200xi32, #tpu.memory_space<hbm>>
      tpu.wait_dma2 semaphore(%run_scoped3A : memref<!tpu.dma_semaphore, #tpu.memory_space<semaphore_mem>>) src(%dma_wait3A_26 : memref<200xi32, #tpu.memory_space<hbm>>) dst(%arg5 : memref<200xi32, #tpu.memory_space<vmem>>)
      tpu.yield
    }) : () -> ()
    %dma_start3A = arith.constant 0 : i32
    %dma_start3A_5 = arith.constant 0 : i32
    %dma_start3A_6 = tpu.memref_slice %arg2[%dma_start3A, %dma_start3A_5] : memref<40000x128xf32, #tpu.memory_space<hbm>> -> memref<40000x128xf32, #tpu.memory_space<hbm>>
    tpu.enqueue_indirect_dma source(%dma_start3A_6 : memref<40000x128xf32, #tpu.memory_space<hbm>>) target(%arg7 : memref<200x128xf32, #tpu.memory_space<vmem>>) offsets(%arg5 : memref<200xi32, #tpu.memory_space<vmem>>) semaphore(%arg9 : memref<!tpu.dma_semaphore, #tpu.memory_space<semaphore_mem>>)
    %scan3A = arith.constant 0 : i32
    %scan3A_7 = arith.constant 0 : i32
    %scan3A_8 = arith.constant 15 : i32
    %scan3A_9 = arith.addi %scan3A_7, %scan3A_8 : i32
    %scan3A_10 = arith.constant 1 : i32
    scf.for %scan3A_23 = %scan3A_7 to %scan3A_9 step %scan3A_10  : i32 {
      %mul3A_24 = arith.constant 2 : i32
      %mul3A_25 = arith.muli %scan3A_23, %mul3A_24 : i32
      %add3A_26 = arith.constant 0 : i32
      %add3A_27 = arith.addi %mul3A_25, %add3A_26 : i32
      %add3A_28 = arith.constant 1 : i32
      %add3A_29 = arith.addi %add3A_27, %add3A_28 : i32
      %lt3A = arith.constant 30 : i32
      %lt3A_30 = arith.cmpi slt, %add3A_29, %lt3A : i32
      %convert_element_type3A = arith.extui %lt3A_30 : i1 to i32
      %cond3A = arith.constant 0 : i32
      %cond3A_31 = arith.cmpi ne, %convert_element_type3A, %cond3A : i32
      scf.if %cond3A_31 {
        %ge3A = arith.constant 1 : i32
        %ge3A_67 = arith.cmpi sge, %add3A_27, %ge3A : i32
        %convert_element_type3A_68 = arith.extui %ge3A_67 : i1 to i32
        %cond3A_69 = arith.constant 0 : i32
        %cond3A_70 = arith.cmpi ne, %convert_element_type3A_68, %cond3A_69 : i32
        scf.if %cond3A_70 {
          %dma_wait3A_81 = arith.constant 0 : i32
          %dma_wait3A_82 = arith.constant 0 : i32
          %dma_wait3A_83 = tpu.memref_slice %arg4[%dma_wait3A_81, %dma_wait3A_82] : memref<192000x128xf32, #tpu.memory_space<hbm>> -> memref<200x128xf32, #tpu.memory_space<hbm>>
          %dma_wait3A_84 = arith.constant 0 : i32
          %dma_wait3A_85 = arith.constant 0 : i32
          %dma_wait3A_86 = tpu.memref_slice %arg4[%dma_wait3A_84, %dma_wait3A_85] : memref<192000x128xf32, #tpu.memory_space<hbm>> -> memref<200x128xf32, #tpu.memory_space<hbm>>
          tpu.wait_dma2 semaphore(%arg12 : memref<!tpu.dma_semaphore, #tpu.memory_space<semaphore_mem>>) src(%arg8 : memref<200x128xf32, #tpu.memory_space<vmem>>) dst(%dma_wait3A_86 : memref<200x128xf32, #tpu.memory_space<hbm>>)
        } else {
        }
        %add3A_71 = arith.constant 1 : i32
        %add3A_72 = arith.addi %add3A_27, %add3A_71 : i32
        %mul3A_73 = arith.constant 32 : i32
        %mul3A_74 = arith.muli %mul3A_73, %add3A_72 : i32
        %add3A_75 = arith.addi %add3A, %mul3A_74 : i32
        %mul3A_76 = arith.constant 200 : i32
        %mul3A_77 = arith.muli %add3A_75, %mul3A_76 : i32
        "tpu.region"() ({
          %run_scoped3A = tpu.sem_alloc : memref<!tpu.dma_semaphore, #tpu.memory_space<semaphore_mem>>
          %dma_start3A_81 = tpu.memref_slice %arg3[%mul3A_77] : memref<192000xi32, #tpu.memory_space<hbm>> -> memref<200xi32, #tpu.memory_space<hbm>>
          %dma_start3A_82 = tpu.memref_slice %arg3[%mul3A_77] : memref<192000xi32, #tpu.memory_space<hbm>> -> memref<200xi32, #tpu.memory_space<hbm>>
          tpu.enqueue_dma source(%dma_start3A_82 : memref<200xi32, #tpu.memory_space<hbm>>) target(%arg6 : memref<200xi32, #tpu.memory_space<vmem>>) target_semaphore(%run_scoped3A : memref<!tpu.dma_semaphore, #tpu.memory_space<semaphore_mem>>)
          %dma_wait3A_83 = tpu.memref_slice %arg3[%mul3A_77] : memref<192000xi32, #tpu.memory_space<hbm>> -> memref<200xi32, #tpu.memory_space<hbm>>
          %dma_wait3A_84 = tpu.memref_slice %arg3[%mul3A_77] : memref<192000xi32, #tpu.memory_space<hbm>> -> memref<200xi32, #tpu.memory_space<hbm>>
          tpu.wait_dma2 semaphore(%run_scoped3A : memref<!tpu.dma_semaphore, #tpu.memory_space<semaphore_mem>>) src(%dma_wait3A_84 : memref<200xi32, #tpu.memory_space<hbm>>) dst(%arg6 : memref<200xi32, #tpu.memory_space<vmem>>)
          tpu.yield
        }) : () -> ()
        %dma_start3A_78 = arith.constant 0 : i32
        %dma_start3A_79 = arith.constant 0 : i32
        %dma_start3A_80 = tpu.memref_slice %arg2[%dma_start3A_78, %dma_start3A_79] : memref<40000x128xf32, #tpu.memory_space<hbm>> -> memref<40000x128xf32, #tpu.memory_space<hbm>>
        tpu.enqueue_indirect_dma source(%dma_start3A_80 : memref<40000x128xf32, #tpu.memory_space<hbm>>) target(%arg8 : memref<200x128xf32, #tpu.memory_space<vmem>>) offsets(%arg6 : memref<200xi32, #tpu.memory_space<vmem>>) semaphore(%arg10 : memref<!tpu.dma_semaphore, #tpu.memory_space<semaphore_mem>>)
      } else {
      }
      %dma_wait3A_32 = arith.constant 0 : i32
      %dma_wait3A_33 = arith.constant 0 : i32
      %dma_wait3A_34 = tpu.memref_slice %arg2[%dma_wait3A_32, %dma_wait3A_33] : memref<40000x128xf32, #tpu.memory_space<hbm>> -> memref<40000x128xf32, #tpu.memory_space<hbm>>
      tpu.wait_indirect_dma semaphore(%arg9 : memref<!tpu.dma_semaphore, #tpu.memory_space<semaphore_mem>>) src(%dma_wait3A_34 : memref<40000x128xf32, #tpu.memory_space<hbm>>) dst(%arg7 : memref<200x128xf32, #tpu.memory_space<vmem>>)
      %mul3A_35 = arith.constant 32 : i32
      %mul3A_36 = arith.muli %mul3A_35, %add3A_27 : i32
      %add3A_37 = arith.addi %add3A, %mul3A_36 : i32
      %mul3A_38 = arith.constant 200 : i32
      %mul3A_39 = arith.muli %add3A_37, %mul3A_38 : i32
      %dma_start3A_40 = arith.constant 0 : i32
      %dma_start3A_41 = tpu.memref_slice %arg4[%mul3A_39, %dma_start3A_40] : memref<192000x128xf32, #tpu.memory_space<hbm>> -> memref<200x128xf32, #tpu.memory_space<hbm>>
      %dma_start3A_42 = arith.constant 0 : i32
      %dma_start3A_43 = tpu.memref_slice %arg4[%mul3A_39, %dma_start3A_42] : memref<192000x128xf32, #tpu.memory_space<hbm>> -> memref<200x128xf32, #tpu.memory_space<hbm>>
      tpu.enqueue_dma source(%arg7 : memref<200x128xf32, #tpu.memory_space<vmem>>) target(%dma_start3A_43 : memref<200x128xf32, #tpu.memory_space<hbm>>) target_semaphore(%arg11 : memref<!tpu.dma_semaphore, #tpu.memory_space<semaphore_mem>>)
      %mul3A_44 = arith.constant 2 : i32
      %mul3A_45 = arith.muli %scan3A_23, %mul3A_44 : i32
      %add3A_46 = arith.constant 1 : i32
      %add3A_47 = arith.addi %mul3A_45, %add3A_46 : i32
      %add3A_48 = arith.constant 1 : i32
      %add3A_49 = arith.addi %add3A_47, %add3A_48 : i32
      %lt3A_50 = arith.constant 30 : i32
      %lt3A_51 = arith.cmpi slt, %add3A_49, %lt3A_50 : i32
      %convert_element_type3A_52 = arith.extui %lt3A_51 : i1 to i32
      %cond3A_53 = arith.constant 0 : i32
      %cond3A_54 = arith.cmpi ne, %convert_element_type3A_52, %cond3A_53 : i32
      scf.if %cond3A_54 {
        %ge3A = arith.constant 1 : i32
        %ge3A_67 = arith.cmpi sge, %add3A_47, %ge3A : i32
        %convert_element_type3A_68 = arith.extui %ge3A_67 : i1 to i32
        %cond3A_69 = arith.constant 0 : i32
        %cond3A_70 = arith.cmpi ne, %convert_element_type3A_68, %cond3A_69 : i32
        scf.if %cond3A_70 {
          %dma_wait3A_81 = arith.constant 0 : i32
          %dma_wait3A_82 = arith.constant 0 : i32
          %dma_wait3A_83 = tpu.memref_slice %arg4[%dma_wait3A_81, %dma_wait3A_82] : memref<192000x128xf32, #tpu.memory_space<hbm>> -> memref<200x128xf32, #tpu.memory_space<hbm>>
          %dma_wait3A_84 = arith.constant 0 : i32
          %dma_wait3A_85 = arith.constant 0 : i32
          %dma_wait3A_86 = tpu.memref_slice %arg4[%dma_wait3A_84, %dma_wait3A_85] : memref<192000x128xf32, #tpu.memory_space<hbm>> -> memref<200x128xf32, #tpu.memory_space<hbm>>
          tpu.wait_dma2 semaphore(%arg11 : memref<!tpu.dma_semaphore, #tpu.memory_space<semaphore_mem>>) src(%arg7 : memref<200x128xf32, #tpu.memory_space<vmem>>) dst(%dma_wait3A_86 : memref<200x128xf32, #tpu.memory_space<hbm>>)
        } else {
        }
        %add3A_71 = arith.constant 1 : i32
        %add3A_72 = arith.addi %add3A_47, %add3A_71 : i32
        %mul3A_73 = arith.constant 32 : i32
        %mul3A_74 = arith.muli %mul3A_73, %add3A_72 : i32
        %add3A_75 = arith.addi %add3A, %mul3A_74 : i32
        %mul3A_76 = arith.constant 200 : i32
        %mul3A_77 = arith.muli %add3A_75, %mul3A_76 : i32
        "tpu.region"() ({
          %run_scoped3A = tpu.sem_alloc : memref<!tpu.dma_semaphore, #tpu.memory_space<semaphore_mem>>
          %dma_start3A_81 = tpu.memref_slice %arg3[%mul3A_77] : memref<192000xi32, #tpu.memory_space<hbm>> -> memref<200xi32, #tpu.memory_space<hbm>>
          %dma_start3A_82 = tpu.memref_slice %arg3[%mul3A_77] : memref<192000xi32, #tpu.memory_space<hbm>> -> memref<200xi32, #tpu.memory_space<hbm>>
          tpu.enqueue_dma source(%dma_start3A_82 : memref<200xi32, #tpu.memory_space<hbm>>) target(%arg5 : memref<200xi32, #tpu.memory_space<vmem>>) target_semaphore(%run_scoped3A : memref<!tpu.dma_semaphore, #tpu.memory_space<semaphore_mem>>)
          %dma_wait3A_83 = tpu.memref_slice %arg3[%mul3A_77] : memref<192000xi32, #tpu.memory_space<hbm>> -> memref<200xi32, #tpu.memory_space<hbm>>
          %dma_wait3A_84 = tpu.memref_slice %arg3[%mul3A_77] : memref<192000xi32, #tpu.memory_space<hbm>> -> memref<200xi32, #tpu.memory_space<hbm>>
          tpu.wait_dma2 semaphore(%run_scoped3A : memref<!tpu.dma_semaphore, #tpu.memory_space<semaphore_mem>>) src(%dma_wait3A_84 : memref<200xi32, #tpu.memory_space<hbm>>) dst(%arg5 : memref<200xi32, #tpu.memory_space<vmem>>)
          tpu.yield
        }) : () -> ()
        %dma_start3A_78 = arith.constant 0 : i32
        %dma_start3A_79 = arith.constant 0 : i32
        %dma_start3A_80 = tpu.memref_slice %arg2[%dma_start3A_78, %dma_start3A_79] : memref<40000x128xf32, #tpu.memory_space<hbm>> -> memref<40000x128xf32, #tpu.memory_space<hbm>>
        tpu.enqueue_indirect_dma source(%dma_start3A_80 : memref<40000x128xf32, #tpu.memory_space<hbm>>) target(%arg7 : memref<200x128xf32, #tpu.memory_space<vmem>>) offsets(%arg5 : memref<200xi32, #tpu.memory_space<vmem>>) semaphore(%arg9 : memref<!tpu.dma_semaphore, #tpu.memory_space<semaphore_mem>>)
      } else {
      }
      %dma_wait3A_55 = arith.constant 0 : i32
      %dma_wait3A_56 = arith.constant 0 : i32
      %dma_wait3A_57 = tpu.memref_slice %arg2[%dma_wait3A_55, %dma_wait3A_56] : memref<40000x128xf32, #tpu.memory_space<hbm>> -> memref<40000x128xf32, #tpu.memory_space<hbm>>
      tpu.wait_indirect_dma semaphore(%arg10 : memref<!tpu.dma_semaphore, #tpu.memory_space<semaphore_mem>>) src(%dma_wait3A_57 : memref<40000x128xf32, #tpu.memory_space<hbm>>) dst(%arg8 : memref<200x128xf32, #tpu.memory_space<vmem>>)
      %mul3A_58 = arith.constant 32 : i32
      %mul3A_59 = arith.muli %mul3A_58, %add3A_47 : i32
      %add3A_60 = arith.addi %add3A, %mul3A_59 : i32
      %mul3A_61 = arith.constant 200 : i32
      %mul3A_62 = arith.muli %add3A_60, %mul3A_61 : i32
      %dma_start3A_63 = arith.constant 0 : i32
      %dma_start3A_64 = tpu.memref_slice %arg4[%mul3A_62, %dma_start3A_63] : memref<192000x128xf32, #tpu.memory_space<hbm>> -> memref<200x128xf32, #tpu.memory_space<hbm>>
      %dma_start3A_65 = arith.constant 0 : i32
      %dma_start3A_66 = tpu.memref_slice %arg4[%mul3A_62, %dma_start3A_65] : memref<192000x128xf32, #tpu.memory_space<hbm>> -> memref<200x128xf32, #tpu.memory_space<hbm>>
      tpu.enqueue_dma source(%arg8 : memref<200x128xf32, #tpu.memory_space<vmem>>) target(%dma_start3A_66 : memref<200x128xf32, #tpu.memory_space<hbm>>) target_semaphore(%arg12 : memref<!tpu.dma_semaphore, #tpu.memory_space<semaphore_mem>>)
    }
    %scan3A_11 = arith.constant 15 : i32
    %dma_wait3A = arith.constant 0 : i32
    %dma_wait3A_12 = arith.constant 0 : i32
    %dma_wait3A_13 = tpu.memref_slice %arg4[%dma_wait3A, %dma_wait3A_12] : memref<192000x128xf32, #tpu.memory_space<hbm>> -> memref<200x128xf32, #tpu.memory_space<hbm>>
    %dma_wait3A_14 = arith.constant 0 : i32
    %dma_wait3A_15 = arith.constant 0 : i32
    %dma_wait3A_16 = tpu.memref_slice %arg4[%dma_wait3A_14, %dma_wait3A_15] : memref<192000x128xf32, #tpu.memory_space<hbm>> -> memref<200x128xf32, #tpu.memory_space<hbm>>
    tpu.wait_dma2 semaphore(%arg12 : memref<!tpu.dma_semaphore, #tpu.memory_space<semaphore_mem>>) src(%arg8 : memref<200x128xf32, #tpu.memory_space<vmem>>) dst(%dma_wait3A_16 : memref<200x128xf32, #tpu.memory_space<hbm>>)
    %dma_wait3A_17 = arith.constant 0 : i32
    %dma_wait3A_18 = arith.constant 0 : i32
    %dma_wait3A_19 = tpu.memref_slice %arg4[%dma_wait3A_17, %dma_wait3A_18] : memref<192000x128xf32, #tpu.memory_space<hbm>> -> memref<200x128xf32, #tpu.memory_space<hbm>>
    %dma_wait3A_20 = arith.constant 0 : i32
    %dma_wait3A_21 = arith.constant 0 : i32
    %dma_wait3A_22 = tpu.memref_slice %arg4[%dma_wait3A_20, %dma_wait3A_21] : memref<192000x128xf32, #tpu.memory_space<hbm>> -> memref<200x128xf32, #tpu.memory_space<hbm>>
    tpu.wait_dma2 semaphore(%arg11 : memref<!tpu.dma_semaphore, #tpu.memory_space<semaphore_mem>>) src(%arg7 : memref<200x128xf32, #tpu.memory_space<vmem>>) dst(%dma_wait3A_22 : memref<200x128xf32, #tpu.memory_space<hbm>>)
    return
  }
}

#map = affine_map<(d0, d1) -> (0, 0)>
#map1 = affine_map<(d0, d1) -> (0)>
module attributes {stable_mosaic.version = 14 : i64} {
  func.func @_sc_gather_body(%arg0: i32, %arg1: i32, %arg2: memref<40000x128xf32, #tpu.memory_space<hbm>>, %arg3: memref<224000xi32, #tpu.memory_space<hbm>>, %arg4: memref<224000x128xf32, #tpu.memory_space<hbm>>, %arg5: memref<200xi32, #tpu.memory_space<vmem>>, %arg6: memref<200xi32, #tpu.memory_space<vmem>>, %arg7: memref<200x128xf32, #tpu.memory_space<vmem>>, %arg8: memref<200x128xf32, #tpu.memory_space<vmem>>, %arg9: memref<!tpu.dma_semaphore, #tpu.memory_space<semaphore_mem>>, %arg10: memref<!tpu.dma_semaphore, #tpu.memory_space<semaphore_mem>>, %arg11: memref<!tpu.dma_semaphore, #tpu.memory_space<semaphore_mem>>, %arg12: memref<!tpu.dma_semaphore, #tpu.memory_space<semaphore_mem>>) attributes {dimension_semantics = [#tpu.dimension_semantics<core_parallel>, #tpu.dimension_semantics<subcore_parallel>], iteration_bounds = array<i64: 2, 16>, scalar_prefetch = 0 : i64, scratch_operands = 8 : i64, tpu.core_type = #tpu.core_type<sc_vector_subcore>, window_params = [{transform_indices = #map}, {transform_indices = #map1}, {transform_indices = #map}]} {
    %mul3A = arith.constant 2 : i32
    %mul3A_0 = arith.muli %arg1, %mul3A : i32
    %add3A = arith.addi %mul3A_0, %arg0 : i32
    %add3A_1 = arith.constant 0 : i32
    %add3A_2 = arith.addi %add3A, %add3A_1 : i32
    %mul3A_3 = arith.constant 200 : i32
    %mul3A_4 = arith.muli %add3A_2, %mul3A_3 : i32
    "tpu.region"() ({
      %run_scoped3A = tpu.sem_alloc : memref<!tpu.dma_semaphore, #tpu.memory_space<semaphore_mem>>
      %dma_start3A_34 = tpu.memref_slice %arg3[%mul3A_4] : memref<224000xi32, #tpu.memory_space<hbm>> -> memref<200xi32, #tpu.memory_space<hbm>>
      %dma_start3A_35 = tpu.memref_slice %arg3[%mul3A_4] : memref<224000xi32, #tpu.memory_space<hbm>> -> memref<200xi32, #tpu.memory_space<hbm>>
      tpu.enqueue_dma source(%dma_start3A_35 : memref<200xi32, #tpu.memory_space<hbm>>) target(%arg5 : memref<200xi32, #tpu.memory_space<vmem>>) target_semaphore(%run_scoped3A : memref<!tpu.dma_semaphore, #tpu.memory_space<semaphore_mem>>)
      %dma_wait3A_36 = tpu.memref_slice %arg3[%mul3A_4] : memref<224000xi32, #tpu.memory_space<hbm>> -> memref<200xi32, #tpu.memory_space<hbm>>
      %dma_wait3A_37 = tpu.memref_slice %arg3[%mul3A_4] : memref<224000xi32, #tpu.memory_space<hbm>> -> memref<200xi32, #tpu.memory_space<hbm>>
      tpu.wait_dma2 semaphore(%run_scoped3A : memref<!tpu.dma_semaphore, #tpu.memory_space<semaphore_mem>>) src(%dma_wait3A_37 : memref<200xi32, #tpu.memory_space<hbm>>) dst(%arg5 : memref<200xi32, #tpu.memory_space<vmem>>)
      tpu.yield
    }) : () -> ()
    %dma_start3A = arith.constant 0 : i32
    %dma_start3A_5 = arith.constant 0 : i32
    %dma_start3A_6 = tpu.memref_slice %arg2[%dma_start3A, %dma_start3A_5] : memref<40000x128xf32, #tpu.memory_space<hbm>> -> memref<40000x128xf32, #tpu.memory_space<hbm>>
    tpu.enqueue_indirect_dma source(%dma_start3A_6 : memref<40000x128xf32, #tpu.memory_space<hbm>>) target(%arg7 : memref<200x128xf32, #tpu.memory_space<vmem>>) offsets(%arg5 : memref<200xi32, #tpu.memory_space<vmem>>) semaphore(%arg9 : memref<!tpu.dma_semaphore, #tpu.memory_space<semaphore_mem>>)
    %scan3A = arith.constant 0 : i32
    %scan3A_7 = arith.constant 0 : i32
    %scan3A_8 = arith.constant 17 : i32
    %scan3A_9 = arith.addi %scan3A_7, %scan3A_8 : i32
    %scan3A_10 = arith.constant 1 : i32
    scf.for %scan3A_34 = %scan3A_7 to %scan3A_9 step %scan3A_10  : i32 {
      %mul3A_35 = arith.constant 2 : i32
      %mul3A_36 = arith.muli %scan3A_34, %mul3A_35 : i32
      %add3A_37 = arith.constant 0 : i32
      %add3A_38 = arith.addi %mul3A_36, %add3A_37 : i32
      %add3A_39 = arith.constant 1 : i32
      %add3A_40 = arith.addi %add3A_38, %add3A_39 : i32
      %lt3A = arith.constant 35 : i32
      %lt3A_41 = arith.cmpi slt, %add3A_40, %lt3A : i32
      %convert_element_type3A = arith.extui %lt3A_41 : i1 to i32
      %cond3A = arith.constant 0 : i32
      %cond3A_42 = arith.cmpi ne, %convert_element_type3A, %cond3A : i32
      scf.if %cond3A_42 {
        %ge3A = arith.constant 1 : i32
        %ge3A_78 = arith.cmpi sge, %add3A_38, %ge3A : i32
        %convert_element_type3A_79 = arith.extui %ge3A_78 : i1 to i32
        %cond3A_80 = arith.constant 0 : i32
        %cond3A_81 = arith.cmpi ne, %convert_element_type3A_79, %cond3A_80 : i32
        scf.if %cond3A_81 {
          %dma_wait3A_92 = arith.constant 0 : i32
          %dma_wait3A_93 = arith.constant 0 : i32
          %dma_wait3A_94 = tpu.memref_slice %arg4[%dma_wait3A_92, %dma_wait3A_93] : memref<224000x128xf32, #tpu.memory_space<hbm>> -> memref<200x128xf32, #tpu.memory_space<hbm>>
          %dma_wait3A_95 = arith.constant 0 : i32
          %dma_wait3A_96 = arith.constant 0 : i32
          %dma_wait3A_97 = tpu.memref_slice %arg4[%dma_wait3A_95, %dma_wait3A_96] : memref<224000x128xf32, #tpu.memory_space<hbm>> -> memref<200x128xf32, #tpu.memory_space<hbm>>
          tpu.wait_dma2 semaphore(%arg12 : memref<!tpu.dma_semaphore, #tpu.memory_space<semaphore_mem>>) src(%arg8 : memref<200x128xf32, #tpu.memory_space<vmem>>) dst(%dma_wait3A_97 : memref<200x128xf32, #tpu.memory_space<hbm>>)
        } else {
        }
        %add3A_82 = arith.constant 1 : i32
        %add3A_83 = arith.addi %add3A_38, %add3A_82 : i32
        %mul3A_84 = arith.constant 32 : i32
        %mul3A_85 = arith.muli %mul3A_84, %add3A_83 : i32
        %add3A_86 = arith.addi %add3A, %mul3A_85 : i32
        %mul3A_87 = arith.constant 200 : i32
        %mul3A_88 = arith.muli %add3A_86, %mul3A_87 : i32
        "tpu.region"() ({
          %run_scoped3A = tpu.sem_alloc : memref<!tpu.dma_semaphore, #tpu.memory_space<semaphore_mem>>
          %dma_start3A_92 = tpu.memref_slice %arg3[%mul3A_88] : memref<224000xi32, #tpu.memory_space<hbm>> -> memref<200xi32, #tpu.memory_space<hbm>>
          %dma_start3A_93 = tpu.memref_slice %arg3[%mul3A_88] : memref<224000xi32, #tpu.memory_space<hbm>> -> memref<200xi32, #tpu.memory_space<hbm>>
          tpu.enqueue_dma source(%dma_start3A_93 : memref<200xi32, #tpu.memory_space<hbm>>) target(%arg6 : memref<200xi32, #tpu.memory_space<vmem>>) target_semaphore(%run_scoped3A : memref<!tpu.dma_semaphore, #tpu.memory_space<semaphore_mem>>)
          %dma_wait3A_94 = tpu.memref_slice %arg3[%mul3A_88] : memref<224000xi32, #tpu.memory_space<hbm>> -> memref<200xi32, #tpu.memory_space<hbm>>
          %dma_wait3A_95 = tpu.memref_slice %arg3[%mul3A_88] : memref<224000xi32, #tpu.memory_space<hbm>> -> memref<200xi32, #tpu.memory_space<hbm>>
          tpu.wait_dma2 semaphore(%run_scoped3A : memref<!tpu.dma_semaphore, #tpu.memory_space<semaphore_mem>>) src(%dma_wait3A_95 : memref<200xi32, #tpu.memory_space<hbm>>) dst(%arg6 : memref<200xi32, #tpu.memory_space<vmem>>)
          tpu.yield
        }) : () -> ()
        %dma_start3A_89 = arith.constant 0 : i32
        %dma_start3A_90 = arith.constant 0 : i32
        %dma_start3A_91 = tpu.memref_slice %arg2[%dma_start3A_89, %dma_start3A_90] : memref<40000x128xf32, #tpu.memory_space<hbm>> -> memref<40000x128xf32, #tpu.memory_space<hbm>>
        tpu.enqueue_indirect_dma source(%dma_start3A_91 : memref<40000x128xf32, #tpu.memory_space<hbm>>) target(%arg8 : memref<200x128xf32, #tpu.memory_space<vmem>>) offsets(%arg6 : memref<200xi32, #tpu.memory_space<vmem>>) semaphore(%arg10 : memref<!tpu.dma_semaphore, #tpu.memory_space<semaphore_mem>>)
      } else {
      }
      %dma_wait3A_43 = arith.constant 0 : i32
      %dma_wait3A_44 = arith.constant 0 : i32
      %dma_wait3A_45 = tpu.memref_slice %arg2[%dma_wait3A_43, %dma_wait3A_44] : memref<40000x128xf32, #tpu.memory_space<hbm>> -> memref<40000x128xf32, #tpu.memory_space<hbm>>
      tpu.wait_indirect_dma semaphore(%arg9 : memref<!tpu.dma_semaphore, #tpu.memory_space<semaphore_mem>>) src(%dma_wait3A_45 : memref<40000x128xf32, #tpu.memory_space<hbm>>) dst(%arg7 : memref<200x128xf32, #tpu.memory_space<vmem>>)
      %mul3A_46 = arith.constant 32 : i32
      %mul3A_47 = arith.muli %mul3A_46, %add3A_38 : i32
      %add3A_48 = arith.addi %add3A, %mul3A_47 : i32
      %mul3A_49 = arith.constant 200 : i32
      %mul3A_50 = arith.muli %add3A_48, %mul3A_49 : i32
      %dma_start3A_51 = arith.constant 0 : i32
      %dma_start3A_52 = tpu.memref_slice %arg4[%mul3A_50, %dma_start3A_51] : memref<224000x128xf32, #tpu.memory_space<hbm>> -> memref<200x128xf32, #tpu.memory_space<hbm>>
      %dma_start3A_53 = arith.constant 0 : i32
      %dma_start3A_54 = tpu.memref_slice %arg4[%mul3A_50, %dma_start3A_53] : memref<224000x128xf32, #tpu.memory_space<hbm>> -> memref<200x128xf32, #tpu.memory_space<hbm>>
      tpu.enqueue_dma source(%arg7 : memref<200x128xf32, #tpu.memory_space<vmem>>) target(%dma_start3A_54 : memref<200x128xf32, #tpu.memory_space<hbm>>) target_semaphore(%arg11 : memref<!tpu.dma_semaphore, #tpu.memory_space<semaphore_mem>>)
      %mul3A_55 = arith.constant 2 : i32
      %mul3A_56 = arith.muli %scan3A_34, %mul3A_55 : i32
      %add3A_57 = arith.constant 1 : i32
      %add3A_58 = arith.addi %mul3A_56, %add3A_57 : i32
      %add3A_59 = arith.constant 1 : i32
      %add3A_60 = arith.addi %add3A_58, %add3A_59 : i32
      %lt3A_61 = arith.constant 35 : i32
      %lt3A_62 = arith.cmpi slt, %add3A_60, %lt3A_61 : i32
      %convert_element_type3A_63 = arith.extui %lt3A_62 : i1 to i32
      %cond3A_64 = arith.constant 0 : i32
      %cond3A_65 = arith.cmpi ne, %convert_element_type3A_63, %cond3A_64 : i32
      scf.if %cond3A_65 {
        %ge3A = arith.constant 1 : i32
        %ge3A_78 = arith.cmpi sge, %add3A_58, %ge3A : i32
        %convert_element_type3A_79 = arith.extui %ge3A_78 : i1 to i32
        %cond3A_80 = arith.constant 0 : i32
        %cond3A_81 = arith.cmpi ne, %convert_element_type3A_79, %cond3A_80 : i32
        scf.if %cond3A_81 {
          %dma_wait3A_92 = arith.constant 0 : i32
          %dma_wait3A_93 = arith.constant 0 : i32
          %dma_wait3A_94 = tpu.memref_slice %arg4[%dma_wait3A_92, %dma_wait3A_93] : memref<224000x128xf32, #tpu.memory_space<hbm>> -> memref<200x128xf32, #tpu.memory_space<hbm>>
          %dma_wait3A_95 = arith.constant 0 : i32
          %dma_wait3A_96 = arith.constant 0 : i32
          %dma_wait3A_97 = tpu.memref_slice %arg4[%dma_wait3A_95, %dma_wait3A_96] : memref<224000x128xf32, #tpu.memory_space<hbm>> -> memref<200x128xf32, #tpu.memory_space<hbm>>
          tpu.wait_dma2 semaphore(%arg11 : memref<!tpu.dma_semaphore, #tpu.memory_space<semaphore_mem>>) src(%arg7 : memref<200x128xf32, #tpu.memory_space<vmem>>) dst(%dma_wait3A_97 : memref<200x128xf32, #tpu.memory_space<hbm>>)
        } else {
        }
        %add3A_82 = arith.constant 1 : i32
        %add3A_83 = arith.addi %add3A_58, %add3A_82 : i32
        %mul3A_84 = arith.constant 32 : i32
        %mul3A_85 = arith.muli %mul3A_84, %add3A_83 : i32
        %add3A_86 = arith.addi %add3A, %mul3A_85 : i32
        %mul3A_87 = arith.constant 200 : i32
        %mul3A_88 = arith.muli %add3A_86, %mul3A_87 : i32
        "tpu.region"() ({
          %run_scoped3A = tpu.sem_alloc : memref<!tpu.dma_semaphore, #tpu.memory_space<semaphore_mem>>
          %dma_start3A_92 = tpu.memref_slice %arg3[%mul3A_88] : memref<224000xi32, #tpu.memory_space<hbm>> -> memref<200xi32, #tpu.memory_space<hbm>>
          %dma_start3A_93 = tpu.memref_slice %arg3[%mul3A_88] : memref<224000xi32, #tpu.memory_space<hbm>> -> memref<200xi32, #tpu.memory_space<hbm>>
          tpu.enqueue_dma source(%dma_start3A_93 : memref<200xi32, #tpu.memory_space<hbm>>) target(%arg5 : memref<200xi32, #tpu.memory_space<vmem>>) target_semaphore(%run_scoped3A : memref<!tpu.dma_semaphore, #tpu.memory_space<semaphore_mem>>)
          %dma_wait3A_94 = tpu.memref_slice %arg3[%mul3A_88] : memref<224000xi32, #tpu.memory_space<hbm>> -> memref<200xi32, #tpu.memory_space<hbm>>
          %dma_wait3A_95 = tpu.memref_slice %arg3[%mul3A_88] : memref<224000xi32, #tpu.memory_space<hbm>> -> memref<200xi32, #tpu.memory_space<hbm>>
          tpu.wait_dma2 semaphore(%run_scoped3A : memref<!tpu.dma_semaphore, #tpu.memory_space<semaphore_mem>>) src(%dma_wait3A_95 : memref<200xi32, #tpu.memory_space<hbm>>) dst(%arg5 : memref<200xi32, #tpu.memory_space<vmem>>)
          tpu.yield
        }) : () -> ()
        %dma_start3A_89 = arith.constant 0 : i32
        %dma_start3A_90 = arith.constant 0 : i32
        %dma_start3A_91 = tpu.memref_slice %arg2[%dma_start3A_89, %dma_start3A_90] : memref<40000x128xf32, #tpu.memory_space<hbm>> -> memref<40000x128xf32, #tpu.memory_space<hbm>>
        tpu.enqueue_indirect_dma source(%dma_start3A_91 : memref<40000x128xf32, #tpu.memory_space<hbm>>) target(%arg7 : memref<200x128xf32, #tpu.memory_space<vmem>>) offsets(%arg5 : memref<200xi32, #tpu.memory_space<vmem>>) semaphore(%arg9 : memref<!tpu.dma_semaphore, #tpu.memory_space<semaphore_mem>>)
      } else {
      }
      %dma_wait3A_66 = arith.constant 0 : i32
      %dma_wait3A_67 = arith.constant 0 : i32
      %dma_wait3A_68 = tpu.memref_slice %arg2[%dma_wait3A_66, %dma_wait3A_67] : memref<40000x128xf32, #tpu.memory_space<hbm>> -> memref<40000x128xf32, #tpu.memory_space<hbm>>
      tpu.wait_indirect_dma semaphore(%arg10 : memref<!tpu.dma_semaphore, #tpu.memory_space<semaphore_mem>>) src(%dma_wait3A_68 : memref<40000x128xf32, #tpu.memory_space<hbm>>) dst(%arg8 : memref<200x128xf32, #tpu.memory_space<vmem>>)
      %mul3A_69 = arith.constant 32 : i32
      %mul3A_70 = arith.muli %mul3A_69, %add3A_58 : i32
      %add3A_71 = arith.addi %add3A, %mul3A_70 : i32
      %mul3A_72 = arith.constant 200 : i32
      %mul3A_73 = arith.muli %add3A_71, %mul3A_72 : i32
      %dma_start3A_74 = arith.constant 0 : i32
      %dma_start3A_75 = tpu.memref_slice %arg4[%mul3A_73, %dma_start3A_74] : memref<224000x128xf32, #tpu.memory_space<hbm>> -> memref<200x128xf32, #tpu.memory_space<hbm>>
      %dma_start3A_76 = arith.constant 0 : i32
      %dma_start3A_77 = tpu.memref_slice %arg4[%mul3A_73, %dma_start3A_76] : memref<224000x128xf32, #tpu.memory_space<hbm>> -> memref<200x128xf32, #tpu.memory_space<hbm>>
      tpu.enqueue_dma source(%arg8 : memref<200x128xf32, #tpu.memory_space<vmem>>) target(%dma_start3A_77 : memref<200x128xf32, #tpu.memory_space<hbm>>) target_semaphore(%arg12 : memref<!tpu.dma_semaphore, #tpu.memory_space<semaphore_mem>>)
    }
    %scan3A_11 = arith.constant 17 : i32
    %dma_wait3A = arith.constant 0 : i32
    %dma_wait3A_12 = arith.constant 0 : i32
    %dma_wait3A_13 = tpu.memref_slice %arg2[%dma_wait3A, %dma_wait3A_12] : memref<40000x128xf32, #tpu.memory_space<hbm>> -> memref<40000x128xf32, #tpu.memory_space<hbm>>
    tpu.wait_indirect_dma semaphore(%arg9 : memref<!tpu.dma_semaphore, #tpu.memory_space<semaphore_mem>>) src(%dma_wait3A_13 : memref<40000x128xf32, #tpu.memory_space<hbm>>) dst(%arg7 : memref<200x128xf32, #tpu.memory_space<vmem>>)
    %add3A_14 = arith.constant 1088 : i32
    %add3A_15 = arith.addi %add3A, %add3A_14 : i32
    %mul3A_16 = arith.constant 200 : i32
    %mul3A_17 = arith.muli %add3A_15, %mul3A_16 : i32
    %dma_start3A_18 = arith.constant 0 : i32
    %dma_start3A_19 = tpu.memref_slice %arg4[%mul3A_17, %dma_start3A_18] : memref<224000x128xf32, #tpu.memory_space<hbm>> -> memref<200x128xf32, #tpu.memory_space<hbm>>
    %dma_start3A_20 = arith.constant 0 : i32
    %dma_start3A_21 = tpu.memref_slice %arg4[%mul3A_17, %dma_start3A_20] : memref<224000x128xf32, #tpu.memory_space<hbm>> -> memref<200x128xf32, #tpu.memory_space<hbm>>
    tpu.enqueue_dma source(%arg7 : memref<200x128xf32, #tpu.memory_space<vmem>>) target(%dma_start3A_21 : memref<200x128xf32, #tpu.memory_space<hbm>>) target_semaphore(%arg11 : memref<!tpu.dma_semaphore, #tpu.memory_space<semaphore_mem>>)
    %dma_wait3A_22 = arith.constant 0 : i32
    %dma_wait3A_23 = arith.constant 0 : i32
    %dma_wait3A_24 = tpu.memref_slice %arg4[%dma_wait3A_22, %dma_wait3A_23] : memref<224000x128xf32, #tpu.memory_space<hbm>> -> memref<200x128xf32, #tpu.memory_space<hbm>>
    %dma_wait3A_25 = arith.constant 0 : i32
    %dma_wait3A_26 = arith.constant 0 : i32
    %dma_wait3A_27 = tpu.memref_slice %arg4[%dma_wait3A_25, %dma_wait3A_26] : memref<224000x128xf32, #tpu.memory_space<hbm>> -> memref<200x128xf32, #tpu.memory_space<hbm>>
    tpu.wait_dma2 semaphore(%arg12 : memref<!tpu.dma_semaphore, #tpu.memory_space<semaphore_mem>>) src(%arg8 : memref<200x128xf32, #tpu.memory_space<vmem>>) dst(%dma_wait3A_27 : memref<200x128xf32, #tpu.memory_space<hbm>>)
    %dma_wait3A_28 = arith.constant 0 : i32
    %dma_wait3A_29 = arith.constant 0 : i32
    %dma_wait3A_30 = tpu.memref_slice %arg4[%dma_wait3A_28, %dma_wait3A_29] : memref<224000x128xf32, #tpu.memory_space<hbm>> -> memref<200x128xf32, #tpu.memory_space<hbm>>
    %dma_wait3A_31 = arith.constant 0 : i32
    %dma_wait3A_32 = arith.constant 0 : i32
    %dma_wait3A_33 = tpu.memref_slice %arg4[%dma_wait3A_31, %dma_wait3A_32] : memref<224000x128xf32, #tpu.memory_space<hbm>> -> memref<200x128xf32, #tpu.memory_space<hbm>>
    tpu.wait_dma2 semaphore(%arg11 : memref<!tpu.dma_semaphore, #tpu.memory_space<semaphore_mem>>) src(%arg7 : memref<200x128xf32, #tpu.memory_space<vmem>>) dst(%dma_wait3A_33 : memref<200x128xf32, #tpu.memory_space<hbm>>)
    return
  }
}

module attributes {stable_mosaic.version = 14 : i64} {
  func.func @_tc_body(%arg0: i32, %arg1: memref<4000x128xf32, #tpu.memory_space<vmem>>, %arg2: memref<20x512xf32, #tpu.memory_space<vmem>>, %arg3: memref<128x512xf32, #tpu.memory_space<vmem>>, %arg4: memref<200x128xf32, #tpu.memory_space<vmem>>, %arg5: memref<512x64xf32, #tpu.memory_space<vmem>>, %arg6: memref<1x64xf32, #tpu.memory_space<vmem>>, %arg7: memref<200x64xf32, #tpu.memory_space<vmem>>) attributes {dimension_semantics = [#tpu.dimension_semantics<arbitrary>], iteration_bounds = array<i64: 48>, scalar_prefetch = 0 : i64, scratch_operands = 0 : i64, tpu.core_type = #tpu.core_type<tc>, window_params = [{transform_indices = @transform_0, window_bounds = array<i64: 4000, 128>}, {pipeline_mode = #tpu.pipeline_mode<synchronous>, transform_indices = @transform_1, window_bounds = array<i64: 20, 512>}, {pipeline_mode = #tpu.pipeline_mode<synchronous>, transform_indices = @transform_2, window_bounds = array<i64: 128, 512>}, {transform_indices = @transform_3, window_bounds = array<i64: 200, 128>}, {pipeline_mode = #tpu.pipeline_mode<synchronous>, transform_indices = @transform_4, window_bounds = array<i64: 512, 64>}, {pipeline_mode = #tpu.pipeline_mode<synchronous>, transform_indices = @transform_5, window_bounds = array<i64: 1, 64>}, {transform_indices = @transform_6, window_bounds = array<i64: 200, 64>}]} {
    %get3A = arith.constant 0 : index
    %get3A_0 = arith.constant 0 : index
    %get3A_1 = vector.load %arg3[%get3A, %get3A_0] : memref<128x512xf32, #tpu.memory_space<vmem>>, vector<128x512xf32>
    %get3A_2 = arith.constant 0 : index
    %get3A_3 = arith.constant 0 : index
    %get3A_4 = vector.load %arg1[%get3A_2, %get3A_3] : memref<4000x128xf32, #tpu.memory_space<vmem>>, vector<4000x128xf32>
    %reshape3A = vector.shape_cast %get3A_4 : vector<4000x128xf32> to vector<25x160x128xf32>
    %slice3A = vector.extract_strided_slice %reshape3A {offsets = [0, 0, 0], sizes = [25, 8, 128], strides = [1, 1, 1]} : vector<25x160x128xf32> to vector<25x8x128xf32>
    %reshape3A_5 = vector.shape_cast %slice3A : vector<25x8x128xf32> to vector<200x128xf32>
    %broadcast_in_dim3A = arith.constant 0.000000e+00 : f32
    %broadcast_in_dim3A_6 = vector.broadcast %broadcast_in_dim3A : f32 to vector<200x512xf32>
    %get3A_7 = arith.constant 0 : index
    %get3A_8 = arith.constant 0 : index
    %get3A_9 = vector.load %arg2[%get3A_7, %get3A_8] : memref<20x512xf32, #tpu.memory_space<vmem>>, vector<1x512xf32>
    %add3A = vector.broadcast %get3A_9 : vector<1x512xf32> to vector<200x512xf32>
    %add3A_10 = arith.addf %broadcast_in_dim3A_6, %add3A : vector<200x512xf32>
    %max3A = arith.constant 0.000000e+00 : f32
    %max3A_11 = vector.broadcast %max3A : f32 to vector<200x512xf32>
    %max3A_12 = arith.maximumf %add3A_10, %max3A_11 : vector<200x512xf32>
    %slice3A_13 = vector.extract_strided_slice %reshape3A_5 {offsets = [0, 0], sizes = [200, 64], strides = [1, 1]} : vector<200x128xf32> to vector<200x64xf32>
    %concatenate3A = tpu.concatenate %slice3A_13, %slice3A_13, %slice3A_13, %slice3A_13, %slice3A_13, %slice3A_13, %slice3A_13, %slice3A_13 in 1 : vector<200x64xf32>, vector<200x64xf32>, vector<200x64xf32>, vector<200x64xf32>, vector<200x64xf32>, vector<200x64xf32>, vector<200x64xf32>, vector<200x64xf32> -> vector<200x512xf32>
    %mul3A = arith.mulf %max3A_12, %concatenate3A : vector<200x512xf32>
    %slice3A_14 = vector.extract_strided_slice %reshape3A {offsets = [0, 8, 0], sizes = [25, 8, 128], strides = [1, 1, 1]} : vector<25x160x128xf32> to vector<25x8x128xf32>
    %reshape3A_15 = vector.shape_cast %slice3A_14 : vector<25x8x128xf32> to vector<200x128xf32>
    %sub3A = arith.subf %reshape3A_15, %reshape3A_5 : vector<200x128xf32>
    %dot_general3A = arith.constant dense<0.000000e+00> : vector<200x512xf32>
    %dot_general3A_16 = tpu.matmul %sub3A, %get3A_1, %dot_general3A {dimension_numbers = #tpu.dot_dimension_numbers<[1], [0], [0], [1], [0, 0, 1, 1], [], []>, transpose_lhs_hint = false} : vector<200x128xf32>, vector<128x512xf32>, vector<200x512xf32> -> vector<200x512xf32>
    %max3A_17 = arith.constant 0.000000e+00 : f32
    %max3A_18 = vector.broadcast %max3A_17 : f32 to vector<200x512xf32>
    %max3A_19 = arith.maximumf %dot_general3A_16, %max3A_18 : vector<200x512xf32>
    %add3A_20 = arith.addf %max3A_12, %max3A_19 : vector<200x512xf32>
    %slice3A_21 = vector.extract_strided_slice %reshape3A_15 {offsets = [0, 0], sizes = [200, 64], strides = [1, 1]} : vector<200x128xf32> to vector<200x64xf32>
    %concatenate3A_22 = tpu.concatenate %slice3A_21, %slice3A_21, %slice3A_21, %slice3A_21, %slice3A_21, %slice3A_21, %slice3A_21, %slice3A_21 in 1 : vector<200x64xf32>, vector<200x64xf32>, vector<200x64xf32>, vector<200x64xf32>, vector<200x64xf32>, vector<200x64xf32>, vector<200x64xf32>, vector<200x64xf32> -> vector<200x512xf32>
    %mul3A_23 = arith.mulf %max3A_19, %concatenate3A_22 : vector<200x512xf32>
    %add3A_24 = arith.addf %mul3A, %mul3A_23 : vector<200x512xf32>
    %slice3A_25 = vector.extract_strided_slice %reshape3A {offsets = [0, 16, 0], sizes = [25, 8, 128], strides = [1, 1, 1]} : vector<25x160x128xf32> to vector<25x8x128xf32>
    %reshape3A_26 = vector.shape_cast %slice3A_25 : vector<25x8x128xf32> to vector<200x128xf32>
    %sub3A_27 = arith.subf %reshape3A_26, %reshape3A_5 : vector<200x128xf32>
    %dot_general3A_28 = arith.constant dense<0.000000e+00> : vector<200x512xf32>
    %dot_general3A_29 = tpu.matmul %sub3A_27, %get3A_1, %dot_general3A_28 {dimension_numbers = #tpu.dot_dimension_numbers<[1], [0], [0], [1], [0, 0, 1, 1], [], []>, transpose_lhs_hint = false} : vector<200x128xf32>, vector<128x512xf32>, vector<200x512xf32> -> vector<200x512xf32>
    %max3A_30 = arith.constant 0.000000e+00 : f32
    %max3A_31 = vector.broadcast %max3A_30 : f32 to vector<200x512xf32>
    %max3A_32 = arith.maximumf %dot_general3A_29, %max3A_31 : vector<200x512xf32>
    %add3A_33 = arith.addf %add3A_20, %max3A_32 : vector<200x512xf32>
    %slice3A_34 = vector.extract_strided_slice %reshape3A_26 {offsets = [0, 0], sizes = [200, 64], strides = [1, 1]} : vector<200x128xf32> to vector<200x64xf32>
    %concatenate3A_35 = tpu.concatenate %slice3A_34, %slice3A_34, %slice3A_34, %slice3A_34, %slice3A_34, %slice3A_34, %slice3A_34, %slice3A_34 in 1 : vector<200x64xf32>, vector<200x64xf32>, vector<200x64xf32>, vector<200x64xf32>, vector<200x64xf32>, vector<200x64xf32>, vector<200x64xf32>, vector<200x64xf32> -> vector<200x512xf32>
    %mul3A_36 = arith.mulf %max3A_32, %concatenate3A_35 : vector<200x512xf32>
    %add3A_37 = arith.addf %add3A_24, %mul3A_36 : vector<200x512xf32>
    %slice3A_38 = vector.extract_strided_slice %reshape3A {offsets = [0, 24, 0], sizes = [25, 8, 128], strides = [1, 1, 1]} : vector<25x160x128xf32> to vector<25x8x128xf32>
    %reshape3A_39 = vector.shape_cast %slice3A_38 : vector<25x8x128xf32> to vector<200x128xf32>
    %sub3A_40 = arith.subf %reshape3A_39, %reshape3A_5 : vector<200x128xf32>
    %dot_general3A_41 = arith.constant dense<0.000000e+00> : vector<200x512xf32>
    %dot_general3A_42 = tpu.matmul %sub3A_40, %get3A_1, %dot_general3A_41 {dimension_numbers = #tpu.dot_dimension_numbers<[1], [0], [0], [1], [0, 0, 1, 1], [], []>, transpose_lhs_hint = false} : vector<200x128xf32>, vector<128x512xf32>, vector<200x512xf32> -> vector<200x512xf32>
    %max3A_43 = arith.constant 0.000000e+00 : f32
    %max3A_44 = vector.broadcast %max3A_43 : f32 to vector<200x512xf32>
    %max3A_45 = arith.maximumf %dot_general3A_42, %max3A_44 : vector<200x512xf32>
    %add3A_46 = arith.addf %add3A_33, %max3A_45 : vector<200x512xf32>
    %slice3A_47 = vector.extract_strided_slice %reshape3A_39 {offsets = [0, 0], sizes = [200, 64], strides = [1, 1]} : vector<200x128xf32> to vector<200x64xf32>
    %concatenate3A_48 = tpu.concatenate %slice3A_47, %slice3A_47, %slice3A_47, %slice3A_47, %slice3A_47, %slice3A_47, %slice3A_47, %slice3A_47 in 1 : vector<200x64xf32>, vector<200x64xf32>, vector<200x64xf32>, vector<200x64xf32>, vector<200x64xf32>, vector<200x64xf32>, vector<200x64xf32>, vector<200x64xf32> -> vector<200x512xf32>
    %mul3A_49 = arith.mulf %max3A_45, %concatenate3A_48 : vector<200x512xf32>
    %add3A_50 = arith.addf %add3A_37, %mul3A_49 : vector<200x512xf32>
    %slice3A_51 = vector.extract_strided_slice %reshape3A {offsets = [0, 32, 0], sizes = [25, 8, 128], strides = [1, 1, 1]} : vector<25x160x128xf32> to vector<25x8x128xf32>
    %reshape3A_52 = vector.shape_cast %slice3A_51 : vector<25x8x128xf32> to vector<200x128xf32>
    %sub3A_53 = arith.subf %reshape3A_52, %reshape3A_5 : vector<200x128xf32>
    %dot_general3A_54 = arith.constant dense<0.000000e+00> : vector<200x512xf32>
    %dot_general3A_55 = tpu.matmul %sub3A_53, %get3A_1, %dot_general3A_54 {dimension_numbers = #tpu.dot_dimension_numbers<[1], [0], [0], [1], [0, 0, 1, 1], [], []>, transpose_lhs_hint = false} : vector<200x128xf32>, vector<128x512xf32>, vector<200x512xf32> -> vector<200x512xf32>
    %max3A_56 = arith.constant 0.000000e+00 : f32
    %max3A_57 = vector.broadcast %max3A_56 : f32 to vector<200x512xf32>
    %max3A_58 = arith.maximumf %dot_general3A_55, %max3A_57 : vector<200x512xf32>
    %add3A_59 = arith.addf %add3A_46, %max3A_58 : vector<200x512xf32>
    %slice3A_60 = vector.extract_strided_slice %reshape3A_52 {offsets = [0, 0], sizes = [200, 64], strides = [1, 1]} : vector<200x128xf32> to vector<200x64xf32>
    %concatenate3A_61 = tpu.concatenate %slice3A_60, %slice3A_60, %slice3A_60, %slice3A_60, %slice3A_60, %slice3A_60, %slice3A_60, %slice3A_60 in 1 : vector<200x64xf32>, vector<200x64xf32>, vector<200x64xf32>, vector<200x64xf32>, vector<200x64xf32>, vector<200x64xf32>, vector<200x64xf32>, vector<200x64xf32> -> vector<200x512xf32>
    %mul3A_62 = arith.mulf %max3A_58, %concatenate3A_61 : vector<200x512xf32>
    %add3A_63 = arith.addf %add3A_50, %mul3A_62 : vector<200x512xf32>
    %slice3A_64 = vector.extract_strided_slice %reshape3A {offsets = [0, 40, 0], sizes = [25, 8, 128], strides = [1, 1, 1]} : vector<25x160x128xf32> to vector<25x8x128xf32>
    %reshape3A_65 = vector.shape_cast %slice3A_64 : vector<25x8x128xf32> to vector<200x128xf32>
    %sub3A_66 = arith.subf %reshape3A_65, %reshape3A_5 : vector<200x128xf32>
    %dot_general3A_67 = arith.constant dense<0.000000e+00> : vector<200x512xf32>
    %dot_general3A_68 = tpu.matmul %sub3A_66, %get3A_1, %dot_general3A_67 {dimension_numbers = #tpu.dot_dimension_numbers<[1], [0], [0], [1], [0, 0, 1, 1], [], []>, transpose_lhs_hint = false} : vector<200x128xf32>, vector<128x512xf32>, vector<200x512xf32> -> vector<200x512xf32>
    %max3A_69 = arith.constant 0.000000e+00 : f32
    %max3A_70 = vector.broadcast %max3A_69 : f32 to vector<200x512xf32>
    %max3A_71 = arith.maximumf %dot_general3A_68, %max3A_70 : vector<200x512xf32>
    %add3A_72 = arith.addf %add3A_59, %max3A_71 : vector<200x512xf32>
    %slice3A_73 = vector.extract_strided_slice %reshape3A_65 {offsets = [0, 0], sizes = [200, 64], strides = [1, 1]} : vector<200x128xf32> to vector<200x64xf32>
    %concatenate3A_74 = tpu.concatenate %slice3A_73, %slice3A_73, %slice3A_73, %slice3A_73, %slice3A_73, %slice3A_73, %slice3A_73, %slice3A_73 in 1 : vector<200x64xf32>, vector<200x64xf32>, vector<200x64xf32>, vector<200x64xf32>, vector<200x64xf32>, vector<200x64xf32>, vector<200x64xf32>, vector<200x64xf32> -> vector<200x512xf32>
    %mul3A_75 = arith.mulf %max3A_71, %concatenate3A_74 : vector<200x512xf32>
    %add3A_76 = arith.addf %add3A_63, %mul3A_75 : vector<200x512xf32>
    %slice3A_77 = vector.extract_strided_slice %reshape3A {offsets = [0, 48, 0], sizes = [25, 8, 128], strides = [1, 1, 1]} : vector<25x160x128xf32> to vector<25x8x128xf32>
    %reshape3A_78 = vector.shape_cast %slice3A_77 : vector<25x8x128xf32> to vector<200x128xf32>
    %sub3A_79 = arith.subf %reshape3A_78, %reshape3A_5 : vector<200x128xf32>
    %dot_general3A_80 = arith.constant dense<0.000000e+00> : vector<200x512xf32>
    %dot_general3A_81 = tpu.matmul %sub3A_79, %get3A_1, %dot_general3A_80 {dimension_numbers = #tpu.dot_dimension_numbers<[1], [0], [0], [1], [0, 0, 1, 1], [], []>, transpose_lhs_hint = false} : vector<200x128xf32>, vector<128x512xf32>, vector<200x512xf32> -> vector<200x512xf32>
    %max3A_82 = arith.constant 0.000000e+00 : f32
    %max3A_83 = vector.broadcast %max3A_82 : f32 to vector<200x512xf32>
    %max3A_84 = arith.maximumf %dot_general3A_81, %max3A_83 : vector<200x512xf32>
    %add3A_85 = arith.addf %add3A_72, %max3A_84 : vector<200x512xf32>
    %slice3A_86 = vector.extract_strided_slice %reshape3A_78 {offsets = [0, 0], sizes = [200, 64], strides = [1, 1]} : vector<200x128xf32> to vector<200x64xf32>
    %concatenate3A_87 = tpu.concatenate %slice3A_86, %slice3A_86, %slice3A_86, %slice3A_86, %slice3A_86, %slice3A_86, %slice3A_86, %slice3A_86 in 1 : vector<200x64xf32>, vector<200x64xf32>, vector<200x64xf32>, vector<200x64xf32>, vector<200x64xf32>, vector<200x64xf32>, vector<200x64xf32>, vector<200x64xf32> -> vector<200x512xf32>
    %mul3A_88 = arith.mulf %max3A_84, %concatenate3A_87 : vector<200x512xf32>
    %add3A_89 = arith.addf %add3A_76, %mul3A_88 : vector<200x512xf32>
    %slice3A_90 = vector.extract_strided_slice %reshape3A {offsets = [0, 56, 0], sizes = [25, 8, 128], strides = [1, 1, 1]} : vector<25x160x128xf32> to vector<25x8x128xf32>
    %reshape3A_91 = vector.shape_cast %slice3A_90 : vector<25x8x128xf32> to vector<200x128xf32>
    %sub3A_92 = arith.subf %reshape3A_91, %reshape3A_5 : vector<200x128xf32>
    %dot_general3A_93 = arith.constant dense<0.000000e+00> : vector<200x512xf32>
    %dot_general3A_94 = tpu.matmul %sub3A_92, %get3A_1, %dot_general3A_93 {dimension_numbers = #tpu.dot_dimension_numbers<[1], [0], [0], [1], [0, 0, 1, 1], [], []>, transpose_lhs_hint = false} : vector<200x128xf32>, vector<128x512xf32>, vector<200x512xf32> -> vector<200x512xf32>
    %max3A_95 = arith.constant 0.000000e+00 : f32
    %max3A_96 = vector.broadcast %max3A_95 : f32 to vector<200x512xf32>
    %max3A_97 = arith.maximumf %dot_general3A_94, %max3A_96 : vector<200x512xf32>
    %add3A_98 = arith.addf %add3A_85, %max3A_97 : vector<200x512xf32>
    %slice3A_99 = vector.extract_strided_slice %reshape3A_91 {offsets = [0, 0], sizes = [200, 64], strides = [1, 1]} : vector<200x128xf32> to vector<200x64xf32>
    %concatenate3A_100 = tpu.concatenate %slice3A_99, %slice3A_99, %slice3A_99, %slice3A_99, %slice3A_99, %slice3A_99, %slice3A_99, %slice3A_99 in 1 : vector<200x64xf32>, vector<200x64xf32>, vector<200x64xf32>, vector<200x64xf32>, vector<200x64xf32>, vector<200x64xf32>, vector<200x64xf32>, vector<200x64xf32> -> vector<200x512xf32>
    %mul3A_101 = arith.mulf %max3A_97, %concatenate3A_100 : vector<200x512xf32>
    %add3A_102 = arith.addf %add3A_89, %mul3A_101 : vector<200x512xf32>
    %slice3A_103 = vector.extract_strided_slice %reshape3A {offsets = [0, 64, 0], sizes = [25, 8, 128], strides = [1, 1, 1]} : vector<25x160x128xf32> to vector<25x8x128xf32>
    %reshape3A_104 = vector.shape_cast %slice3A_103 : vector<25x8x128xf32> to vector<200x128xf32>
    %sub3A_105 = arith.subf %reshape3A_104, %reshape3A_5 : vector<200x128xf32>
    %dot_general3A_106 = arith.constant dense<0.000000e+00> : vector<200x512xf32>
    %dot_general3A_107 = tpu.matmul %sub3A_105, %get3A_1, %dot_general3A_106 {dimension_numbers = #tpu.dot_dimension_numbers<[1], [0], [0], [1], [0, 0, 1, 1], [], []>, transpose_lhs_hint = false} : vector<200x128xf32>, vector<128x512xf32>, vector<200x512xf32> -> vector<200x512xf32>
    %max3A_108 = arith.constant 0.000000e+00 : f32
    %max3A_109 = vector.broadcast %max3A_108 : f32 to vector<200x512xf32>
    %max3A_110 = arith.maximumf %dot_general3A_107, %max3A_109 : vector<200x512xf32>
    %add3A_111 = arith.addf %add3A_98, %max3A_110 : vector<200x512xf32>
    %slice3A_112 = vector.extract_strided_slice %reshape3A_104 {offsets = [0, 0], sizes = [200, 64], strides = [1, 1]} : vector<200x128xf32> to vector<200x64xf32>
    %concatenate3A_113 = tpu.concatenate %slice3A_112, %slice3A_112, %slice3A_112, %slice3A_112, %slice3A_112, %slice3A_112, %slice3A_112, %slice3A_112 in 1 : vector<200x64xf32>, vector<200x64xf32>, vector<200x64xf32>, vector<200x64xf32>, vector<200x64xf32>, vector<200x64xf32>, vector<200x64xf32>, vector<200x64xf32> -> vector<200x512xf32>
    %mul3A_114 = arith.mulf %max3A_110, %concatenate3A_113 : vector<200x512xf32>
    %add3A_115 = arith.addf %add3A_102, %mul3A_114 : vector<200x512xf32>
    %slice3A_116 = vector.extract_strided_slice %reshape3A {offsets = [0, 72, 0], sizes = [25, 8, 128], strides = [1, 1, 1]} : vector<25x160x128xf32> to vector<25x8x128xf32>
    %reshape3A_117 = vector.shape_cast %slice3A_116 : vector<25x8x128xf32> to vector<200x128xf32>
    %sub3A_118 = arith.subf %reshape3A_117, %reshape3A_5 : vector<200x128xf32>
    %dot_general3A_119 = arith.constant dense<0.000000e+00> : vector<200x512xf32>
    %dot_general3A_120 = tpu.matmul %sub3A_118, %get3A_1, %dot_general3A_119 {dimension_numbers = #tpu.dot_dimension_numbers<[1], [0], [0], [1], [0, 0, 1, 1], [], []>, transpose_lhs_hint = false} : vector<200x128xf32>, vector<128x512xf32>, vector<200x512xf32> -> vector<200x512xf32>
    %max3A_121 = arith.constant 0.000000e+00 : f32
    %max3A_122 = vector.broadcast %max3A_121 : f32 to vector<200x512xf32>
    %max3A_123 = arith.maximumf %dot_general3A_120, %max3A_122 : vector<200x512xf32>
    %add3A_124 = arith.addf %add3A_111, %max3A_123 : vector<200x512xf32>
    %slice3A_125 = vector.extract_strided_slice %reshape3A_117 {offsets = [0, 0], sizes = [200, 64], strides = [1, 1]} : vector<200x128xf32> to vector<200x64xf32>
    %concatenate3A_126 = tpu.concatenate %slice3A_125, %slice3A_125, %slice3A_125, %slice3A_125, %slice3A_125, %slice3A_125, %slice3A_125, %slice3A_125 in 1 : vector<200x64xf32>, vector<200x64xf32>, vector<200x64xf32>, vector<200x64xf32>, vector<200x64xf32>, vector<200x64xf32>, vector<200x64xf32>, vector<200x64xf32> -> vector<200x512xf32>
    %mul3A_127 = arith.mulf %max3A_123, %concatenate3A_126 : vector<200x512xf32>
    %add3A_128 = arith.addf %add3A_115, %mul3A_127 : vector<200x512xf32>
    %slice3A_129 = vector.extract_strided_slice %reshape3A {offsets = [0, 80, 0], sizes = [25, 8, 128], strides = [1, 1, 1]} : vector<25x160x128xf32> to vector<25x8x128xf32>
    %reshape3A_130 = vector.shape_cast %slice3A_129 : vector<25x8x128xf32> to vector<200x128xf32>
    %sub3A_131 = arith.subf %reshape3A_130, %reshape3A_5 : vector<200x128xf32>
    %dot_general3A_132 = arith.constant dense<0.000000e+00> : vector<200x512xf32>
    %dot_general3A_133 = tpu.matmul %sub3A_131, %get3A_1, %dot_general3A_132 {dimension_numbers = #tpu.dot_dimension_numbers<[1], [0], [0], [1], [0, 0, 1, 1], [], []>, transpose_lhs_hint = false} : vector<200x128xf32>, vector<128x512xf32>, vector<200x512xf32> -> vector<200x512xf32>
    %max3A_134 = arith.constant 0.000000e+00 : f32
    %max3A_135 = vector.broadcast %max3A_134 : f32 to vector<200x512xf32>
    %max3A_136 = arith.maximumf %dot_general3A_133, %max3A_135 : vector<200x512xf32>
    %add3A_137 = arith.addf %add3A_124, %max3A_136 : vector<200x512xf32>
    %slice3A_138 = vector.extract_strided_slice %reshape3A_130 {offsets = [0, 0], sizes = [200, 64], strides = [1, 1]} : vector<200x128xf32> to vector<200x64xf32>
    %concatenate3A_139 = tpu.concatenate %slice3A_138, %slice3A_138, %slice3A_138, %slice3A_138, %slice3A_138, %slice3A_138, %slice3A_138, %slice3A_138 in 1 : vector<200x64xf32>, vector<200x64xf32>, vector<200x64xf32>, vector<200x64xf32>, vector<200x64xf32>, vector<200x64xf32>, vector<200x64xf32>, vector<200x64xf32> -> vector<200x512xf32>
    %mul3A_140 = arith.mulf %max3A_136, %concatenate3A_139 : vector<200x512xf32>
    %add3A_141 = arith.addf %add3A_128, %mul3A_140 : vector<200x512xf32>
    %slice3A_142 = vector.extract_strided_slice %reshape3A {offsets = [0, 88, 0], sizes = [25, 8, 128], strides = [1, 1, 1]} : vector<25x160x128xf32> to vector<25x8x128xf32>
    %reshape3A_143 = vector.shape_cast %slice3A_142 : vector<25x8x128xf32> to vector<200x128xf32>
    %sub3A_144 = arith.subf %reshape3A_143, %reshape3A_5 : vector<200x128xf32>
    %dot_general3A_145 = arith.constant dense<0.000000e+00> : vector<200x512xf32>
    %dot_general3A_146 = tpu.matmul %sub3A_144, %get3A_1, %dot_general3A_145 {dimension_numbers = #tpu.dot_dimension_numbers<[1], [0], [0], [1], [0, 0, 1, 1], [], []>, transpose_lhs_hint = false} : vector<200x128xf32>, vector<128x512xf32>, vector<200x512xf32> -> vector<200x512xf32>
    %max3A_147 = arith.constant 0.000000e+00 : f32
    %max3A_148 = vector.broadcast %max3A_147 : f32 to vector<200x512xf32>
    %max3A_149 = arith.maximumf %dot_general3A_146, %max3A_148 : vector<200x512xf32>
    %add3A_150 = arith.addf %add3A_137, %max3A_149 : vector<200x512xf32>
    %slice3A_151 = vector.extract_strided_slice %reshape3A_143 {offsets = [0, 0], sizes = [200, 64], strides = [1, 1]} : vector<200x128xf32> to vector<200x64xf32>
    %concatenate3A_152 = tpu.concatenate %slice3A_151, %slice3A_151, %slice3A_151, %slice3A_151, %slice3A_151, %slice3A_151, %slice3A_151, %slice3A_151 in 1 : vector<200x64xf32>, vector<200x64xf32>, vector<200x64xf32>, vector<200x64xf32>, vector<200x64xf32>, vector<200x64xf32>, vector<200x64xf32>, vector<200x64xf32> -> vector<200x512xf32>
    %mul3A_153 = arith.mulf %max3A_149, %concatenate3A_152 : vector<200x512xf32>
    %add3A_154 = arith.addf %add3A_141, %mul3A_153 : vector<200x512xf32>
    %slice3A_155 = vector.extract_strided_slice %reshape3A {offsets = [0, 96, 0], sizes = [25, 8, 128], strides = [1, 1, 1]} : vector<25x160x128xf32> to vector<25x8x128xf32>
    %reshape3A_156 = vector.shape_cast %slice3A_155 : vector<25x8x128xf32> to vector<200x128xf32>
    %sub3A_157 = arith.subf %reshape3A_156, %reshape3A_5 : vector<200x128xf32>
    %dot_general3A_158 = arith.constant dense<0.000000e+00> : vector<200x512xf32>
    %dot_general3A_159 = tpu.matmul %sub3A_157, %get3A_1, %dot_general3A_158 {dimension_numbers = #tpu.dot_dimension_numbers<[1], [0], [0], [1], [0, 0, 1, 1], [], []>, transpose_lhs_hint = false} : vector<200x128xf32>, vector<128x512xf32>, vector<200x512xf32> -> vector<200x512xf32>
    %max3A_160 = arith.constant 0.000000e+00 : f32
    %max3A_161 = vector.broadcast %max3A_160 : f32 to vector<200x512xf32>
    %max3A_162 = arith.maximumf %dot_general3A_159, %max3A_161 : vector<200x512xf32>
    %add3A_163 = arith.addf %add3A_150, %max3A_162 : vector<200x512xf32>
    %slice3A_164 = vector.extract_strided_slice %reshape3A_156 {offsets = [0, 0], sizes = [200, 64], strides = [1, 1]} : vector<200x128xf32> to vector<200x64xf32>
    %concatenate3A_165 = tpu.concatenate %slice3A_164, %slice3A_164, %slice3A_164, %slice3A_164, %slice3A_164, %slice3A_164, %slice3A_164, %slice3A_164 in 1 : vector<200x64xf32>, vector<200x64xf32>, vector<200x64xf32>, vector<200x64xf32>, vector<200x64xf32>, vector<200x64xf32>, vector<200x64xf32>, vector<200x64xf32> -> vector<200x512xf32>
    %mul3A_166 = arith.mulf %max3A_162, %concatenate3A_165 : vector<200x512xf32>
    %add3A_167 = arith.addf %add3A_154, %mul3A_166 : vector<200x512xf32>
    %slice3A_168 = vector.extract_strided_slice %reshape3A {offsets = [0, 104, 0], sizes = [25, 8, 128], strides = [1, 1, 1]} : vector<25x160x128xf32> to vector<25x8x128xf32>
    %reshape3A_169 = vector.shape_cast %slice3A_168 : vector<25x8x128xf32> to vector<200x128xf32>
    %sub3A_170 = arith.subf %reshape3A_169, %reshape3A_5 : vector<200x128xf32>
    %dot_general3A_171 = arith.constant dense<0.000000e+00> : vector<200x512xf32>
    %dot_general3A_172 = tpu.matmul %sub3A_170, %get3A_1, %dot_general3A_171 {dimension_numbers = #tpu.dot_dimension_numbers<[1], [0], [0], [1], [0, 0, 1, 1], [], []>, transpose_lhs_hint = false} : vector<200x128xf32>, vector<128x512xf32>, vector<200x512xf32> -> vector<200x512xf32>
    %max3A_173 = arith.constant 0.000000e+00 : f32
    %max3A_174 = vector.broadcast %max3A_173 : f32 to vector<200x512xf32>
    %max3A_175 = arith.maximumf %dot_general3A_172, %max3A_174 : vector<200x512xf32>
    %add3A_176 = arith.addf %add3A_163, %max3A_175 : vector<200x512xf32>
    %slice3A_177 = vector.extract_strided_slice %reshape3A_169 {offsets = [0, 0], sizes = [200, 64], strides = [1, 1]} : vector<200x128xf32> to vector<200x64xf32>
    %concatenate3A_178 = tpu.concatenate %slice3A_177, %slice3A_177, %slice3A_177, %slice3A_177, %slice3A_177, %slice3A_177, %slice3A_177, %slice3A_177 in 1 : vector<200x64xf32>, vector<200x64xf32>, vector<200x64xf32>, vector<200x64xf32>, vector<200x64xf32>, vector<200x64xf32>, vector<200x64xf32>, vector<200x64xf32> -> vector<200x512xf32>
    %mul3A_179 = arith.mulf %max3A_175, %concatenate3A_178 : vector<200x512xf32>
    %add3A_180 = arith.addf %add3A_167, %mul3A_179 : vector<200x512xf32>
    %slice3A_181 = vector.extract_strided_slice %reshape3A {offsets = [0, 112, 0], sizes = [25, 8, 128], strides = [1, 1, 1]} : vector<25x160x128xf32> to vector<25x8x128xf32>
    %reshape3A_182 = vector.shape_cast %slice3A_181 : vector<25x8x128xf32> to vector<200x128xf32>
    %sub3A_183 = arith.subf %reshape3A_182, %reshape3A_5 : vector<200x128xf32>
    %dot_general3A_184 = arith.constant dense<0.000000e+00> : vector<200x512xf32>
    %dot_general3A_185 = tpu.matmul %sub3A_183, %get3A_1, %dot_general3A_184 {dimension_numbers = #tpu.dot_dimension_numbers<[1], [0], [0], [1], [0, 0, 1, 1], [], []>, transpose_lhs_hint = false} : vector<200x128xf32>, vector<128x512xf32>, vector<200x512xf32> -> vector<200x512xf32>
    %max3A_186 = arith.constant 0.000000e+00 : f32
    %max3A_187 = vector.broadcast %max3A_186 : f32 to vector<200x512xf32>
    %max3A_188 = arith.maximumf %dot_general3A_185, %max3A_187 : vector<200x512xf32>
    %add3A_189 = arith.addf %add3A_176, %max3A_188 : vector<200x512xf32>
    %slice3A_190 = vector.extract_strided_slice %reshape3A_182 {offsets = [0, 0], sizes = [200, 64], strides = [1, 1]} : vector<200x128xf32> to vector<200x64xf32>
    %concatenate3A_191 = tpu.concatenate %slice3A_190, %slice3A_190, %slice3A_190, %slice3A_190, %slice3A_190, %slice3A_190, %slice3A_190, %slice3A_190 in 1 : vector<200x64xf32>, vector<200x64xf32>, vector<200x64xf32>, vector<200x64xf32>, vector<200x64xf32>, vector<200x64xf32>, vector<200x64xf32>, vector<200x64xf32> -> vector<200x512xf32>
    %mul3A_192 = arith.mulf %max3A_188, %concatenate3A_191 : vector<200x512xf32>
    %add3A_193 = arith.addf %add3A_180, %mul3A_192 : vector<200x512xf32>
    %slice3A_194 = vector.extract_strided_slice %reshape3A {offsets = [0, 120, 0], sizes = [25, 8, 128], strides = [1, 1, 1]} : vector<25x160x128xf32> to vector<25x8x128xf32>
    %reshape3A_195 = vector.shape_cast %slice3A_194 : vector<25x8x128xf32> to vector<200x128xf32>
    %sub3A_196 = arith.subf %reshape3A_195, %reshape3A_5 : vector<200x128xf32>
    %dot_general3A_197 = arith.constant dense<0.000000e+00> : vector<200x512xf32>
    %dot_general3A_198 = tpu.matmul %sub3A_196, %get3A_1, %dot_general3A_197 {dimension_numbers = #tpu.dot_dimension_numbers<[1], [0], [0], [1], [0, 0, 1, 1], [], []>, transpose_lhs_hint = false} : vector<200x128xf32>, vector<128x512xf32>, vector<200x512xf32> -> vector<200x512xf32>
    %max3A_199 = arith.constant 0.000000e+00 : f32
    %max3A_200 = vector.broadcast %max3A_199 : f32 to vector<200x512xf32>
    %max3A_201 = arith.maximumf %dot_general3A_198, %max3A_200 : vector<200x512xf32>
    %add3A_202 = arith.addf %add3A_189, %max3A_201 : vector<200x512xf32>
    %slice3A_203 = vector.extract_strided_slice %reshape3A_195 {offsets = [0, 0], sizes = [200, 64], strides = [1, 1]} : vector<200x128xf32> to vector<200x64xf32>
    %concatenate3A_204 = tpu.concatenate %slice3A_203, %slice3A_203, %slice3A_203, %slice3A_203, %slice3A_203, %slice3A_203, %slice3A_203, %slice3A_203 in 1 : vector<200x64xf32>, vector<200x64xf32>, vector<200x64xf32>, vector<200x64xf32>, vector<200x64xf32>, vector<200x64xf32>, vector<200x64xf32>, vector<200x64xf32> -> vector<200x512xf32>
    %mul3A_205 = arith.mulf %max3A_201, %concatenate3A_204 : vector<200x512xf32>
    %add3A_206 = arith.addf %add3A_193, %mul3A_205 : vector<200x512xf32>
    %slice3A_207 = vector.extract_strided_slice %reshape3A {offsets = [0, 128, 0], sizes = [25, 8, 128], strides = [1, 1, 1]} : vector<25x160x128xf32> to vector<25x8x128xf32>
    %reshape3A_208 = vector.shape_cast %slice3A_207 : vector<25x8x128xf32> to vector<200x128xf32>
    %sub3A_209 = arith.subf %reshape3A_208, %reshape3A_5 : vector<200x128xf32>
    %dot_general3A_210 = arith.constant dense<0.000000e+00> : vector<200x512xf32>
    %dot_general3A_211 = tpu.matmul %sub3A_209, %get3A_1, %dot_general3A_210 {dimension_numbers = #tpu.dot_dimension_numbers<[1], [0], [0], [1], [0, 0, 1, 1], [], []>, transpose_lhs_hint = false} : vector<200x128xf32>, vector<128x512xf32>, vector<200x512xf32> -> vector<200x512xf32>
    %max3A_212 = arith.constant 0.000000e+00 : f32
    %max3A_213 = vector.broadcast %max3A_212 : f32 to vector<200x512xf32>
    %max3A_214 = arith.maximumf %dot_general3A_211, %max3A_213 : vector<200x512xf32>
    %add3A_215 = arith.addf %add3A_202, %max3A_214 : vector<200x512xf32>
    %slice3A_216 = vector.extract_strided_slice %reshape3A_208 {offsets = [0, 0], sizes = [200, 64], strides = [1, 1]} : vector<200x128xf32> to vector<200x64xf32>
    %concatenate3A_217 = tpu.concatenate %slice3A_216, %slice3A_216, %slice3A_216, %slice3A_216, %slice3A_216, %slice3A_216, %slice3A_216, %slice3A_216 in 1 : vector<200x64xf32>, vector<200x64xf32>, vector<200x64xf32>, vector<200x64xf32>, vector<200x64xf32>, vector<200x64xf32>, vector<200x64xf32>, vector<200x64xf32> -> vector<200x512xf32>
    %mul3A_218 = arith.mulf %max3A_214, %concatenate3A_217 : vector<200x512xf32>
    %add3A_219 = arith.addf %add3A_206, %mul3A_218 : vector<200x512xf32>
    %slice3A_220 = vector.extract_strided_slice %reshape3A {offsets = [0, 136, 0], sizes = [25, 8, 128], strides = [1, 1, 1]} : vector<25x160x128xf32> to vector<25x8x128xf32>
    %reshape3A_221 = vector.shape_cast %slice3A_220 : vector<25x8x128xf32> to vector<200x128xf32>
    %sub3A_222 = arith.subf %reshape3A_221, %reshape3A_5 : vector<200x128xf32>
    %dot_general3A_223 = arith.constant dense<0.000000e+00> : vector<200x512xf32>
    %dot_general3A_224 = tpu.matmul %sub3A_222, %get3A_1, %dot_general3A_223 {dimension_numbers = #tpu.dot_dimension_numbers<[1], [0], [0], [1], [0, 0, 1, 1], [], []>, transpose_lhs_hint = false} : vector<200x128xf32>, vector<128x512xf32>, vector<200x512xf32> -> vector<200x512xf32>
    %max3A_225 = arith.constant 0.000000e+00 : f32
    %max3A_226 = vector.broadcast %max3A_225 : f32 to vector<200x512xf32>
    %max3A_227 = arith.maximumf %dot_general3A_224, %max3A_226 : vector<200x512xf32>
    %add3A_228 = arith.addf %add3A_215, %max3A_227 : vector<200x512xf32>
    %slice3A_229 = vector.extract_strided_slice %reshape3A_221 {offsets = [0, 0], sizes = [200, 64], strides = [1, 1]} : vector<200x128xf32> to vector<200x64xf32>
    %concatenate3A_230 = tpu.concatenate %slice3A_229, %slice3A_229, %slice3A_229, %slice3A_229, %slice3A_229, %slice3A_229, %slice3A_229, %slice3A_229 in 1 : vector<200x64xf32>, vector<200x64xf32>, vector<200x64xf32>, vector<200x64xf32>, vector<200x64xf32>, vector<200x64xf32>, vector<200x64xf32>, vector<200x64xf32> -> vector<200x512xf32>
    %mul3A_231 = arith.mulf %max3A_227, %concatenate3A_230 : vector<200x512xf32>
    %add3A_232 = arith.addf %add3A_219, %mul3A_231 : vector<200x512xf32>
    %slice3A_233 = vector.extract_strided_slice %reshape3A {offsets = [0, 144, 0], sizes = [25, 8, 128], strides = [1, 1, 1]} : vector<25x160x128xf32> to vector<25x8x128xf32>
    %reshape3A_234 = vector.shape_cast %slice3A_233 : vector<25x8x128xf32> to vector<200x128xf32>
    %sub3A_235 = arith.subf %reshape3A_234, %reshape3A_5 : vector<200x128xf32>
    %dot_general3A_236 = arith.constant dense<0.000000e+00> : vector<200x512xf32>
    %dot_general3A_237 = tpu.matmul %sub3A_235, %get3A_1, %dot_general3A_236 {dimension_numbers = #tpu.dot_dimension_numbers<[1], [0], [0], [1], [0, 0, 1, 1], [], []>, transpose_lhs_hint = false} : vector<200x128xf32>, vector<128x512xf32>, vector<200x512xf32> -> vector<200x512xf32>
    %max3A_238 = arith.constant 0.000000e+00 : f32
    %max3A_239 = vector.broadcast %max3A_238 : f32 to vector<200x512xf32>
    %max3A_240 = arith.maximumf %dot_general3A_237, %max3A_239 : vector<200x512xf32>
    %add3A_241 = arith.addf %add3A_228, %max3A_240 : vector<200x512xf32>
    %slice3A_242 = vector.extract_strided_slice %reshape3A_234 {offsets = [0, 0], sizes = [200, 64], strides = [1, 1]} : vector<200x128xf32> to vector<200x64xf32>
    %concatenate3A_243 = tpu.concatenate %slice3A_242, %slice3A_242, %slice3A_242, %slice3A_242, %slice3A_242, %slice3A_242, %slice3A_242, %slice3A_242 in 1 : vector<200x64xf32>, vector<200x64xf32>, vector<200x64xf32>, vector<200x64xf32>, vector<200x64xf32>, vector<200x64xf32>, vector<200x64xf32>, vector<200x64xf32> -> vector<200x512xf32>
    %mul3A_244 = arith.mulf %max3A_240, %concatenate3A_243 : vector<200x512xf32>
    %add3A_245 = arith.addf %add3A_232, %mul3A_244 : vector<200x512xf32>
    %slice3A_246 = vector.extract_strided_slice %reshape3A {offsets = [0, 152, 0], sizes = [25, 8, 128], strides = [1, 1, 1]} : vector<25x160x128xf32> to vector<25x8x128xf32>
    %reshape3A_247 = vector.shape_cast %slice3A_246 : vector<25x8x128xf32> to vector<200x128xf32>
    %sub3A_248 = arith.subf %reshape3A_247, %reshape3A_5 : vector<200x128xf32>
    %dot_general3A_249 = arith.constant dense<0.000000e+00> : vector<200x512xf32>
    %dot_general3A_250 = tpu.matmul %sub3A_248, %get3A_1, %dot_general3A_249 {dimension_numbers = #tpu.dot_dimension_numbers<[1], [0], [0], [1], [0, 0, 1, 1], [], []>, transpose_lhs_hint = false} : vector<200x128xf32>, vector<128x512xf32>, vector<200x512xf32> -> vector<200x512xf32>
    %max3A_251 = arith.constant 0.000000e+00 : f32
    %max3A_252 = vector.broadcast %max3A_251 : f32 to vector<200x512xf32>
    %max3A_253 = arith.maximumf %dot_general3A_250, %max3A_252 : vector<200x512xf32>
    %add3A_254 = arith.addf %add3A_241, %max3A_253 : vector<200x512xf32>
    %slice3A_255 = vector.extract_strided_slice %reshape3A_247 {offsets = [0, 0], sizes = [200, 64], strides = [1, 1]} : vector<200x128xf32> to vector<200x64xf32>
    %concatenate3A_256 = tpu.concatenate %slice3A_255, %slice3A_255, %slice3A_255, %slice3A_255, %slice3A_255, %slice3A_255, %slice3A_255, %slice3A_255 in 1 : vector<200x64xf32>, vector<200x64xf32>, vector<200x64xf32>, vector<200x64xf32>, vector<200x64xf32>, vector<200x64xf32>, vector<200x64xf32>, vector<200x64xf32> -> vector<200x512xf32>
    %mul3A_257 = arith.mulf %max3A_253, %concatenate3A_256 : vector<200x512xf32>
    %add3A_258 = arith.addf %add3A_245, %mul3A_257 : vector<200x512xf32>
    %add3A_259 = arith.constant 9.99999997E-7 : f32
    %add3A_260 = vector.broadcast %add3A_259 : f32 to vector<200x512xf32>
    %add3A_261 = arith.addf %add3A_254, %add3A_260 : vector<200x512xf32>
    %div3A = arith.constant 1.000000e+00 : f32
    %div3A_262 = vector.broadcast %div3A : f32 to vector<200x512xf32>
    %div3A_263 = arith.divf %div3A_262, %add3A_261 : vector<200x512xf32>
    %mul3A_264 = arith.mulf %add3A_258, %div3A_263 : vector<200x512xf32>
    %get3A_265 = arith.constant 0 : index
    %get3A_266 = arith.constant 0 : index
    %get3A_267 = vector.load %arg5[%get3A_265, %get3A_266] : memref<512x64xf32, #tpu.memory_space<vmem>>, vector<512x64xf32>
    %dot_general3A_268 = arith.constant dense<0.000000e+00> : vector<200x64xf32>
    %dot_general3A_269 = tpu.matmul %mul3A_264, %get3A_267, %dot_general3A_268 {dimension_numbers = #tpu.dot_dimension_numbers<[1], [0], [0], [1], [0, 0, 1, 1], [], []>, transpose_lhs_hint = false} : vector<200x512xf32>, vector<512x64xf32>, vector<200x64xf32> -> vector<200x64xf32>
    %get3A_270 = arith.constant 0 : index
    %get3A_271 = arith.constant 0 : index
    %get3A_272 = vector.load %arg6[%get3A_270, %get3A_271] : memref<1x64xf32, #tpu.memory_space<vmem>>, vector<1x64xf32>
    %add3A_273 = vector.broadcast %get3A_272 : vector<1x64xf32> to vector<200x64xf32>
    %add3A_274 = arith.addf %dot_general3A_269, %add3A_273 : vector<200x64xf32>
    %mul3A_275 = arith.constant 2.000000e-01 : f32
    %mul3A_276 = vector.broadcast %mul3A_275 : f32 to vector<200x64xf32>
    %mul3A_277 = arith.mulf %mul3A_276, %add3A_274 : vector<200x64xf32>
    %max3A_278 = arith.maximumf %add3A_274, %mul3A_277 : vector<200x64xf32>
    %get3A_279 = arith.constant 0 : index
    %get3A_280 = arith.constant 0 : index
    %get3A_281 = vector.load %arg4[%get3A_279, %get3A_280] : memref<200x128xf32, #tpu.memory_space<vmem>>, vector<200x128xf32>
    %slice3A_282 = vector.extract_strided_slice %get3A_281 {offsets = [0, 0], sizes = [200, 64], strides = [1, 1]} : vector<200x128xf32> to vector<200x64xf32>
    %add3A_283 = arith.addf %max3A_278, %slice3A_282 : vector<200x64xf32>
    %swap3A = arith.constant 0 : index
    %swap3A_284 = arith.constant 0 : index
    %swap3A_285 = vector.load %arg7[%swap3A, %swap3A_284] : memref<200x64xf32, #tpu.memory_space<vmem>>, vector<200x64xf32>
    tpu.vector_store %arg7[%swap3A, %swap3A_284], %add3A_283 {strides = array<i32>} : memref<200x64xf32, #tpu.memory_space<vmem>>, vector<200x64xf32>,
    return
  }
  func.func @transform_0(%arg0: i32) -> (i32, i32) {
    %c0_i32 = arith.constant 0 : i32
    %c0_i32_0 = arith.constant 0 : i32
    return %arg0, %c0_i32 : i32, i32
  }
  func.func @transform_1(%arg0: i32) -> (i32, i32) {
    %c0_i32 = arith.constant 0 : i32
    %c0_i32_0 = arith.constant 0 : i32
    %c0_i32_1 = arith.constant 0 : i32
    return %c0_i32, %c0_i32_0 : i32, i32
  }
  func.func @transform_2(%arg0: i32) -> (i32, i32) {
    %c0_i32 = arith.constant 0 : i32
    %c0_i32_0 = arith.constant 0 : i32
    %c0_i32_1 = arith.constant 0 : i32
    return %c0_i32, %c0_i32_0 : i32, i32
  }
  func.func @transform_3(%arg0: i32) -> (i32, i32) {
    %add3A = arith.constant 48 : i32
    %add3A_0 = arith.addi %arg0, %add3A : i32
    %c0_i32 = arith.constant 0 : i32
    %c0_i32_1 = arith.constant 0 : i32
    return %add3A_0, %c0_i32 : i32, i32
  }
  func.func @transform_4(%arg0: i32) -> (i32, i32) {
    %c0_i32 = arith.constant 0 : i32
    %c0_i32_0 = arith.constant 0 : i32
    %c0_i32_1 = arith.constant 0 : i32
    return %c0_i32, %c0_i32_0 : i32, i32
  }
  func.func @transform_5(%arg0: i32) -> (i32, i32) {
    %c0_i32 = arith.constant 0 : i32
    %c0_i32_0 = arith.constant 0 : i32
    %c0_i32_1 = arith.constant 0 : i32
    return %c0_i32, %c0_i32_0 : i32, i32
  }
  func.func @transform_6(%arg0: i32) -> (i32, i32) {
    %c0_i32 = arith.constant 0 : i32
    %c0_i32_0 = arith.constant 0 : i32
    return %arg0, %c0_i32 : i32, i32
  }
}

module attributes {stable_mosaic.version = 14 : i64} {
  func.func @_tc_body(%arg0: i32, %arg1: memref<4000x128xf32, #tpu.memory_space<vmem>>, %arg2: memref<20x512xf32, #tpu.memory_space<vmem>>, %arg3: memref<128x512xf32, #tpu.memory_space<vmem>>, %arg4: memref<200x128xf32, #tpu.memory_space<vmem>>, %arg5: memref<512x64xf32, #tpu.memory_space<vmem>>, %arg6: memref<1x64xf32, #tpu.memory_space<vmem>>, %arg7: memref<200x64xf32, #tpu.memory_space<vmem>>) attributes {dimension_semantics = [#tpu.dimension_semantics<arbitrary>], iteration_bounds = array<i64: 48>, scalar_prefetch = 0 : i64, scratch_operands = 0 : i64, tpu.core_type = #tpu.core_type<tc>, window_params = [{transform_indices = @transform_0, window_bounds = array<i64: 4000, 128>}, {pipeline_mode = #tpu.pipeline_mode<synchronous>, transform_indices = @transform_1, window_bounds = array<i64: 20, 512>}, {pipeline_mode = #tpu.pipeline_mode<synchronous>, transform_indices = @transform_2, window_bounds = array<i64: 128, 512>}, {transform_indices = @transform_3, window_bounds = array<i64: 200, 128>}, {pipeline_mode = #tpu.pipeline_mode<synchronous>, transform_indices = @transform_4, window_bounds = array<i64: 512, 64>}, {pipeline_mode = #tpu.pipeline_mode<synchronous>, transform_indices = @transform_5, window_bounds = array<i64: 1, 64>}, {transform_indices = @transform_6, window_bounds = array<i64: 200, 64>}]} {
    %get3A = arith.constant 0 : index
    %get3A_0 = arith.constant 0 : index
    %get3A_1 = vector.load %arg3[%get3A, %get3A_0] : memref<128x512xf32, #tpu.memory_space<vmem>>, vector<128x512xf32>
    %get3A_2 = arith.constant 0 : index
    %get3A_3 = arith.constant 0 : index
    %get3A_4 = vector.load %arg1[%get3A_2, %get3A_3] : memref<4000x128xf32, #tpu.memory_space<vmem>>, vector<4000x128xf32>
    %reshape3A = vector.shape_cast %get3A_4 : vector<4000x128xf32> to vector<25x160x128xf32>
    %slice3A = vector.extract_strided_slice %reshape3A {offsets = [0, 0, 0], sizes = [25, 8, 128], strides = [1, 1, 1]} : vector<25x160x128xf32> to vector<25x8x128xf32>
    %reshape3A_5 = vector.shape_cast %slice3A : vector<25x8x128xf32> to vector<200x128xf32>
    %broadcast_in_dim3A = arith.constant 0.000000e+00 : f32
    %broadcast_in_dim3A_6 = vector.broadcast %broadcast_in_dim3A : f32 to vector<200x512xf32>
    %get3A_7 = arith.constant 0 : index
    %get3A_8 = arith.constant 0 : index
    %get3A_9 = vector.load %arg2[%get3A_7, %get3A_8] : memref<20x512xf32, #tpu.memory_space<vmem>>, vector<1x512xf32>
    %add3A = vector.broadcast %get3A_9 : vector<1x512xf32> to vector<200x512xf32>
    %add3A_10 = arith.addf %broadcast_in_dim3A_6, %add3A : vector<200x512xf32>
    %max3A = arith.constant 0.000000e+00 : f32
    %max3A_11 = vector.broadcast %max3A : f32 to vector<200x512xf32>
    %max3A_12 = arith.maximumf %add3A_10, %max3A_11 : vector<200x512xf32>
    %slice3A_13 = vector.extract_strided_slice %reshape3A_5 {offsets = [0, 0], sizes = [200, 64], strides = [1, 1]} : vector<200x128xf32> to vector<200x64xf32>
    %concatenate3A = tpu.concatenate %slice3A_13, %slice3A_13, %slice3A_13, %slice3A_13, %slice3A_13, %slice3A_13, %slice3A_13, %slice3A_13 in 1 : vector<200x64xf32>, vector<200x64xf32>, vector<200x64xf32>, vector<200x64xf32>, vector<200x64xf32>, vector<200x64xf32>, vector<200x64xf32>, vector<200x64xf32> -> vector<200x512xf32>
    %mul3A = arith.mulf %max3A_12, %concatenate3A : vector<200x512xf32>
    %slice3A_14 = vector.extract_strided_slice %reshape3A {offsets = [0, 8, 0], sizes = [25, 8, 128], strides = [1, 1, 1]} : vector<25x160x128xf32> to vector<25x8x128xf32>
    %reshape3A_15 = vector.shape_cast %slice3A_14 : vector<25x8x128xf32> to vector<200x128xf32>
    %sub3A = arith.subf %reshape3A_15, %reshape3A_5 : vector<200x128xf32>
    %dot_general3A = arith.constant dense<0.000000e+00> : vector<200x512xf32>
    %dot_general3A_16 = tpu.matmul %sub3A, %get3A_1, %dot_general3A {dimension_numbers = #tpu.dot_dimension_numbers<[1], [0], [0], [1], [0, 0, 1, 1], [], []>, transpose_lhs_hint = false} : vector<200x128xf32>, vector<128x512xf32>, vector<200x512xf32> -> vector<200x512xf32>
    %max3A_17 = arith.constant 0.000000e+00 : f32
    %max3A_18 = vector.broadcast %max3A_17 : f32 to vector<200x512xf32>
    %max3A_19 = arith.maximumf %dot_general3A_16, %max3A_18 : vector<200x512xf32>
    %add3A_20 = arith.addf %max3A_12, %max3A_19 : vector<200x512xf32>
    %slice3A_21 = vector.extract_strided_slice %reshape3A_15 {offsets = [0, 0], sizes = [200, 64], strides = [1, 1]} : vector<200x128xf32> to vector<200x64xf32>
    %concatenate3A_22 = tpu.concatenate %slice3A_21, %slice3A_21, %slice3A_21, %slice3A_21, %slice3A_21, %slice3A_21, %slice3A_21, %slice3A_21 in 1 : vector<200x64xf32>, vector<200x64xf32>, vector<200x64xf32>, vector<200x64xf32>, vector<200x64xf32>, vector<200x64xf32>, vector<200x64xf32>, vector<200x64xf32> -> vector<200x512xf32>
    %mul3A_23 = arith.mulf %max3A_19, %concatenate3A_22 : vector<200x512xf32>
    %add3A_24 = arith.addf %mul3A, %mul3A_23 : vector<200x512xf32>
    %slice3A_25 = vector.extract_strided_slice %reshape3A {offsets = [0, 16, 0], sizes = [25, 8, 128], strides = [1, 1, 1]} : vector<25x160x128xf32> to vector<25x8x128xf32>
    %reshape3A_26 = vector.shape_cast %slice3A_25 : vector<25x8x128xf32> to vector<200x128xf32>
    %sub3A_27 = arith.subf %reshape3A_26, %reshape3A_5 : vector<200x128xf32>
    %dot_general3A_28 = arith.constant dense<0.000000e+00> : vector<200x512xf32>
    %dot_general3A_29 = tpu.matmul %sub3A_27, %get3A_1, %dot_general3A_28 {dimension_numbers = #tpu.dot_dimension_numbers<[1], [0], [0], [1], [0, 0, 1, 1], [], []>, transpose_lhs_hint = false} : vector<200x128xf32>, vector<128x512xf32>, vector<200x512xf32> -> vector<200x512xf32>
    %max3A_30 = arith.constant 0.000000e+00 : f32
    %max3A_31 = vector.broadcast %max3A_30 : f32 to vector<200x512xf32>
    %max3A_32 = arith.maximumf %dot_general3A_29, %max3A_31 : vector<200x512xf32>
    %add3A_33 = arith.addf %add3A_20, %max3A_32 : vector<200x512xf32>
    %slice3A_34 = vector.extract_strided_slice %reshape3A_26 {offsets = [0, 0], sizes = [200, 64], strides = [1, 1]} : vector<200x128xf32> to vector<200x64xf32>
    %concatenate3A_35 = tpu.concatenate %slice3A_34, %slice3A_34, %slice3A_34, %slice3A_34, %slice3A_34, %slice3A_34, %slice3A_34, %slice3A_34 in 1 : vector<200x64xf32>, vector<200x64xf32>, vector<200x64xf32>, vector<200x64xf32>, vector<200x64xf32>, vector<200x64xf32>, vector<200x64xf32>, vector<200x64xf32> -> vector<200x512xf32>
    %mul3A_36 = arith.mulf %max3A_32, %concatenate3A_35 : vector<200x512xf32>
    %add3A_37 = arith.addf %add3A_24, %mul3A_36 : vector<200x512xf32>
    %slice3A_38 = vector.extract_strided_slice %reshape3A {offsets = [0, 24, 0], sizes = [25, 8, 128], strides = [1, 1, 1]} : vector<25x160x128xf32> to vector<25x8x128xf32>
    %reshape3A_39 = vector.shape_cast %slice3A_38 : vector<25x8x128xf32> to vector<200x128xf32>
    %sub3A_40 = arith.subf %reshape3A_39, %reshape3A_5 : vector<200x128xf32>
    %dot_general3A_41 = arith.constant dense<0.000000e+00> : vector<200x512xf32>
    %dot_general3A_42 = tpu.matmul %sub3A_40, %get3A_1, %dot_general3A_41 {dimension_numbers = #tpu.dot_dimension_numbers<[1], [0], [0], [1], [0, 0, 1, 1], [], []>, transpose_lhs_hint = false} : vector<200x128xf32>, vector<128x512xf32>, vector<200x512xf32> -> vector<200x512xf32>
    %max3A_43 = arith.constant 0.000000e+00 : f32
    %max3A_44 = vector.broadcast %max3A_43 : f32 to vector<200x512xf32>
    %max3A_45 = arith.maximumf %dot_general3A_42, %max3A_44 : vector<200x512xf32>
    %add3A_46 = arith.addf %add3A_33, %max3A_45 : vector<200x512xf32>
    %slice3A_47 = vector.extract_strided_slice %reshape3A_39 {offsets = [0, 0], sizes = [200, 64], strides = [1, 1]} : vector<200x128xf32> to vector<200x64xf32>
    %concatenate3A_48 = tpu.concatenate %slice3A_47, %slice3A_47, %slice3A_47, %slice3A_47, %slice3A_47, %slice3A_47, %slice3A_47, %slice3A_47 in 1 : vector<200x64xf32>, vector<200x64xf32>, vector<200x64xf32>, vector<200x64xf32>, vector<200x64xf32>, vector<200x64xf32>, vector<200x64xf32>, vector<200x64xf32> -> vector<200x512xf32>
    %mul3A_49 = arith.mulf %max3A_45, %concatenate3A_48 : vector<200x512xf32>
    %add3A_50 = arith.addf %add3A_37, %mul3A_49 : vector<200x512xf32>
    %slice3A_51 = vector.extract_strided_slice %reshape3A {offsets = [0, 32, 0], sizes = [25, 8, 128], strides = [1, 1, 1]} : vector<25x160x128xf32> to vector<25x8x128xf32>
    %reshape3A_52 = vector.shape_cast %slice3A_51 : vector<25x8x128xf32> to vector<200x128xf32>
    %sub3A_53 = arith.subf %reshape3A_52, %reshape3A_5 : vector<200x128xf32>
    %dot_general3A_54 = arith.constant dense<0.000000e+00> : vector<200x512xf32>
    %dot_general3A_55 = tpu.matmul %sub3A_53, %get3A_1, %dot_general3A_54 {dimension_numbers = #tpu.dot_dimension_numbers<[1], [0], [0], [1], [0, 0, 1, 1], [], []>, transpose_lhs_hint = false} : vector<200x128xf32>, vector<128x512xf32>, vector<200x512xf32> -> vector<200x512xf32>
    %max3A_56 = arith.constant 0.000000e+00 : f32
    %max3A_57 = vector.broadcast %max3A_56 : f32 to vector<200x512xf32>
    %max3A_58 = arith.maximumf %dot_general3A_55, %max3A_57 : vector<200x512xf32>
    %add3A_59 = arith.addf %add3A_46, %max3A_58 : vector<200x512xf32>
    %slice3A_60 = vector.extract_strided_slice %reshape3A_52 {offsets = [0, 0], sizes = [200, 64], strides = [1, 1]} : vector<200x128xf32> to vector<200x64xf32>
    %concatenate3A_61 = tpu.concatenate %slice3A_60, %slice3A_60, %slice3A_60, %slice3A_60, %slice3A_60, %slice3A_60, %slice3A_60, %slice3A_60 in 1 : vector<200x64xf32>, vector<200x64xf32>, vector<200x64xf32>, vector<200x64xf32>, vector<200x64xf32>, vector<200x64xf32>, vector<200x64xf32>, vector<200x64xf32> -> vector<200x512xf32>
    %mul3A_62 = arith.mulf %max3A_58, %concatenate3A_61 : vector<200x512xf32>
    %add3A_63 = arith.addf %add3A_50, %mul3A_62 : vector<200x512xf32>
    %slice3A_64 = vector.extract_strided_slice %reshape3A {offsets = [0, 40, 0], sizes = [25, 8, 128], strides = [1, 1, 1]} : vector<25x160x128xf32> to vector<25x8x128xf32>
    %reshape3A_65 = vector.shape_cast %slice3A_64 : vector<25x8x128xf32> to vector<200x128xf32>
    %sub3A_66 = arith.subf %reshape3A_65, %reshape3A_5 : vector<200x128xf32>
    %dot_general3A_67 = arith.constant dense<0.000000e+00> : vector<200x512xf32>
    %dot_general3A_68 = tpu.matmul %sub3A_66, %get3A_1, %dot_general3A_67 {dimension_numbers = #tpu.dot_dimension_numbers<[1], [0], [0], [1], [0, 0, 1, 1], [], []>, transpose_lhs_hint = false} : vector<200x128xf32>, vector<128x512xf32>, vector<200x512xf32> -> vector<200x512xf32>
    %max3A_69 = arith.constant 0.000000e+00 : f32
    %max3A_70 = vector.broadcast %max3A_69 : f32 to vector<200x512xf32>
    %max3A_71 = arith.maximumf %dot_general3A_68, %max3A_70 : vector<200x512xf32>
    %add3A_72 = arith.addf %add3A_59, %max3A_71 : vector<200x512xf32>
    %slice3A_73 = vector.extract_strided_slice %reshape3A_65 {offsets = [0, 0], sizes = [200, 64], strides = [1, 1]} : vector<200x128xf32> to vector<200x64xf32>
    %concatenate3A_74 = tpu.concatenate %slice3A_73, %slice3A_73, %slice3A_73, %slice3A_73, %slice3A_73, %slice3A_73, %slice3A_73, %slice3A_73 in 1 : vector<200x64xf32>, vector<200x64xf32>, vector<200x64xf32>, vector<200x64xf32>, vector<200x64xf32>, vector<200x64xf32>, vector<200x64xf32>, vector<200x64xf32> -> vector<200x512xf32>
    %mul3A_75 = arith.mulf %max3A_71, %concatenate3A_74 : vector<200x512xf32>
    %add3A_76 = arith.addf %add3A_63, %mul3A_75 : vector<200x512xf32>
    %slice3A_77 = vector.extract_strided_slice %reshape3A {offsets = [0, 48, 0], sizes = [25, 8, 128], strides = [1, 1, 1]} : vector<25x160x128xf32> to vector<25x8x128xf32>
    %reshape3A_78 = vector.shape_cast %slice3A_77 : vector<25x8x128xf32> to vector<200x128xf32>
    %sub3A_79 = arith.subf %reshape3A_78, %reshape3A_5 : vector<200x128xf32>
    %dot_general3A_80 = arith.constant dense<0.000000e+00> : vector<200x512xf32>
    %dot_general3A_81 = tpu.matmul %sub3A_79, %get3A_1, %dot_general3A_80 {dimension_numbers = #tpu.dot_dimension_numbers<[1], [0], [0], [1], [0, 0, 1, 1], [], []>, transpose_lhs_hint = false} : vector<200x128xf32>, vector<128x512xf32>, vector<200x512xf32> -> vector<200x512xf32>
    %max3A_82 = arith.constant 0.000000e+00 : f32
    %max3A_83 = vector.broadcast %max3A_82 : f32 to vector<200x512xf32>
    %max3A_84 = arith.maximumf %dot_general3A_81, %max3A_83 : vector<200x512xf32>
    %add3A_85 = arith.addf %add3A_72, %max3A_84 : vector<200x512xf32>
    %slice3A_86 = vector.extract_strided_slice %reshape3A_78 {offsets = [0, 0], sizes = [200, 64], strides = [1, 1]} : vector<200x128xf32> to vector<200x64xf32>
    %concatenate3A_87 = tpu.concatenate %slice3A_86, %slice3A_86, %slice3A_86, %slice3A_86, %slice3A_86, %slice3A_86, %slice3A_86, %slice3A_86 in 1 : vector<200x64xf32>, vector<200x64xf32>, vector<200x64xf32>, vector<200x64xf32>, vector<200x64xf32>, vector<200x64xf32>, vector<200x64xf32>, vector<200x64xf32> -> vector<200x512xf32>
    %mul3A_88 = arith.mulf %max3A_84, %concatenate3A_87 : vector<200x512xf32>
    %add3A_89 = arith.addf %add3A_76, %mul3A_88 : vector<200x512xf32>
    %slice3A_90 = vector.extract_strided_slice %reshape3A {offsets = [0, 56, 0], sizes = [25, 8, 128], strides = [1, 1, 1]} : vector<25x160x128xf32> to vector<25x8x128xf32>
    %reshape3A_91 = vector.shape_cast %slice3A_90 : vector<25x8x128xf32> to vector<200x128xf32>
    %sub3A_92 = arith.subf %reshape3A_91, %reshape3A_5 : vector<200x128xf32>
    %dot_general3A_93 = arith.constant dense<0.000000e+00> : vector<200x512xf32>
    %dot_general3A_94 = tpu.matmul %sub3A_92, %get3A_1, %dot_general3A_93 {dimension_numbers = #tpu.dot_dimension_numbers<[1], [0], [0], [1], [0, 0, 1, 1], [], []>, transpose_lhs_hint = false} : vector<200x128xf32>, vector<128x512xf32>, vector<200x512xf32> -> vector<200x512xf32>
    %max3A_95 = arith.constant 0.000000e+00 : f32
    %max3A_96 = vector.broadcast %max3A_95 : f32 to vector<200x512xf32>
    %max3A_97 = arith.maximumf %dot_general3A_94, %max3A_96 : vector<200x512xf32>
    %add3A_98 = arith.addf %add3A_85, %max3A_97 : vector<200x512xf32>
    %slice3A_99 = vector.extract_strided_slice %reshape3A_91 {offsets = [0, 0], sizes = [200, 64], strides = [1, 1]} : vector<200x128xf32> to vector<200x64xf32>
    %concatenate3A_100 = tpu.concatenate %slice3A_99, %slice3A_99, %slice3A_99, %slice3A_99, %slice3A_99, %slice3A_99, %slice3A_99, %slice3A_99 in 1 : vector<200x64xf32>, vector<200x64xf32>, vector<200x64xf32>, vector<200x64xf32>, vector<200x64xf32>, vector<200x64xf32>, vector<200x64xf32>, vector<200x64xf32> -> vector<200x512xf32>
    %mul3A_101 = arith.mulf %max3A_97, %concatenate3A_100 : vector<200x512xf32>
    %add3A_102 = arith.addf %add3A_89, %mul3A_101 : vector<200x512xf32>
    %slice3A_103 = vector.extract_strided_slice %reshape3A {offsets = [0, 64, 0], sizes = [25, 8, 128], strides = [1, 1, 1]} : vector<25x160x128xf32> to vector<25x8x128xf32>
    %reshape3A_104 = vector.shape_cast %slice3A_103 : vector<25x8x128xf32> to vector<200x128xf32>
    %sub3A_105 = arith.subf %reshape3A_104, %reshape3A_5 : vector<200x128xf32>
    %dot_general3A_106 = arith.constant dense<0.000000e+00> : vector<200x512xf32>
    %dot_general3A_107 = tpu.matmul %sub3A_105, %get3A_1, %dot_general3A_106 {dimension_numbers = #tpu.dot_dimension_numbers<[1], [0], [0], [1], [0, 0, 1, 1], [], []>, transpose_lhs_hint = false} : vector<200x128xf32>, vector<128x512xf32>, vector<200x512xf32> -> vector<200x512xf32>
    %max3A_108 = arith.constant 0.000000e+00 : f32
    %max3A_109 = vector.broadcast %max3A_108 : f32 to vector<200x512xf32>
    %max3A_110 = arith.maximumf %dot_general3A_107, %max3A_109 : vector<200x512xf32>
    %add3A_111 = arith.addf %add3A_98, %max3A_110 : vector<200x512xf32>
    %slice3A_112 = vector.extract_strided_slice %reshape3A_104 {offsets = [0, 0], sizes = [200, 64], strides = [1, 1]} : vector<200x128xf32> to vector<200x64xf32>
    %concatenate3A_113 = tpu.concatenate %slice3A_112, %slice3A_112, %slice3A_112, %slice3A_112, %slice3A_112, %slice3A_112, %slice3A_112, %slice3A_112 in 1 : vector<200x64xf32>, vector<200x64xf32>, vector<200x64xf32>, vector<200x64xf32>, vector<200x64xf32>, vector<200x64xf32>, vector<200x64xf32>, vector<200x64xf32> -> vector<200x512xf32>
    %mul3A_114 = arith.mulf %max3A_110, %concatenate3A_113 : vector<200x512xf32>
    %add3A_115 = arith.addf %add3A_102, %mul3A_114 : vector<200x512xf32>
    %slice3A_116 = vector.extract_strided_slice %reshape3A {offsets = [0, 72, 0], sizes = [25, 8, 128], strides = [1, 1, 1]} : vector<25x160x128xf32> to vector<25x8x128xf32>
    %reshape3A_117 = vector.shape_cast %slice3A_116 : vector<25x8x128xf32> to vector<200x128xf32>
    %sub3A_118 = arith.subf %reshape3A_117, %reshape3A_5 : vector<200x128xf32>
    %dot_general3A_119 = arith.constant dense<0.000000e+00> : vector<200x512xf32>
    %dot_general3A_120 = tpu.matmul %sub3A_118, %get3A_1, %dot_general3A_119 {dimension_numbers = #tpu.dot_dimension_numbers<[1], [0], [0], [1], [0, 0, 1, 1], [], []>, transpose_lhs_hint = false} : vector<200x128xf32>, vector<128x512xf32>, vector<200x512xf32> -> vector<200x512xf32>
    %max3A_121 = arith.constant 0.000000e+00 : f32
    %max3A_122 = vector.broadcast %max3A_121 : f32 to vector<200x512xf32>
    %max3A_123 = arith.maximumf %dot_general3A_120, %max3A_122 : vector<200x512xf32>
    %add3A_124 = arith.addf %add3A_111, %max3A_123 : vector<200x512xf32>
    %slice3A_125 = vector.extract_strided_slice %reshape3A_117 {offsets = [0, 0], sizes = [200, 64], strides = [1, 1]} : vector<200x128xf32> to vector<200x64xf32>
    %concatenate3A_126 = tpu.concatenate %slice3A_125, %slice3A_125, %slice3A_125, %slice3A_125, %slice3A_125, %slice3A_125, %slice3A_125, %slice3A_125 in 1 : vector<200x64xf32>, vector<200x64xf32>, vector<200x64xf32>, vector<200x64xf32>, vector<200x64xf32>, vector<200x64xf32>, vector<200x64xf32>, vector<200x64xf32> -> vector<200x512xf32>
    %mul3A_127 = arith.mulf %max3A_123, %concatenate3A_126 : vector<200x512xf32>
    %add3A_128 = arith.addf %add3A_115, %mul3A_127 : vector<200x512xf32>
    %slice3A_129 = vector.extract_strided_slice %reshape3A {offsets = [0, 80, 0], sizes = [25, 8, 128], strides = [1, 1, 1]} : vector<25x160x128xf32> to vector<25x8x128xf32>
    %reshape3A_130 = vector.shape_cast %slice3A_129 : vector<25x8x128xf32> to vector<200x128xf32>
    %sub3A_131 = arith.subf %reshape3A_130, %reshape3A_5 : vector<200x128xf32>
    %dot_general3A_132 = arith.constant dense<0.000000e+00> : vector<200x512xf32>
    %dot_general3A_133 = tpu.matmul %sub3A_131, %get3A_1, %dot_general3A_132 {dimension_numbers = #tpu.dot_dimension_numbers<[1], [0], [0], [1], [0, 0, 1, 1], [], []>, transpose_lhs_hint = false} : vector<200x128xf32>, vector<128x512xf32>, vector<200x512xf32> -> vector<200x512xf32>
    %max3A_134 = arith.constant 0.000000e+00 : f32
    %max3A_135 = vector.broadcast %max3A_134 : f32 to vector<200x512xf32>
    %max3A_136 = arith.maximumf %dot_general3A_133, %max3A_135 : vector<200x512xf32>
    %add3A_137 = arith.addf %add3A_124, %max3A_136 : vector<200x512xf32>
    %slice3A_138 = vector.extract_strided_slice %reshape3A_130 {offsets = [0, 0], sizes = [200, 64], strides = [1, 1]} : vector<200x128xf32> to vector<200x64xf32>
    %concatenate3A_139 = tpu.concatenate %slice3A_138, %slice3A_138, %slice3A_138, %slice3A_138, %slice3A_138, %slice3A_138, %slice3A_138, %slice3A_138 in 1 : vector<200x64xf32>, vector<200x64xf32>, vector<200x64xf32>, vector<200x64xf32>, vector<200x64xf32>, vector<200x64xf32>, vector<200x64xf32>, vector<200x64xf32> -> vector<200x512xf32>
    %mul3A_140 = arith.mulf %max3A_136, %concatenate3A_139 : vector<200x512xf32>
    %add3A_141 = arith.addf %add3A_128, %mul3A_140 : vector<200x512xf32>
    %slice3A_142 = vector.extract_strided_slice %reshape3A {offsets = [0, 88, 0], sizes = [25, 8, 128], strides = [1, 1, 1]} : vector<25x160x128xf32> to vector<25x8x128xf32>
    %reshape3A_143 = vector.shape_cast %slice3A_142 : vector<25x8x128xf32> to vector<200x128xf32>
    %sub3A_144 = arith.subf %reshape3A_143, %reshape3A_5 : vector<200x128xf32>
    %dot_general3A_145 = arith.constant dense<0.000000e+00> : vector<200x512xf32>
    %dot_general3A_146 = tpu.matmul %sub3A_144, %get3A_1, %dot_general3A_145 {dimension_numbers = #tpu.dot_dimension_numbers<[1], [0], [0], [1], [0, 0, 1, 1], [], []>, transpose_lhs_hint = false} : vector<200x128xf32>, vector<128x512xf32>, vector<200x512xf32> -> vector<200x512xf32>
    %max3A_147 = arith.constant 0.000000e+00 : f32
    %max3A_148 = vector.broadcast %max3A_147 : f32 to vector<200x512xf32>
    %max3A_149 = arith.maximumf %dot_general3A_146, %max3A_148 : vector<200x512xf32>
    %add3A_150 = arith.addf %add3A_137, %max3A_149 : vector<200x512xf32>
    %slice3A_151 = vector.extract_strided_slice %reshape3A_143 {offsets = [0, 0], sizes = [200, 64], strides = [1, 1]} : vector<200x128xf32> to vector<200x64xf32>
    %concatenate3A_152 = tpu.concatenate %slice3A_151, %slice3A_151, %slice3A_151, %slice3A_151, %slice3A_151, %slice3A_151, %slice3A_151, %slice3A_151 in 1 : vector<200x64xf32>, vector<200x64xf32>, vector<200x64xf32>, vector<200x64xf32>, vector<200x64xf32>, vector<200x64xf32>, vector<200x64xf32>, vector<200x64xf32> -> vector<200x512xf32>
    %mul3A_153 = arith.mulf %max3A_149, %concatenate3A_152 : vector<200x512xf32>
    %add3A_154 = arith.addf %add3A_141, %mul3A_153 : vector<200x512xf32>
    %slice3A_155 = vector.extract_strided_slice %reshape3A {offsets = [0, 96, 0], sizes = [25, 8, 128], strides = [1, 1, 1]} : vector<25x160x128xf32> to vector<25x8x128xf32>
    %reshape3A_156 = vector.shape_cast %slice3A_155 : vector<25x8x128xf32> to vector<200x128xf32>
    %sub3A_157 = arith.subf %reshape3A_156, %reshape3A_5 : vector<200x128xf32>
    %dot_general3A_158 = arith.constant dense<0.000000e+00> : vector<200x512xf32>
    %dot_general3A_159 = tpu.matmul %sub3A_157, %get3A_1, %dot_general3A_158 {dimension_numbers = #tpu.dot_dimension_numbers<[1], [0], [0], [1], [0, 0, 1, 1], [], []>, transpose_lhs_hint = false} : vector<200x128xf32>, vector<128x512xf32>, vector<200x512xf32> -> vector<200x512xf32>
    %max3A_160 = arith.constant 0.000000e+00 : f32
    %max3A_161 = vector.broadcast %max3A_160 : f32 to vector<200x512xf32>
    %max3A_162 = arith.maximumf %dot_general3A_159, %max3A_161 : vector<200x512xf32>
    %add3A_163 = arith.addf %add3A_150, %max3A_162 : vector<200x512xf32>
    %slice3A_164 = vector.extract_strided_slice %reshape3A_156 {offsets = [0, 0], sizes = [200, 64], strides = [1, 1]} : vector<200x128xf32> to vector<200x64xf32>
    %concatenate3A_165 = tpu.concatenate %slice3A_164, %slice3A_164, %slice3A_164, %slice3A_164, %slice3A_164, %slice3A_164, %slice3A_164, %slice3A_164 in 1 : vector<200x64xf32>, vector<200x64xf32>, vector<200x64xf32>, vector<200x64xf32>, vector<200x64xf32>, vector<200x64xf32>, vector<200x64xf32>, vector<200x64xf32> -> vector<200x512xf32>
    %mul3A_166 = arith.mulf %max3A_162, %concatenate3A_165 : vector<200x512xf32>
    %add3A_167 = arith.addf %add3A_154, %mul3A_166 : vector<200x512xf32>
    %slice3A_168 = vector.extract_strided_slice %reshape3A {offsets = [0, 104, 0], sizes = [25, 8, 128], strides = [1, 1, 1]} : vector<25x160x128xf32> to vector<25x8x128xf32>
    %reshape3A_169 = vector.shape_cast %slice3A_168 : vector<25x8x128xf32> to vector<200x128xf32>
    %sub3A_170 = arith.subf %reshape3A_169, %reshape3A_5 : vector<200x128xf32>
    %dot_general3A_171 = arith.constant dense<0.000000e+00> : vector<200x512xf32>
    %dot_general3A_172 = tpu.matmul %sub3A_170, %get3A_1, %dot_general3A_171 {dimension_numbers = #tpu.dot_dimension_numbers<[1], [0], [0], [1], [0, 0, 1, 1], [], []>, transpose_lhs_hint = false} : vector<200x128xf32>, vector<128x512xf32>, vector<200x512xf32> -> vector<200x512xf32>
    %max3A_173 = arith.constant 0.000000e+00 : f32
    %max3A_174 = vector.broadcast %max3A_173 : f32 to vector<200x512xf32>
    %max3A_175 = arith.maximumf %dot_general3A_172, %max3A_174 : vector<200x512xf32>
    %add3A_176 = arith.addf %add3A_163, %max3A_175 : vector<200x512xf32>
    %slice3A_177 = vector.extract_strided_slice %reshape3A_169 {offsets = [0, 0], sizes = [200, 64], strides = [1, 1]} : vector<200x128xf32> to vector<200x64xf32>
    %concatenate3A_178 = tpu.concatenate %slice3A_177, %slice3A_177, %slice3A_177, %slice3A_177, %slice3A_177, %slice3A_177, %slice3A_177, %slice3A_177 in 1 : vector<200x64xf32>, vector<200x64xf32>, vector<200x64xf32>, vector<200x64xf32>, vector<200x64xf32>, vector<200x64xf32>, vector<200x64xf32>, vector<200x64xf32> -> vector<200x512xf32>
    %mul3A_179 = arith.mulf %max3A_175, %concatenate3A_178 : vector<200x512xf32>
    %add3A_180 = arith.addf %add3A_167, %mul3A_179 : vector<200x512xf32>
    %slice3A_181 = vector.extract_strided_slice %reshape3A {offsets = [0, 112, 0], sizes = [25, 8, 128], strides = [1, 1, 1]} : vector<25x160x128xf32> to vector<25x8x128xf32>
    %reshape3A_182 = vector.shape_cast %slice3A_181 : vector<25x8x128xf32> to vector<200x128xf32>
    %sub3A_183 = arith.subf %reshape3A_182, %reshape3A_5 : vector<200x128xf32>
    %dot_general3A_184 = arith.constant dense<0.000000e+00> : vector<200x512xf32>
    %dot_general3A_185 = tpu.matmul %sub3A_183, %get3A_1, %dot_general3A_184 {dimension_numbers = #tpu.dot_dimension_numbers<[1], [0], [0], [1], [0, 0, 1, 1], [], []>, transpose_lhs_hint = false} : vector<200x128xf32>, vector<128x512xf32>, vector<200x512xf32> -> vector<200x512xf32>
    %max3A_186 = arith.constant 0.000000e+00 : f32
    %max3A_187 = vector.broadcast %max3A_186 : f32 to vector<200x512xf32>
    %max3A_188 = arith.maximumf %dot_general3A_185, %max3A_187 : vector<200x512xf32>
    %add3A_189 = arith.addf %add3A_176, %max3A_188 : vector<200x512xf32>
    %slice3A_190 = vector.extract_strided_slice %reshape3A_182 {offsets = [0, 0], sizes = [200, 64], strides = [1, 1]} : vector<200x128xf32> to vector<200x64xf32>
    %concatenate3A_191 = tpu.concatenate %slice3A_190, %slice3A_190, %slice3A_190, %slice3A_190, %slice3A_190, %slice3A_190, %slice3A_190, %slice3A_190 in 1 : vector<200x64xf32>, vector<200x64xf32>, vector<200x64xf32>, vector<200x64xf32>, vector<200x64xf32>, vector<200x64xf32>, vector<200x64xf32>, vector<200x64xf32> -> vector<200x512xf32>
    %mul3A_192 = arith.mulf %max3A_188, %concatenate3A_191 : vector<200x512xf32>
    %add3A_193 = arith.addf %add3A_180, %mul3A_192 : vector<200x512xf32>
    %slice3A_194 = vector.extract_strided_slice %reshape3A {offsets = [0, 120, 0], sizes = [25, 8, 128], strides = [1, 1, 1]} : vector<25x160x128xf32> to vector<25x8x128xf32>
    %reshape3A_195 = vector.shape_cast %slice3A_194 : vector<25x8x128xf32> to vector<200x128xf32>
    %sub3A_196 = arith.subf %reshape3A_195, %reshape3A_5 : vector<200x128xf32>
    %dot_general3A_197 = arith.constant dense<0.000000e+00> : vector<200x512xf32>
    %dot_general3A_198 = tpu.matmul %sub3A_196, %get3A_1, %dot_general3A_197 {dimension_numbers = #tpu.dot_dimension_numbers<[1], [0], [0], [1], [0, 0, 1, 1], [], []>, transpose_lhs_hint = false} : vector<200x128xf32>, vector<128x512xf32>, vector<200x512xf32> -> vector<200x512xf32>
    %max3A_199 = arith.constant 0.000000e+00 : f32
    %max3A_200 = vector.broadcast %max3A_199 : f32 to vector<200x512xf32>
    %max3A_201 = arith.maximumf %dot_general3A_198, %max3A_200 : vector<200x512xf32>
    %add3A_202 = arith.addf %add3A_189, %max3A_201 : vector<200x512xf32>
    %slice3A_203 = vector.extract_strided_slice %reshape3A_195 {offsets = [0, 0], sizes = [200, 64], strides = [1, 1]} : vector<200x128xf32> to vector<200x64xf32>
    %concatenate3A_204 = tpu.concatenate %slice3A_203, %slice3A_203, %slice3A_203, %slice3A_203, %slice3A_203, %slice3A_203, %slice3A_203, %slice3A_203 in 1 : vector<200x64xf32>, vector<200x64xf32>, vector<200x64xf32>, vector<200x64xf32>, vector<200x64xf32>, vector<200x64xf32>, vector<200x64xf32>, vector<200x64xf32> -> vector<200x512xf32>
    %mul3A_205 = arith.mulf %max3A_201, %concatenate3A_204 : vector<200x512xf32>
    %add3A_206 = arith.addf %add3A_193, %mul3A_205 : vector<200x512xf32>
    %slice3A_207 = vector.extract_strided_slice %reshape3A {offsets = [0, 128, 0], sizes = [25, 8, 128], strides = [1, 1, 1]} : vector<25x160x128xf32> to vector<25x8x128xf32>
    %reshape3A_208 = vector.shape_cast %slice3A_207 : vector<25x8x128xf32> to vector<200x128xf32>
    %sub3A_209 = arith.subf %reshape3A_208, %reshape3A_5 : vector<200x128xf32>
    %dot_general3A_210 = arith.constant dense<0.000000e+00> : vector<200x512xf32>
    %dot_general3A_211 = tpu.matmul %sub3A_209, %get3A_1, %dot_general3A_210 {dimension_numbers = #tpu.dot_dimension_numbers<[1], [0], [0], [1], [0, 0, 1, 1], [], []>, transpose_lhs_hint = false} : vector<200x128xf32>, vector<128x512xf32>, vector<200x512xf32> -> vector<200x512xf32>
    %max3A_212 = arith.constant 0.000000e+00 : f32
    %max3A_213 = vector.broadcast %max3A_212 : f32 to vector<200x512xf32>
    %max3A_214 = arith.maximumf %dot_general3A_211, %max3A_213 : vector<200x512xf32>
    %add3A_215 = arith.addf %add3A_202, %max3A_214 : vector<200x512xf32>
    %slice3A_216 = vector.extract_strided_slice %reshape3A_208 {offsets = [0, 0], sizes = [200, 64], strides = [1, 1]} : vector<200x128xf32> to vector<200x64xf32>
    %concatenate3A_217 = tpu.concatenate %slice3A_216, %slice3A_216, %slice3A_216, %slice3A_216, %slice3A_216, %slice3A_216, %slice3A_216, %slice3A_216 in 1 : vector<200x64xf32>, vector<200x64xf32>, vector<200x64xf32>, vector<200x64xf32>, vector<200x64xf32>, vector<200x64xf32>, vector<200x64xf32>, vector<200x64xf32> -> vector<200x512xf32>
    %mul3A_218 = arith.mulf %max3A_214, %concatenate3A_217 : vector<200x512xf32>
    %add3A_219 = arith.addf %add3A_206, %mul3A_218 : vector<200x512xf32>
    %slice3A_220 = vector.extract_strided_slice %reshape3A {offsets = [0, 136, 0], sizes = [25, 8, 128], strides = [1, 1, 1]} : vector<25x160x128xf32> to vector<25x8x128xf32>
    %reshape3A_221 = vector.shape_cast %slice3A_220 : vector<25x8x128xf32> to vector<200x128xf32>
    %sub3A_222 = arith.subf %reshape3A_221, %reshape3A_5 : vector<200x128xf32>
    %dot_general3A_223 = arith.constant dense<0.000000e+00> : vector<200x512xf32>
    %dot_general3A_224 = tpu.matmul %sub3A_222, %get3A_1, %dot_general3A_223 {dimension_numbers = #tpu.dot_dimension_numbers<[1], [0], [0], [1], [0, 0, 1, 1], [], []>, transpose_lhs_hint = false} : vector<200x128xf32>, vector<128x512xf32>, vector<200x512xf32> -> vector<200x512xf32>
    %max3A_225 = arith.constant 0.000000e+00 : f32
    %max3A_226 = vector.broadcast %max3A_225 : f32 to vector<200x512xf32>
    %max3A_227 = arith.maximumf %dot_general3A_224, %max3A_226 : vector<200x512xf32>
    %add3A_228 = arith.addf %add3A_215, %max3A_227 : vector<200x512xf32>
    %slice3A_229 = vector.extract_strided_slice %reshape3A_221 {offsets = [0, 0], sizes = [200, 64], strides = [1, 1]} : vector<200x128xf32> to vector<200x64xf32>
    %concatenate3A_230 = tpu.concatenate %slice3A_229, %slice3A_229, %slice3A_229, %slice3A_229, %slice3A_229, %slice3A_229, %slice3A_229, %slice3A_229 in 1 : vector<200x64xf32>, vector<200x64xf32>, vector<200x64xf32>, vector<200x64xf32>, vector<200x64xf32>, vector<200x64xf32>, vector<200x64xf32>, vector<200x64xf32> -> vector<200x512xf32>
    %mul3A_231 = arith.mulf %max3A_227, %concatenate3A_230 : vector<200x512xf32>
    %add3A_232 = arith.addf %add3A_219, %mul3A_231 : vector<200x512xf32>
    %slice3A_233 = vector.extract_strided_slice %reshape3A {offsets = [0, 144, 0], sizes = [25, 8, 128], strides = [1, 1, 1]} : vector<25x160x128xf32> to vector<25x8x128xf32>
    %reshape3A_234 = vector.shape_cast %slice3A_233 : vector<25x8x128xf32> to vector<200x128xf32>
    %sub3A_235 = arith.subf %reshape3A_234, %reshape3A_5 : vector<200x128xf32>
    %dot_general3A_236 = arith.constant dense<0.000000e+00> : vector<200x512xf32>
    %dot_general3A_237 = tpu.matmul %sub3A_235, %get3A_1, %dot_general3A_236 {dimension_numbers = #tpu.dot_dimension_numbers<[1], [0], [0], [1], [0, 0, 1, 1], [], []>, transpose_lhs_hint = false} : vector<200x128xf32>, vector<128x512xf32>, vector<200x512xf32> -> vector<200x512xf32>
    %max3A_238 = arith.constant 0.000000e+00 : f32
    %max3A_239 = vector.broadcast %max3A_238 : f32 to vector<200x512xf32>
    %max3A_240 = arith.maximumf %dot_general3A_237, %max3A_239 : vector<200x512xf32>
    %add3A_241 = arith.addf %add3A_228, %max3A_240 : vector<200x512xf32>
    %slice3A_242 = vector.extract_strided_slice %reshape3A_234 {offsets = [0, 0], sizes = [200, 64], strides = [1, 1]} : vector<200x128xf32> to vector<200x64xf32>
    %concatenate3A_243 = tpu.concatenate %slice3A_242, %slice3A_242, %slice3A_242, %slice3A_242, %slice3A_242, %slice3A_242, %slice3A_242, %slice3A_242 in 1 : vector<200x64xf32>, vector<200x64xf32>, vector<200x64xf32>, vector<200x64xf32>, vector<200x64xf32>, vector<200x64xf32>, vector<200x64xf32>, vector<200x64xf32> -> vector<200x512xf32>
    %mul3A_244 = arith.mulf %max3A_240, %concatenate3A_243 : vector<200x512xf32>
    %add3A_245 = arith.addf %add3A_232, %mul3A_244 : vector<200x512xf32>
    %slice3A_246 = vector.extract_strided_slice %reshape3A {offsets = [0, 152, 0], sizes = [25, 8, 128], strides = [1, 1, 1]} : vector<25x160x128xf32> to vector<25x8x128xf32>
    %reshape3A_247 = vector.shape_cast %slice3A_246 : vector<25x8x128xf32> to vector<200x128xf32>
    %sub3A_248 = arith.subf %reshape3A_247, %reshape3A_5 : vector<200x128xf32>
    %dot_general3A_249 = arith.constant dense<0.000000e+00> : vector<200x512xf32>
    %dot_general3A_250 = tpu.matmul %sub3A_248, %get3A_1, %dot_general3A_249 {dimension_numbers = #tpu.dot_dimension_numbers<[1], [0], [0], [1], [0, 0, 1, 1], [], []>, transpose_lhs_hint = false} : vector<200x128xf32>, vector<128x512xf32>, vector<200x512xf32> -> vector<200x512xf32>
    %max3A_251 = arith.constant 0.000000e+00 : f32
    %max3A_252 = vector.broadcast %max3A_251 : f32 to vector<200x512xf32>
    %max3A_253 = arith.maximumf %dot_general3A_250, %max3A_252 : vector<200x512xf32>
    %add3A_254 = arith.addf %add3A_241, %max3A_253 : vector<200x512xf32>
    %slice3A_255 = vector.extract_strided_slice %reshape3A_247 {offsets = [0, 0], sizes = [200, 64], strides = [1, 1]} : vector<200x128xf32> to vector<200x64xf32>
    %concatenate3A_256 = tpu.concatenate %slice3A_255, %slice3A_255, %slice3A_255, %slice3A_255, %slice3A_255, %slice3A_255, %slice3A_255, %slice3A_255 in 1 : vector<200x64xf32>, vector<200x64xf32>, vector<200x64xf32>, vector<200x64xf32>, vector<200x64xf32>, vector<200x64xf32>, vector<200x64xf32>, vector<200x64xf32> -> vector<200x512xf32>
    %mul3A_257 = arith.mulf %max3A_253, %concatenate3A_256 : vector<200x512xf32>
    %add3A_258 = arith.addf %add3A_245, %mul3A_257 : vector<200x512xf32>
    %add3A_259 = arith.constant 9.99999997E-7 : f32
    %add3A_260 = vector.broadcast %add3A_259 : f32 to vector<200x512xf32>
    %add3A_261 = arith.addf %add3A_254, %add3A_260 : vector<200x512xf32>
    %div3A = arith.constant 1.000000e+00 : f32
    %div3A_262 = vector.broadcast %div3A : f32 to vector<200x512xf32>
    %div3A_263 = arith.divf %div3A_262, %add3A_261 : vector<200x512xf32>
    %mul3A_264 = arith.mulf %add3A_258, %div3A_263 : vector<200x512xf32>
    %get3A_265 = arith.constant 0 : index
    %get3A_266 = arith.constant 0 : index
    %get3A_267 = vector.load %arg5[%get3A_265, %get3A_266] : memref<512x64xf32, #tpu.memory_space<vmem>>, vector<512x64xf32>
    %dot_general3A_268 = arith.constant dense<0.000000e+00> : vector<200x64xf32>
    %dot_general3A_269 = tpu.matmul %mul3A_264, %get3A_267, %dot_general3A_268 {dimension_numbers = #tpu.dot_dimension_numbers<[1], [0], [0], [1], [0, 0, 1, 1], [], []>, transpose_lhs_hint = false} : vector<200x512xf32>, vector<512x64xf32>, vector<200x64xf32> -> vector<200x64xf32>
    %get3A_270 = arith.constant 0 : index
    %get3A_271 = arith.constant 0 : index
    %get3A_272 = vector.load %arg6[%get3A_270, %get3A_271] : memref<1x64xf32, #tpu.memory_space<vmem>>, vector<1x64xf32>
    %add3A_273 = vector.broadcast %get3A_272 : vector<1x64xf32> to vector<200x64xf32>
    %add3A_274 = arith.addf %dot_general3A_269, %add3A_273 : vector<200x64xf32>
    %mul3A_275 = arith.constant 2.000000e-01 : f32
    %mul3A_276 = vector.broadcast %mul3A_275 : f32 to vector<200x64xf32>
    %mul3A_277 = arith.mulf %mul3A_276, %add3A_274 : vector<200x64xf32>
    %max3A_278 = arith.maximumf %add3A_274, %mul3A_277 : vector<200x64xf32>
    %get3A_279 = arith.constant 0 : index
    %get3A_280 = arith.constant 0 : index
    %get3A_281 = vector.load %arg4[%get3A_279, %get3A_280] : memref<200x128xf32, #tpu.memory_space<vmem>>, vector<200x128xf32>
    %slice3A_282 = vector.extract_strided_slice %get3A_281 {offsets = [0, 0], sizes = [200, 64], strides = [1, 1]} : vector<200x128xf32> to vector<200x64xf32>
    %add3A_283 = arith.addf %max3A_278, %slice3A_282 : vector<200x64xf32>
    %swap3A = arith.constant 0 : index
    %swap3A_284 = arith.constant 0 : index
    %swap3A_285 = vector.load %arg7[%swap3A, %swap3A_284] : memref<200x64xf32, #tpu.memory_space<vmem>>, vector<200x64xf32>
    tpu.vector_store %arg7[%swap3A, %swap3A_284], %add3A_283 {strides = array<i32>} : memref<200x64xf32, #tpu.memory_space<vmem>>, vector<200x64xf32>,
    return
  }
  func.func @transform_0(%arg0: i32) -> (i32, i32) {
    %c0_i32 = arith.constant 0 : i32
    %c0_i32_0 = arith.constant 0 : i32
    return %arg0, %c0_i32 : i32, i32
  }
  func.func @transform_1(%arg0: i32) -> (i32, i32) {
    %c0_i32 = arith.constant 0 : i32
    %c0_i32_0 = arith.constant 0 : i32
    %c0_i32_1 = arith.constant 0 : i32
    return %c0_i32, %c0_i32_0 : i32, i32
  }
  func.func @transform_2(%arg0: i32) -> (i32, i32) {
    %c0_i32 = arith.constant 0 : i32
    %c0_i32_0 = arith.constant 0 : i32
    %c0_i32_1 = arith.constant 0 : i32
    return %c0_i32, %c0_i32_0 : i32, i32
  }
  func.func @transform_3(%arg0: i32) -> (i32, i32) {
    %add3A = arith.constant 96 : i32
    %add3A_0 = arith.addi %arg0, %add3A : i32
    %c0_i32 = arith.constant 0 : i32
    %c0_i32_1 = arith.constant 0 : i32
    return %add3A_0, %c0_i32 : i32, i32
  }
  func.func @transform_4(%arg0: i32) -> (i32, i32) {
    %c0_i32 = arith.constant 0 : i32
    %c0_i32_0 = arith.constant 0 : i32
    %c0_i32_1 = arith.constant 0 : i32
    return %c0_i32, %c0_i32_0 : i32, i32
  }
  func.func @transform_5(%arg0: i32) -> (i32, i32) {
    %c0_i32 = arith.constant 0 : i32
    %c0_i32_0 = arith.constant 0 : i32
    %c0_i32_1 = arith.constant 0 : i32
    return %c0_i32, %c0_i32_0 : i32, i32
  }
  func.func @transform_6(%arg0: i32) -> (i32, i32) {
    %c0_i32 = arith.constant 0 : i32
    %c0_i32_0 = arith.constant 0 : i32
    return %arg0, %c0_i32 : i32, i32
  }
}

module attributes {stable_mosaic.version = 14 : i64} {
  func.func @_tc_body(%arg0: i32, %arg1: memref<4000x128xf32, #tpu.memory_space<vmem>>, %arg2: memref<20x512xf32, #tpu.memory_space<vmem>>, %arg3: memref<128x512xf32, #tpu.memory_space<vmem>>, %arg4: memref<200x128xf32, #tpu.memory_space<vmem>>, %arg5: memref<512x64xf32, #tpu.memory_space<vmem>>, %arg6: memref<1x64xf32, #tpu.memory_space<vmem>>, %arg7: memref<200x64xf32, #tpu.memory_space<vmem>>) attributes {dimension_semantics = [#tpu.dimension_semantics<arbitrary>], iteration_bounds = array<i64: 48>, scalar_prefetch = 0 : i64, scratch_operands = 0 : i64, tpu.core_type = #tpu.core_type<tc>, window_params = [{transform_indices = @transform_0, window_bounds = array<i64: 4000, 128>}, {pipeline_mode = #tpu.pipeline_mode<synchronous>, transform_indices = @transform_1, window_bounds = array<i64: 20, 512>}, {pipeline_mode = #tpu.pipeline_mode<synchronous>, transform_indices = @transform_2, window_bounds = array<i64: 128, 512>}, {transform_indices = @transform_3, window_bounds = array<i64: 200, 128>}, {pipeline_mode = #tpu.pipeline_mode<synchronous>, transform_indices = @transform_4, window_bounds = array<i64: 512, 64>}, {pipeline_mode = #tpu.pipeline_mode<synchronous>, transform_indices = @transform_5, window_bounds = array<i64: 1, 64>}, {transform_indices = @transform_6, window_bounds = array<i64: 200, 64>}]} {
    %get3A = arith.constant 0 : index
    %get3A_0 = arith.constant 0 : index
    %get3A_1 = vector.load %arg3[%get3A, %get3A_0] : memref<128x512xf32, #tpu.memory_space<vmem>>, vector<128x512xf32>
    %get3A_2 = arith.constant 0 : index
    %get3A_3 = arith.constant 0 : index
    %get3A_4 = vector.load %arg1[%get3A_2, %get3A_3] : memref<4000x128xf32, #tpu.memory_space<vmem>>, vector<4000x128xf32>
    %reshape3A = vector.shape_cast %get3A_4 : vector<4000x128xf32> to vector<25x160x128xf32>
    %slice3A = vector.extract_strided_slice %reshape3A {offsets = [0, 0, 0], sizes = [25, 8, 128], strides = [1, 1, 1]} : vector<25x160x128xf32> to vector<25x8x128xf32>
    %reshape3A_5 = vector.shape_cast %slice3A : vector<25x8x128xf32> to vector<200x128xf32>
    %broadcast_in_dim3A = arith.constant 0.000000e+00 : f32
    %broadcast_in_dim3A_6 = vector.broadcast %broadcast_in_dim3A : f32 to vector<200x512xf32>
    %get3A_7 = arith.constant 0 : index
    %get3A_8 = arith.constant 0 : index
    %get3A_9 = vector.load %arg2[%get3A_7, %get3A_8] : memref<20x512xf32, #tpu.memory_space<vmem>>, vector<1x512xf32>
    %add3A = vector.broadcast %get3A_9 : vector<1x512xf32> to vector<200x512xf32>
    %add3A_10 = arith.addf %broadcast_in_dim3A_6, %add3A : vector<200x512xf32>
    %max3A = arith.constant 0.000000e+00 : f32
    %max3A_11 = vector.broadcast %max3A : f32 to vector<200x512xf32>
    %max3A_12 = arith.maximumf %add3A_10, %max3A_11 : vector<200x512xf32>
    %slice3A_13 = vector.extract_strided_slice %reshape3A_5 {offsets = [0, 0], sizes = [200, 64], strides = [1, 1]} : vector<200x128xf32> to vector<200x64xf32>
    %concatenate3A = tpu.concatenate %slice3A_13, %slice3A_13, %slice3A_13, %slice3A_13, %slice3A_13, %slice3A_13, %slice3A_13, %slice3A_13 in 1 : vector<200x64xf32>, vector<200x64xf32>, vector<200x64xf32>, vector<200x64xf32>, vector<200x64xf32>, vector<200x64xf32>, vector<200x64xf32>, vector<200x64xf32> -> vector<200x512xf32>
    %mul3A = arith.mulf %max3A_12, %concatenate3A : vector<200x512xf32>
    %slice3A_14 = vector.extract_strided_slice %reshape3A {offsets = [0, 8, 0], sizes = [25, 8, 128], strides = [1, 1, 1]} : vector<25x160x128xf32> to vector<25x8x128xf32>
    %reshape3A_15 = vector.shape_cast %slice3A_14 : vector<25x8x128xf32> to vector<200x128xf32>
    %sub3A = arith.subf %reshape3A_15, %reshape3A_5 : vector<200x128xf32>
    %dot_general3A = arith.constant dense<0.000000e+00> : vector<200x512xf32>
    %dot_general3A_16 = tpu.matmul %sub3A, %get3A_1, %dot_general3A {dimension_numbers = #tpu.dot_dimension_numbers<[1], [0], [0], [1], [0, 0, 1, 1], [], []>, transpose_lhs_hint = false} : vector<200x128xf32>, vector<128x512xf32>, vector<200x512xf32> -> vector<200x512xf32>
    %max3A_17 = arith.constant 0.000000e+00 : f32
    %max3A_18 = vector.broadcast %max3A_17 : f32 to vector<200x512xf32>
    %max3A_19 = arith.maximumf %dot_general3A_16, %max3A_18 : vector<200x512xf32>
    %add3A_20 = arith.addf %max3A_12, %max3A_19 : vector<200x512xf32>
    %slice3A_21 = vector.extract_strided_slice %reshape3A_15 {offsets = [0, 0], sizes = [200, 64], strides = [1, 1]} : vector<200x128xf32> to vector<200x64xf32>
    %concatenate3A_22 = tpu.concatenate %slice3A_21, %slice3A_21, %slice3A_21, %slice3A_21, %slice3A_21, %slice3A_21, %slice3A_21, %slice3A_21 in 1 : vector<200x64xf32>, vector<200x64xf32>, vector<200x64xf32>, vector<200x64xf32>, vector<200x64xf32>, vector<200x64xf32>, vector<200x64xf32>, vector<200x64xf32> -> vector<200x512xf32>
    %mul3A_23 = arith.mulf %max3A_19, %concatenate3A_22 : vector<200x512xf32>
    %add3A_24 = arith.addf %mul3A, %mul3A_23 : vector<200x512xf32>
    %slice3A_25 = vector.extract_strided_slice %reshape3A {offsets = [0, 16, 0], sizes = [25, 8, 128], strides = [1, 1, 1]} : vector<25x160x128xf32> to vector<25x8x128xf32>
    %reshape3A_26 = vector.shape_cast %slice3A_25 : vector<25x8x128xf32> to vector<200x128xf32>
    %sub3A_27 = arith.subf %reshape3A_26, %reshape3A_5 : vector<200x128xf32>
    %dot_general3A_28 = arith.constant dense<0.000000e+00> : vector<200x512xf32>
    %dot_general3A_29 = tpu.matmul %sub3A_27, %get3A_1, %dot_general3A_28 {dimension_numbers = #tpu.dot_dimension_numbers<[1], [0], [0], [1], [0, 0, 1, 1], [], []>, transpose_lhs_hint = false} : vector<200x128xf32>, vector<128x512xf32>, vector<200x512xf32> -> vector<200x512xf32>
    %max3A_30 = arith.constant 0.000000e+00 : f32
    %max3A_31 = vector.broadcast %max3A_30 : f32 to vector<200x512xf32>
    %max3A_32 = arith.maximumf %dot_general3A_29, %max3A_31 : vector<200x512xf32>
    %add3A_33 = arith.addf %add3A_20, %max3A_32 : vector<200x512xf32>
    %slice3A_34 = vector.extract_strided_slice %reshape3A_26 {offsets = [0, 0], sizes = [200, 64], strides = [1, 1]} : vector<200x128xf32> to vector<200x64xf32>
    %concatenate3A_35 = tpu.concatenate %slice3A_34, %slice3A_34, %slice3A_34, %slice3A_34, %slice3A_34, %slice3A_34, %slice3A_34, %slice3A_34 in 1 : vector<200x64xf32>, vector<200x64xf32>, vector<200x64xf32>, vector<200x64xf32>, vector<200x64xf32>, vector<200x64xf32>, vector<200x64xf32>, vector<200x64xf32> -> vector<200x512xf32>
    %mul3A_36 = arith.mulf %max3A_32, %concatenate3A_35 : vector<200x512xf32>
    %add3A_37 = arith.addf %add3A_24, %mul3A_36 : vector<200x512xf32>
    %slice3A_38 = vector.extract_strided_slice %reshape3A {offsets = [0, 24, 0], sizes = [25, 8, 128], strides = [1, 1, 1]} : vector<25x160x128xf32> to vector<25x8x128xf32>
    %reshape3A_39 = vector.shape_cast %slice3A_38 : vector<25x8x128xf32> to vector<200x128xf32>
    %sub3A_40 = arith.subf %reshape3A_39, %reshape3A_5 : vector<200x128xf32>
    %dot_general3A_41 = arith.constant dense<0.000000e+00> : vector<200x512xf32>
    %dot_general3A_42 = tpu.matmul %sub3A_40, %get3A_1, %dot_general3A_41 {dimension_numbers = #tpu.dot_dimension_numbers<[1], [0], [0], [1], [0, 0, 1, 1], [], []>, transpose_lhs_hint = false} : vector<200x128xf32>, vector<128x512xf32>, vector<200x512xf32> -> vector<200x512xf32>
    %max3A_43 = arith.constant 0.000000e+00 : f32
    %max3A_44 = vector.broadcast %max3A_43 : f32 to vector<200x512xf32>
    %max3A_45 = arith.maximumf %dot_general3A_42, %max3A_44 : vector<200x512xf32>
    %add3A_46 = arith.addf %add3A_33, %max3A_45 : vector<200x512xf32>
    %slice3A_47 = vector.extract_strided_slice %reshape3A_39 {offsets = [0, 0], sizes = [200, 64], strides = [1, 1]} : vector<200x128xf32> to vector<200x64xf32>
    %concatenate3A_48 = tpu.concatenate %slice3A_47, %slice3A_47, %slice3A_47, %slice3A_47, %slice3A_47, %slice3A_47, %slice3A_47, %slice3A_47 in 1 : vector<200x64xf32>, vector<200x64xf32>, vector<200x64xf32>, vector<200x64xf32>, vector<200x64xf32>, vector<200x64xf32>, vector<200x64xf32>, vector<200x64xf32> -> vector<200x512xf32>
    %mul3A_49 = arith.mulf %max3A_45, %concatenate3A_48 : vector<200x512xf32>
    %add3A_50 = arith.addf %add3A_37, %mul3A_49 : vector<200x512xf32>
    %slice3A_51 = vector.extract_strided_slice %reshape3A {offsets = [0, 32, 0], sizes = [25, 8, 128], strides = [1, 1, 1]} : vector<25x160x128xf32> to vector<25x8x128xf32>
    %reshape3A_52 = vector.shape_cast %slice3A_51 : vector<25x8x128xf32> to vector<200x128xf32>
    %sub3A_53 = arith.subf %reshape3A_52, %reshape3A_5 : vector<200x128xf32>
    %dot_general3A_54 = arith.constant dense<0.000000e+00> : vector<200x512xf32>
    %dot_general3A_55 = tpu.matmul %sub3A_53, %get3A_1, %dot_general3A_54 {dimension_numbers = #tpu.dot_dimension_numbers<[1], [0], [0], [1], [0, 0, 1, 1], [], []>, transpose_lhs_hint = false} : vector<200x128xf32>, vector<128x512xf32>, vector<200x512xf32> -> vector<200x512xf32>
    %max3A_56 = arith.constant 0.000000e+00 : f32
    %max3A_57 = vector.broadcast %max3A_56 : f32 to vector<200x512xf32>
    %max3A_58 = arith.maximumf %dot_general3A_55, %max3A_57 : vector<200x512xf32>
    %add3A_59 = arith.addf %add3A_46, %max3A_58 : vector<200x512xf32>
    %slice3A_60 = vector.extract_strided_slice %reshape3A_52 {offsets = [0, 0], sizes = [200, 64], strides = [1, 1]} : vector<200x128xf32> to vector<200x64xf32>
    %concatenate3A_61 = tpu.concatenate %slice3A_60, %slice3A_60, %slice3A_60, %slice3A_60, %slice3A_60, %slice3A_60, %slice3A_60, %slice3A_60 in 1 : vector<200x64xf32>, vector<200x64xf32>, vector<200x64xf32>, vector<200x64xf32>, vector<200x64xf32>, vector<200x64xf32>, vector<200x64xf32>, vector<200x64xf32> -> vector<200x512xf32>
    %mul3A_62 = arith.mulf %max3A_58, %concatenate3A_61 : vector<200x512xf32>
    %add3A_63 = arith.addf %add3A_50, %mul3A_62 : vector<200x512xf32>
    %slice3A_64 = vector.extract_strided_slice %reshape3A {offsets = [0, 40, 0], sizes = [25, 8, 128], strides = [1, 1, 1]} : vector<25x160x128xf32> to vector<25x8x128xf32>
    %reshape3A_65 = vector.shape_cast %slice3A_64 : vector<25x8x128xf32> to vector<200x128xf32>
    %sub3A_66 = arith.subf %reshape3A_65, %reshape3A_5 : vector<200x128xf32>
    %dot_general3A_67 = arith.constant dense<0.000000e+00> : vector<200x512xf32>
    %dot_general3A_68 = tpu.matmul %sub3A_66, %get3A_1, %dot_general3A_67 {dimension_numbers = #tpu.dot_dimension_numbers<[1], [0], [0], [1], [0, 0, 1, 1], [], []>, transpose_lhs_hint = false} : vector<200x128xf32>, vector<128x512xf32>, vector<200x512xf32> -> vector<200x512xf32>
    %max3A_69 = arith.constant 0.000000e+00 : f32
    %max3A_70 = vector.broadcast %max3A_69 : f32 to vector<200x512xf32>
    %max3A_71 = arith.maximumf %dot_general3A_68, %max3A_70 : vector<200x512xf32>
    %add3A_72 = arith.addf %add3A_59, %max3A_71 : vector<200x512xf32>
    %slice3A_73 = vector.extract_strided_slice %reshape3A_65 {offsets = [0, 0], sizes = [200, 64], strides = [1, 1]} : vector<200x128xf32> to vector<200x64xf32>
    %concatenate3A_74 = tpu.concatenate %slice3A_73, %slice3A_73, %slice3A_73, %slice3A_73, %slice3A_73, %slice3A_73, %slice3A_73, %slice3A_73 in 1 : vector<200x64xf32>, vector<200x64xf32>, vector<200x64xf32>, vector<200x64xf32>, vector<200x64xf32>, vector<200x64xf32>, vector<200x64xf32>, vector<200x64xf32> -> vector<200x512xf32>
    %mul3A_75 = arith.mulf %max3A_71, %concatenate3A_74 : vector<200x512xf32>
    %add3A_76 = arith.addf %add3A_63, %mul3A_75 : vector<200x512xf32>
    %slice3A_77 = vector.extract_strided_slice %reshape3A {offsets = [0, 48, 0], sizes = [25, 8, 128], strides = [1, 1, 1]} : vector<25x160x128xf32> to vector<25x8x128xf32>
    %reshape3A_78 = vector.shape_cast %slice3A_77 : vector<25x8x128xf32> to vector<200x128xf32>
    %sub3A_79 = arith.subf %reshape3A_78, %reshape3A_5 : vector<200x128xf32>
    %dot_general3A_80 = arith.constant dense<0.000000e+00> : vector<200x512xf32>
    %dot_general3A_81 = tpu.matmul %sub3A_79, %get3A_1, %dot_general3A_80 {dimension_numbers = #tpu.dot_dimension_numbers<[1], [0], [0], [1], [0, 0, 1, 1], [], []>, transpose_lhs_hint = false} : vector<200x128xf32>, vector<128x512xf32>, vector<200x512xf32> -> vector<200x512xf32>
    %max3A_82 = arith.constant 0.000000e+00 : f32
    %max3A_83 = vector.broadcast %max3A_82 : f32 to vector<200x512xf32>
    %max3A_84 = arith.maximumf %dot_general3A_81, %max3A_83 : vector<200x512xf32>
    %add3A_85 = arith.addf %add3A_72, %max3A_84 : vector<200x512xf32>
    %slice3A_86 = vector.extract_strided_slice %reshape3A_78 {offsets = [0, 0], sizes = [200, 64], strides = [1, 1]} : vector<200x128xf32> to vector<200x64xf32>
    %concatenate3A_87 = tpu.concatenate %slice3A_86, %slice3A_86, %slice3A_86, %slice3A_86, %slice3A_86, %slice3A_86, %slice3A_86, %slice3A_86 in 1 : vector<200x64xf32>, vector<200x64xf32>, vector<200x64xf32>, vector<200x64xf32>, vector<200x64xf32>, vector<200x64xf32>, vector<200x64xf32>, vector<200x64xf32> -> vector<200x512xf32>
    %mul3A_88 = arith.mulf %max3A_84, %concatenate3A_87 : vector<200x512xf32>
    %add3A_89 = arith.addf %add3A_76, %mul3A_88 : vector<200x512xf32>
    %slice3A_90 = vector.extract_strided_slice %reshape3A {offsets = [0, 56, 0], sizes = [25, 8, 128], strides = [1, 1, 1]} : vector<25x160x128xf32> to vector<25x8x128xf32>
    %reshape3A_91 = vector.shape_cast %slice3A_90 : vector<25x8x128xf32> to vector<200x128xf32>
    %sub3A_92 = arith.subf %reshape3A_91, %reshape3A_5 : vector<200x128xf32>
    %dot_general3A_93 = arith.constant dense<0.000000e+00> : vector<200x512xf32>
    %dot_general3A_94 = tpu.matmul %sub3A_92, %get3A_1, %dot_general3A_93 {dimension_numbers = #tpu.dot_dimension_numbers<[1], [0], [0], [1], [0, 0, 1, 1], [], []>, transpose_lhs_hint = false} : vector<200x128xf32>, vector<128x512xf32>, vector<200x512xf32> -> vector<200x512xf32>
    %max3A_95 = arith.constant 0.000000e+00 : f32
    %max3A_96 = vector.broadcast %max3A_95 : f32 to vector<200x512xf32>
    %max3A_97 = arith.maximumf %dot_general3A_94, %max3A_96 : vector<200x512xf32>
    %add3A_98 = arith.addf %add3A_85, %max3A_97 : vector<200x512xf32>
    %slice3A_99 = vector.extract_strided_slice %reshape3A_91 {offsets = [0, 0], sizes = [200, 64], strides = [1, 1]} : vector<200x128xf32> to vector<200x64xf32>
    %concatenate3A_100 = tpu.concatenate %slice3A_99, %slice3A_99, %slice3A_99, %slice3A_99, %slice3A_99, %slice3A_99, %slice3A_99, %slice3A_99 in 1 : vector<200x64xf32>, vector<200x64xf32>, vector<200x64xf32>, vector<200x64xf32>, vector<200x64xf32>, vector<200x64xf32>, vector<200x64xf32>, vector<200x64xf32> -> vector<200x512xf32>
    %mul3A_101 = arith.mulf %max3A_97, %concatenate3A_100 : vector<200x512xf32>
    %add3A_102 = arith.addf %add3A_89, %mul3A_101 : vector<200x512xf32>
    %slice3A_103 = vector.extract_strided_slice %reshape3A {offsets = [0, 64, 0], sizes = [25, 8, 128], strides = [1, 1, 1]} : vector<25x160x128xf32> to vector<25x8x128xf32>
    %reshape3A_104 = vector.shape_cast %slice3A_103 : vector<25x8x128xf32> to vector<200x128xf32>
    %sub3A_105 = arith.subf %reshape3A_104, %reshape3A_5 : vector<200x128xf32>
    %dot_general3A_106 = arith.constant dense<0.000000e+00> : vector<200x512xf32>
    %dot_general3A_107 = tpu.matmul %sub3A_105, %get3A_1, %dot_general3A_106 {dimension_numbers = #tpu.dot_dimension_numbers<[1], [0], [0], [1], [0, 0, 1, 1], [], []>, transpose_lhs_hint = false} : vector<200x128xf32>, vector<128x512xf32>, vector<200x512xf32> -> vector<200x512xf32>
    %max3A_108 = arith.constant 0.000000e+00 : f32
    %max3A_109 = vector.broadcast %max3A_108 : f32 to vector<200x512xf32>
    %max3A_110 = arith.maximumf %dot_general3A_107, %max3A_109 : vector<200x512xf32>
    %add3A_111 = arith.addf %add3A_98, %max3A_110 : vector<200x512xf32>
    %slice3A_112 = vector.extract_strided_slice %reshape3A_104 {offsets = [0, 0], sizes = [200, 64], strides = [1, 1]} : vector<200x128xf32> to vector<200x64xf32>
    %concatenate3A_113 = tpu.concatenate %slice3A_112, %slice3A_112, %slice3A_112, %slice3A_112, %slice3A_112, %slice3A_112, %slice3A_112, %slice3A_112 in 1 : vector<200x64xf32>, vector<200x64xf32>, vector<200x64xf32>, vector<200x64xf32>, vector<200x64xf32>, vector<200x64xf32>, vector<200x64xf32>, vector<200x64xf32> -> vector<200x512xf32>
    %mul3A_114 = arith.mulf %max3A_110, %concatenate3A_113 : vector<200x512xf32>
    %add3A_115 = arith.addf %add3A_102, %mul3A_114 : vector<200x512xf32>
    %slice3A_116 = vector.extract_strided_slice %reshape3A {offsets = [0, 72, 0], sizes = [25, 8, 128], strides = [1, 1, 1]} : vector<25x160x128xf32> to vector<25x8x128xf32>
    %reshape3A_117 = vector.shape_cast %slice3A_116 : vector<25x8x128xf32> to vector<200x128xf32>
    %sub3A_118 = arith.subf %reshape3A_117, %reshape3A_5 : vector<200x128xf32>
    %dot_general3A_119 = arith.constant dense<0.000000e+00> : vector<200x512xf32>
    %dot_general3A_120 = tpu.matmul %sub3A_118, %get3A_1, %dot_general3A_119 {dimension_numbers = #tpu.dot_dimension_numbers<[1], [0], [0], [1], [0, 0, 1, 1], [], []>, transpose_lhs_hint = false} : vector<200x128xf32>, vector<128x512xf32>, vector<200x512xf32> -> vector<200x512xf32>
    %max3A_121 = arith.constant 0.000000e+00 : f32
    %max3A_122 = vector.broadcast %max3A_121 : f32 to vector<200x512xf32>
    %max3A_123 = arith.maximumf %dot_general3A_120, %max3A_122 : vector<200x512xf32>
    %add3A_124 = arith.addf %add3A_111, %max3A_123 : vector<200x512xf32>
    %slice3A_125 = vector.extract_strided_slice %reshape3A_117 {offsets = [0, 0], sizes = [200, 64], strides = [1, 1]} : vector<200x128xf32> to vector<200x64xf32>
    %concatenate3A_126 = tpu.concatenate %slice3A_125, %slice3A_125, %slice3A_125, %slice3A_125, %slice3A_125, %slice3A_125, %slice3A_125, %slice3A_125 in 1 : vector<200x64xf32>, vector<200x64xf32>, vector<200x64xf32>, vector<200x64xf32>, vector<200x64xf32>, vector<200x64xf32>, vector<200x64xf32>, vector<200x64xf32> -> vector<200x512xf32>
    %mul3A_127 = arith.mulf %max3A_123, %concatenate3A_126 : vector<200x512xf32>
    %add3A_128 = arith.addf %add3A_115, %mul3A_127 : vector<200x512xf32>
    %slice3A_129 = vector.extract_strided_slice %reshape3A {offsets = [0, 80, 0], sizes = [25, 8, 128], strides = [1, 1, 1]} : vector<25x160x128xf32> to vector<25x8x128xf32>
    %reshape3A_130 = vector.shape_cast %slice3A_129 : vector<25x8x128xf32> to vector<200x128xf32>
    %sub3A_131 = arith.subf %reshape3A_130, %reshape3A_5 : vector<200x128xf32>
    %dot_general3A_132 = arith.constant dense<0.000000e+00> : vector<200x512xf32>
    %dot_general3A_133 = tpu.matmul %sub3A_131, %get3A_1, %dot_general3A_132 {dimension_numbers = #tpu.dot_dimension_numbers<[1], [0], [0], [1], [0, 0, 1, 1], [], []>, transpose_lhs_hint = false} : vector<200x128xf32>, vector<128x512xf32>, vector<200x512xf32> -> vector<200x512xf32>
    %max3A_134 = arith.constant 0.000000e+00 : f32
    %max3A_135 = vector.broadcast %max3A_134 : f32 to vector<200x512xf32>
    %max3A_136 = arith.maximumf %dot_general3A_133, %max3A_135 : vector<200x512xf32>
    %add3A_137 = arith.addf %add3A_124, %max3A_136 : vector<200x512xf32>
    %slice3A_138 = vector.extract_strided_slice %reshape3A_130 {offsets = [0, 0], sizes = [200, 64], strides = [1, 1]} : vector<200x128xf32> to vector<200x64xf32>
    %concatenate3A_139 = tpu.concatenate %slice3A_138, %slice3A_138, %slice3A_138, %slice3A_138, %slice3A_138, %slice3A_138, %slice3A_138, %slice3A_138 in 1 : vector<200x64xf32>, vector<200x64xf32>, vector<200x64xf32>, vector<200x64xf32>, vector<200x64xf32>, vector<200x64xf32>, vector<200x64xf32>, vector<200x64xf32> -> vector<200x512xf32>
    %mul3A_140 = arith.mulf %max3A_136, %concatenate3A_139 : vector<200x512xf32>
    %add3A_141 = arith.addf %add3A_128, %mul3A_140 : vector<200x512xf32>
    %slice3A_142 = vector.extract_strided_slice %reshape3A {offsets = [0, 88, 0], sizes = [25, 8, 128], strides = [1, 1, 1]} : vector<25x160x128xf32> to vector<25x8x128xf32>
    %reshape3A_143 = vector.shape_cast %slice3A_142 : vector<25x8x128xf32> to vector<200x128xf32>
    %sub3A_144 = arith.subf %reshape3A_143, %reshape3A_5 : vector<200x128xf32>
    %dot_general3A_145 = arith.constant dense<0.000000e+00> : vector<200x512xf32>
    %dot_general3A_146 = tpu.matmul %sub3A_144, %get3A_1, %dot_general3A_145 {dimension_numbers = #tpu.dot_dimension_numbers<[1], [0], [0], [1], [0, 0, 1, 1], [], []>, transpose_lhs_hint = false} : vector<200x128xf32>, vector<128x512xf32>, vector<200x512xf32> -> vector<200x512xf32>
    %max3A_147 = arith.constant 0.000000e+00 : f32
    %max3A_148 = vector.broadcast %max3A_147 : f32 to vector<200x512xf32>
    %max3A_149 = arith.maximumf %dot_general3A_146, %max3A_148 : vector<200x512xf32>
    %add3A_150 = arith.addf %add3A_137, %max3A_149 : vector<200x512xf32>
    %slice3A_151 = vector.extract_strided_slice %reshape3A_143 {offsets = [0, 0], sizes = [200, 64], strides = [1, 1]} : vector<200x128xf32> to vector<200x64xf32>
    %concatenate3A_152 = tpu.concatenate %slice3A_151, %slice3A_151, %slice3A_151, %slice3A_151, %slice3A_151, %slice3A_151, %slice3A_151, %slice3A_151 in 1 : vector<200x64xf32>, vector<200x64xf32>, vector<200x64xf32>, vector<200x64xf32>, vector<200x64xf32>, vector<200x64xf32>, vector<200x64xf32>, vector<200x64xf32> -> vector<200x512xf32>
    %mul3A_153 = arith.mulf %max3A_149, %concatenate3A_152 : vector<200x512xf32>
    %add3A_154 = arith.addf %add3A_141, %mul3A_153 : vector<200x512xf32>
    %slice3A_155 = vector.extract_strided_slice %reshape3A {offsets = [0, 96, 0], sizes = [25, 8, 128], strides = [1, 1, 1]} : vector<25x160x128xf32> to vector<25x8x128xf32>
    %reshape3A_156 = vector.shape_cast %slice3A_155 : vector<25x8x128xf32> to vector<200x128xf32>
    %sub3A_157 = arith.subf %reshape3A_156, %reshape3A_5 : vector<200x128xf32>
    %dot_general3A_158 = arith.constant dense<0.000000e+00> : vector<200x512xf32>
    %dot_general3A_159 = tpu.matmul %sub3A_157, %get3A_1, %dot_general3A_158 {dimension_numbers = #tpu.dot_dimension_numbers<[1], [0], [0], [1], [0, 0, 1, 1], [], []>, transpose_lhs_hint = false} : vector<200x128xf32>, vector<128x512xf32>, vector<200x512xf32> -> vector<200x512xf32>
    %max3A_160 = arith.constant 0.000000e+00 : f32
    %max3A_161 = vector.broadcast %max3A_160 : f32 to vector<200x512xf32>
    %max3A_162 = arith.maximumf %dot_general3A_159, %max3A_161 : vector<200x512xf32>
    %add3A_163 = arith.addf %add3A_150, %max3A_162 : vector<200x512xf32>
    %slice3A_164 = vector.extract_strided_slice %reshape3A_156 {offsets = [0, 0], sizes = [200, 64], strides = [1, 1]} : vector<200x128xf32> to vector<200x64xf32>
    %concatenate3A_165 = tpu.concatenate %slice3A_164, %slice3A_164, %slice3A_164, %slice3A_164, %slice3A_164, %slice3A_164, %slice3A_164, %slice3A_164 in 1 : vector<200x64xf32>, vector<200x64xf32>, vector<200x64xf32>, vector<200x64xf32>, vector<200x64xf32>, vector<200x64xf32>, vector<200x64xf32>, vector<200x64xf32> -> vector<200x512xf32>
    %mul3A_166 = arith.mulf %max3A_162, %concatenate3A_165 : vector<200x512xf32>
    %add3A_167 = arith.addf %add3A_154, %mul3A_166 : vector<200x512xf32>
    %slice3A_168 = vector.extract_strided_slice %reshape3A {offsets = [0, 104, 0], sizes = [25, 8, 128], strides = [1, 1, 1]} : vector<25x160x128xf32> to vector<25x8x128xf32>
    %reshape3A_169 = vector.shape_cast %slice3A_168 : vector<25x8x128xf32> to vector<200x128xf32>
    %sub3A_170 = arith.subf %reshape3A_169, %reshape3A_5 : vector<200x128xf32>
    %dot_general3A_171 = arith.constant dense<0.000000e+00> : vector<200x512xf32>
    %dot_general3A_172 = tpu.matmul %sub3A_170, %get3A_1, %dot_general3A_171 {dimension_numbers = #tpu.dot_dimension_numbers<[1], [0], [0], [1], [0, 0, 1, 1], [], []>, transpose_lhs_hint = false} : vector<200x128xf32>, vector<128x512xf32>, vector<200x512xf32> -> vector<200x512xf32>
    %max3A_173 = arith.constant 0.000000e+00 : f32
    %max3A_174 = vector.broadcast %max3A_173 : f32 to vector<200x512xf32>
    %max3A_175 = arith.maximumf %dot_general3A_172, %max3A_174 : vector<200x512xf32>
    %add3A_176 = arith.addf %add3A_163, %max3A_175 : vector<200x512xf32>
    %slice3A_177 = vector.extract_strided_slice %reshape3A_169 {offsets = [0, 0], sizes = [200, 64], strides = [1, 1]} : vector<200x128xf32> to vector<200x64xf32>
    %concatenate3A_178 = tpu.concatenate %slice3A_177, %slice3A_177, %slice3A_177, %slice3A_177, %slice3A_177, %slice3A_177, %slice3A_177, %slice3A_177 in 1 : vector<200x64xf32>, vector<200x64xf32>, vector<200x64xf32>, vector<200x64xf32>, vector<200x64xf32>, vector<200x64xf32>, vector<200x64xf32>, vector<200x64xf32> -> vector<200x512xf32>
    %mul3A_179 = arith.mulf %max3A_175, %concatenate3A_178 : vector<200x512xf32>
    %add3A_180 = arith.addf %add3A_167, %mul3A_179 : vector<200x512xf32>
    %slice3A_181 = vector.extract_strided_slice %reshape3A {offsets = [0, 112, 0], sizes = [25, 8, 128], strides = [1, 1, 1]} : vector<25x160x128xf32> to vector<25x8x128xf32>
    %reshape3A_182 = vector.shape_cast %slice3A_181 : vector<25x8x128xf32> to vector<200x128xf32>
    %sub3A_183 = arith.subf %reshape3A_182, %reshape3A_5 : vector<200x128xf32>
    %dot_general3A_184 = arith.constant dense<0.000000e+00> : vector<200x512xf32>
    %dot_general3A_185 = tpu.matmul %sub3A_183, %get3A_1, %dot_general3A_184 {dimension_numbers = #tpu.dot_dimension_numbers<[1], [0], [0], [1], [0, 0, 1, 1], [], []>, transpose_lhs_hint = false} : vector<200x128xf32>, vector<128x512xf32>, vector<200x512xf32> -> vector<200x512xf32>
    %max3A_186 = arith.constant 0.000000e+00 : f32
    %max3A_187 = vector.broadcast %max3A_186 : f32 to vector<200x512xf32>
    %max3A_188 = arith.maximumf %dot_general3A_185, %max3A_187 : vector<200x512xf32>
    %add3A_189 = arith.addf %add3A_176, %max3A_188 : vector<200x512xf32>
    %slice3A_190 = vector.extract_strided_slice %reshape3A_182 {offsets = [0, 0], sizes = [200, 64], strides = [1, 1]} : vector<200x128xf32> to vector<200x64xf32>
    %concatenate3A_191 = tpu.concatenate %slice3A_190, %slice3A_190, %slice3A_190, %slice3A_190, %slice3A_190, %slice3A_190, %slice3A_190, %slice3A_190 in 1 : vector<200x64xf32>, vector<200x64xf32>, vector<200x64xf32>, vector<200x64xf32>, vector<200x64xf32>, vector<200x64xf32>, vector<200x64xf32>, vector<200x64xf32> -> vector<200x512xf32>
    %mul3A_192 = arith.mulf %max3A_188, %concatenate3A_191 : vector<200x512xf32>
    %add3A_193 = arith.addf %add3A_180, %mul3A_192 : vector<200x512xf32>
    %slice3A_194 = vector.extract_strided_slice %reshape3A {offsets = [0, 120, 0], sizes = [25, 8, 128], strides = [1, 1, 1]} : vector<25x160x128xf32> to vector<25x8x128xf32>
    %reshape3A_195 = vector.shape_cast %slice3A_194 : vector<25x8x128xf32> to vector<200x128xf32>
    %sub3A_196 = arith.subf %reshape3A_195, %reshape3A_5 : vector<200x128xf32>
    %dot_general3A_197 = arith.constant dense<0.000000e+00> : vector<200x512xf32>
    %dot_general3A_198 = tpu.matmul %sub3A_196, %get3A_1, %dot_general3A_197 {dimension_numbers = #tpu.dot_dimension_numbers<[1], [0], [0], [1], [0, 0, 1, 1], [], []>, transpose_lhs_hint = false} : vector<200x128xf32>, vector<128x512xf32>, vector<200x512xf32> -> vector<200x512xf32>
    %max3A_199 = arith.constant 0.000000e+00 : f32
    %max3A_200 = vector.broadcast %max3A_199 : f32 to vector<200x512xf32>
    %max3A_201 = arith.maximumf %dot_general3A_198, %max3A_200 : vector<200x512xf32>
    %add3A_202 = arith.addf %add3A_189, %max3A_201 : vector<200x512xf32>
    %slice3A_203 = vector.extract_strided_slice %reshape3A_195 {offsets = [0, 0], sizes = [200, 64], strides = [1, 1]} : vector<200x128xf32> to vector<200x64xf32>
    %concatenate3A_204 = tpu.concatenate %slice3A_203, %slice3A_203, %slice3A_203, %slice3A_203, %slice3A_203, %slice3A_203, %slice3A_203, %slice3A_203 in 1 : vector<200x64xf32>, vector<200x64xf32>, vector<200x64xf32>, vector<200x64xf32>, vector<200x64xf32>, vector<200x64xf32>, vector<200x64xf32>, vector<200x64xf32> -> vector<200x512xf32>
    %mul3A_205 = arith.mulf %max3A_201, %concatenate3A_204 : vector<200x512xf32>
    %add3A_206 = arith.addf %add3A_193, %mul3A_205 : vector<200x512xf32>
    %slice3A_207 = vector.extract_strided_slice %reshape3A {offsets = [0, 128, 0], sizes = [25, 8, 128], strides = [1, 1, 1]} : vector<25x160x128xf32> to vector<25x8x128xf32>
    %reshape3A_208 = vector.shape_cast %slice3A_207 : vector<25x8x128xf32> to vector<200x128xf32>
    %sub3A_209 = arith.subf %reshape3A_208, %reshape3A_5 : vector<200x128xf32>
    %dot_general3A_210 = arith.constant dense<0.000000e+00> : vector<200x512xf32>
    %dot_general3A_211 = tpu.matmul %sub3A_209, %get3A_1, %dot_general3A_210 {dimension_numbers = #tpu.dot_dimension_numbers<[1], [0], [0], [1], [0, 0, 1, 1], [], []>, transpose_lhs_hint = false} : vector<200x128xf32>, vector<128x512xf32>, vector<200x512xf32> -> vector<200x512xf32>
    %max3A_212 = arith.constant 0.000000e+00 : f32
    %max3A_213 = vector.broadcast %max3A_212 : f32 to vector<200x512xf32>
    %max3A_214 = arith.maximumf %dot_general3A_211, %max3A_213 : vector<200x512xf32>
    %add3A_215 = arith.addf %add3A_202, %max3A_214 : vector<200x512xf32>
    %slice3A_216 = vector.extract_strided_slice %reshape3A_208 {offsets = [0, 0], sizes = [200, 64], strides = [1, 1]} : vector<200x128xf32> to vector<200x64xf32>
    %concatenate3A_217 = tpu.concatenate %slice3A_216, %slice3A_216, %slice3A_216, %slice3A_216, %slice3A_216, %slice3A_216, %slice3A_216, %slice3A_216 in 1 : vector<200x64xf32>, vector<200x64xf32>, vector<200x64xf32>, vector<200x64xf32>, vector<200x64xf32>, vector<200x64xf32>, vector<200x64xf32>, vector<200x64xf32> -> vector<200x512xf32>
    %mul3A_218 = arith.mulf %max3A_214, %concatenate3A_217 : vector<200x512xf32>
    %add3A_219 = arith.addf %add3A_206, %mul3A_218 : vector<200x512xf32>
    %slice3A_220 = vector.extract_strided_slice %reshape3A {offsets = [0, 136, 0], sizes = [25, 8, 128], strides = [1, 1, 1]} : vector<25x160x128xf32> to vector<25x8x128xf32>
    %reshape3A_221 = vector.shape_cast %slice3A_220 : vector<25x8x128xf32> to vector<200x128xf32>
    %sub3A_222 = arith.subf %reshape3A_221, %reshape3A_5 : vector<200x128xf32>
    %dot_general3A_223 = arith.constant dense<0.000000e+00> : vector<200x512xf32>
    %dot_general3A_224 = tpu.matmul %sub3A_222, %get3A_1, %dot_general3A_223 {dimension_numbers = #tpu.dot_dimension_numbers<[1], [0], [0], [1], [0, 0, 1, 1], [], []>, transpose_lhs_hint = false} : vector<200x128xf32>, vector<128x512xf32>, vector<200x512xf32> -> vector<200x512xf32>
    %max3A_225 = arith.constant 0.000000e+00 : f32
    %max3A_226 = vector.broadcast %max3A_225 : f32 to vector<200x512xf32>
    %max3A_227 = arith.maximumf %dot_general3A_224, %max3A_226 : vector<200x512xf32>
    %add3A_228 = arith.addf %add3A_215, %max3A_227 : vector<200x512xf32>
    %slice3A_229 = vector.extract_strided_slice %reshape3A_221 {offsets = [0, 0], sizes = [200, 64], strides = [1, 1]} : vector<200x128xf32> to vector<200x64xf32>
    %concatenate3A_230 = tpu.concatenate %slice3A_229, %slice3A_229, %slice3A_229, %slice3A_229, %slice3A_229, %slice3A_229, %slice3A_229, %slice3A_229 in 1 : vector<200x64xf32>, vector<200x64xf32>, vector<200x64xf32>, vector<200x64xf32>, vector<200x64xf32>, vector<200x64xf32>, vector<200x64xf32>, vector<200x64xf32> -> vector<200x512xf32>
    %mul3A_231 = arith.mulf %max3A_227, %concatenate3A_230 : vector<200x512xf32>
    %add3A_232 = arith.addf %add3A_219, %mul3A_231 : vector<200x512xf32>
    %slice3A_233 = vector.extract_strided_slice %reshape3A {offsets = [0, 144, 0], sizes = [25, 8, 128], strides = [1, 1, 1]} : vector<25x160x128xf32> to vector<25x8x128xf32>
    %reshape3A_234 = vector.shape_cast %slice3A_233 : vector<25x8x128xf32> to vector<200x128xf32>
    %sub3A_235 = arith.subf %reshape3A_234, %reshape3A_5 : vector<200x128xf32>
    %dot_general3A_236 = arith.constant dense<0.000000e+00> : vector<200x512xf32>
    %dot_general3A_237 = tpu.matmul %sub3A_235, %get3A_1, %dot_general3A_236 {dimension_numbers = #tpu.dot_dimension_numbers<[1], [0], [0], [1], [0, 0, 1, 1], [], []>, transpose_lhs_hint = false} : vector<200x128xf32>, vector<128x512xf32>, vector<200x512xf32> -> vector<200x512xf32>
    %max3A_238 = arith.constant 0.000000e+00 : f32
    %max3A_239 = vector.broadcast %max3A_238 : f32 to vector<200x512xf32>
    %max3A_240 = arith.maximumf %dot_general3A_237, %max3A_239 : vector<200x512xf32>
    %add3A_241 = arith.addf %add3A_228, %max3A_240 : vector<200x512xf32>
    %slice3A_242 = vector.extract_strided_slice %reshape3A_234 {offsets = [0, 0], sizes = [200, 64], strides = [1, 1]} : vector<200x128xf32> to vector<200x64xf32>
    %concatenate3A_243 = tpu.concatenate %slice3A_242, %slice3A_242, %slice3A_242, %slice3A_242, %slice3A_242, %slice3A_242, %slice3A_242, %slice3A_242 in 1 : vector<200x64xf32>, vector<200x64xf32>, vector<200x64xf32>, vector<200x64xf32>, vector<200x64xf32>, vector<200x64xf32>, vector<200x64xf32>, vector<200x64xf32> -> vector<200x512xf32>
    %mul3A_244 = arith.mulf %max3A_240, %concatenate3A_243 : vector<200x512xf32>
    %add3A_245 = arith.addf %add3A_232, %mul3A_244 : vector<200x512xf32>
    %slice3A_246 = vector.extract_strided_slice %reshape3A {offsets = [0, 152, 0], sizes = [25, 8, 128], strides = [1, 1, 1]} : vector<25x160x128xf32> to vector<25x8x128xf32>
    %reshape3A_247 = vector.shape_cast %slice3A_246 : vector<25x8x128xf32> to vector<200x128xf32>
    %sub3A_248 = arith.subf %reshape3A_247, %reshape3A_5 : vector<200x128xf32>
    %dot_general3A_249 = arith.constant dense<0.000000e+00> : vector<200x512xf32>
    %dot_general3A_250 = tpu.matmul %sub3A_248, %get3A_1, %dot_general3A_249 {dimension_numbers = #tpu.dot_dimension_numbers<[1], [0], [0], [1], [0, 0, 1, 1], [], []>, transpose_lhs_hint = false} : vector<200x128xf32>, vector<128x512xf32>, vector<200x512xf32> -> vector<200x512xf32>
    %max3A_251 = arith.constant 0.000000e+00 : f32
    %max3A_252 = vector.broadcast %max3A_251 : f32 to vector<200x512xf32>
    %max3A_253 = arith.maximumf %dot_general3A_250, %max3A_252 : vector<200x512xf32>
    %add3A_254 = arith.addf %add3A_241, %max3A_253 : vector<200x512xf32>
    %slice3A_255 = vector.extract_strided_slice %reshape3A_247 {offsets = [0, 0], sizes = [200, 64], strides = [1, 1]} : vector<200x128xf32> to vector<200x64xf32>
    %concatenate3A_256 = tpu.concatenate %slice3A_255, %slice3A_255, %slice3A_255, %slice3A_255, %slice3A_255, %slice3A_255, %slice3A_255, %slice3A_255 in 1 : vector<200x64xf32>, vector<200x64xf32>, vector<200x64xf32>, vector<200x64xf32>, vector<200x64xf32>, vector<200x64xf32>, vector<200x64xf32>, vector<200x64xf32> -> vector<200x512xf32>
    %mul3A_257 = arith.mulf %max3A_253, %concatenate3A_256 : vector<200x512xf32>
    %add3A_258 = arith.addf %add3A_245, %mul3A_257 : vector<200x512xf32>
    %add3A_259 = arith.constant 9.99999997E-7 : f32
    %add3A_260 = vector.broadcast %add3A_259 : f32 to vector<200x512xf32>
    %add3A_261 = arith.addf %add3A_254, %add3A_260 : vector<200x512xf32>
    %div3A = arith.constant 1.000000e+00 : f32
    %div3A_262 = vector.broadcast %div3A : f32 to vector<200x512xf32>
    %div3A_263 = arith.divf %div3A_262, %add3A_261 : vector<200x512xf32>
    %mul3A_264 = arith.mulf %add3A_258, %div3A_263 : vector<200x512xf32>
    %get3A_265 = arith.constant 0 : index
    %get3A_266 = arith.constant 0 : index
    %get3A_267 = vector.load %arg5[%get3A_265, %get3A_266] : memref<512x64xf32, #tpu.memory_space<vmem>>, vector<512x64xf32>
    %dot_general3A_268 = arith.constant dense<0.000000e+00> : vector<200x64xf32>
    %dot_general3A_269 = tpu.matmul %mul3A_264, %get3A_267, %dot_general3A_268 {dimension_numbers = #tpu.dot_dimension_numbers<[1], [0], [0], [1], [0, 0, 1, 1], [], []>, transpose_lhs_hint = false} : vector<200x512xf32>, vector<512x64xf32>, vector<200x64xf32> -> vector<200x64xf32>
    %get3A_270 = arith.constant 0 : index
    %get3A_271 = arith.constant 0 : index
    %get3A_272 = vector.load %arg6[%get3A_270, %get3A_271] : memref<1x64xf32, #tpu.memory_space<vmem>>, vector<1x64xf32>
    %add3A_273 = vector.broadcast %get3A_272 : vector<1x64xf32> to vector<200x64xf32>
    %add3A_274 = arith.addf %dot_general3A_269, %add3A_273 : vector<200x64xf32>
    %mul3A_275 = arith.constant 2.000000e-01 : f32
    %mul3A_276 = vector.broadcast %mul3A_275 : f32 to vector<200x64xf32>
    %mul3A_277 = arith.mulf %mul3A_276, %add3A_274 : vector<200x64xf32>
    %max3A_278 = arith.maximumf %add3A_274, %mul3A_277 : vector<200x64xf32>
    %get3A_279 = arith.constant 0 : index
    %get3A_280 = arith.constant 0 : index
    %get3A_281 = vector.load %arg4[%get3A_279, %get3A_280] : memref<200x128xf32, #tpu.memory_space<vmem>>, vector<200x128xf32>
    %slice3A_282 = vector.extract_strided_slice %get3A_281 {offsets = [0, 0], sizes = [200, 64], strides = [1, 1]} : vector<200x128xf32> to vector<200x64xf32>
    %add3A_283 = arith.addf %max3A_278, %slice3A_282 : vector<200x64xf32>
    %swap3A = arith.constant 0 : index
    %swap3A_284 = arith.constant 0 : index
    %swap3A_285 = vector.load %arg7[%swap3A, %swap3A_284] : memref<200x64xf32, #tpu.memory_space<vmem>>, vector<200x64xf32>
    tpu.vector_store %arg7[%swap3A, %swap3A_284], %add3A_283 {strides = array<i32>} : memref<200x64xf32, #tpu.memory_space<vmem>>, vector<200x64xf32>,
    return
  }
  func.func @transform_0(%arg0: i32) -> (i32, i32) {
    %c0_i32 = arith.constant 0 : i32
    %c0_i32_0 = arith.constant 0 : i32
    return %arg0, %c0_i32 : i32, i32
  }
  func.func @transform_1(%arg0: i32) -> (i32, i32) {
    %c0_i32 = arith.constant 0 : i32
    %c0_i32_0 = arith.constant 0 : i32
    %c0_i32_1 = arith.constant 0 : i32
    return %c0_i32, %c0_i32_0 : i32, i32
  }
  func.func @transform_2(%arg0: i32) -> (i32, i32) {
    %c0_i32 = arith.constant 0 : i32
    %c0_i32_0 = arith.constant 0 : i32
    %c0_i32_1 = arith.constant 0 : i32
    return %c0_i32, %c0_i32_0 : i32, i32
  }
  func.func @transform_3(%arg0: i32) -> (i32, i32) {
    %add3A = arith.constant 0 : i32
    %add3A_0 = arith.addi %arg0, %add3A : i32
    %c0_i32 = arith.constant 0 : i32
    %c0_i32_1 = arith.constant 0 : i32
    return %add3A_0, %c0_i32 : i32, i32
  }
  func.func @transform_4(%arg0: i32) -> (i32, i32) {
    %c0_i32 = arith.constant 0 : i32
    %c0_i32_0 = arith.constant 0 : i32
    %c0_i32_1 = arith.constant 0 : i32
    return %c0_i32, %c0_i32_0 : i32, i32
  }
  func.func @transform_5(%arg0: i32) -> (i32, i32) {
    %c0_i32 = arith.constant 0 : i32
    %c0_i32_0 = arith.constant 0 : i32
    %c0_i32_1 = arith.constant 0 : i32
    return %c0_i32, %c0_i32_0 : i32, i32
  }
  func.func @transform_6(%arg0: i32) -> (i32, i32) {
    %c0_i32 = arith.constant 0 : i32
    %c0_i32_0 = arith.constant 0 : i32
    return %arg0, %c0_i32 : i32, i32
  }
}

module attributes {stable_mosaic.version = 14 : i64} {
  func.func @_tc_body(%arg0: i32, %arg1: memref<4000x128xf32, #tpu.memory_space<vmem>>, %arg2: memref<20x512xf32, #tpu.memory_space<vmem>>, %arg3: memref<128x512xf32, #tpu.memory_space<vmem>>, %arg4: memref<200x128xf32, #tpu.memory_space<vmem>>, %arg5: memref<512x64xf32, #tpu.memory_space<vmem>>, %arg6: memref<1x64xf32, #tpu.memory_space<vmem>>, %arg7: memref<200x64xf32, #tpu.memory_space<vmem>>) attributes {dimension_semantics = [#tpu.dimension_semantics<arbitrary>], iteration_bounds = array<i64: 56>, scalar_prefetch = 0 : i64, scratch_operands = 0 : i64, tpu.core_type = #tpu.core_type<tc>, window_params = [{transform_indices = @transform_0, window_bounds = array<i64: 4000, 128>}, {pipeline_mode = #tpu.pipeline_mode<synchronous>, transform_indices = @transform_1, window_bounds = array<i64: 20, 512>}, {pipeline_mode = #tpu.pipeline_mode<synchronous>, transform_indices = @transform_2, window_bounds = array<i64: 128, 512>}, {transform_indices = @transform_3, window_bounds = array<i64: 200, 128>}, {pipeline_mode = #tpu.pipeline_mode<synchronous>, transform_indices = @transform_4, window_bounds = array<i64: 512, 64>}, {pipeline_mode = #tpu.pipeline_mode<synchronous>, transform_indices = @transform_5, window_bounds = array<i64: 1, 64>}, {transform_indices = @transform_6, window_bounds = array<i64: 200, 64>}]} {
    %get3A = arith.constant 0 : index
    %get3A_0 = arith.constant 0 : index
    %get3A_1 = vector.load %arg3[%get3A, %get3A_0] : memref<128x512xf32, #tpu.memory_space<vmem>>, vector<128x512xf32>
    %get3A_2 = arith.constant 0 : index
    %get3A_3 = arith.constant 0 : index
    %get3A_4 = vector.load %arg1[%get3A_2, %get3A_3] : memref<4000x128xf32, #tpu.memory_space<vmem>>, vector<4000x128xf32>
    %reshape3A = vector.shape_cast %get3A_4 : vector<4000x128xf32> to vector<25x160x128xf32>
    %slice3A = vector.extract_strided_slice %reshape3A {offsets = [0, 0, 0], sizes = [25, 8, 128], strides = [1, 1, 1]} : vector<25x160x128xf32> to vector<25x8x128xf32>
    %reshape3A_5 = vector.shape_cast %slice3A : vector<25x8x128xf32> to vector<200x128xf32>
    %broadcast_in_dim3A = arith.constant 0.000000e+00 : f32
    %broadcast_in_dim3A_6 = vector.broadcast %broadcast_in_dim3A : f32 to vector<200x512xf32>
    %get3A_7 = arith.constant 0 : index
    %get3A_8 = arith.constant 0 : index
    %get3A_9 = vector.load %arg2[%get3A_7, %get3A_8] : memref<20x512xf32, #tpu.memory_space<vmem>>, vector<1x512xf32>
    %add3A = vector.broadcast %get3A_9 : vector<1x512xf32> to vector<200x512xf32>
    %add3A_10 = arith.addf %broadcast_in_dim3A_6, %add3A : vector<200x512xf32>
    %max3A = arith.constant 0.000000e+00 : f32
    %max3A_11 = vector.broadcast %max3A : f32 to vector<200x512xf32>
    %max3A_12 = arith.maximumf %add3A_10, %max3A_11 : vector<200x512xf32>
    %slice3A_13 = vector.extract_strided_slice %reshape3A_5 {offsets = [0, 0], sizes = [200, 64], strides = [1, 1]} : vector<200x128xf32> to vector<200x64xf32>
    %concatenate3A = tpu.concatenate %slice3A_13, %slice3A_13, %slice3A_13, %slice3A_13, %slice3A_13, %slice3A_13, %slice3A_13, %slice3A_13 in 1 : vector<200x64xf32>, vector<200x64xf32>, vector<200x64xf32>, vector<200x64xf32>, vector<200x64xf32>, vector<200x64xf32>, vector<200x64xf32>, vector<200x64xf32> -> vector<200x512xf32>
    %mul3A = arith.mulf %max3A_12, %concatenate3A : vector<200x512xf32>
    %slice3A_14 = vector.extract_strided_slice %reshape3A {offsets = [0, 8, 0], sizes = [25, 8, 128], strides = [1, 1, 1]} : vector<25x160x128xf32> to vector<25x8x128xf32>
    %reshape3A_15 = vector.shape_cast %slice3A_14 : vector<25x8x128xf32> to vector<200x128xf32>
    %sub3A = arith.subf %reshape3A_15, %reshape3A_5 : vector<200x128xf32>
    %dot_general3A = arith.constant dense<0.000000e+00> : vector<200x512xf32>
    %dot_general3A_16 = tpu.matmul %sub3A, %get3A_1, %dot_general3A {dimension_numbers = #tpu.dot_dimension_numbers<[1], [0], [0], [1], [0, 0, 1, 1], [], []>, transpose_lhs_hint = false} : vector<200x128xf32>, vector<128x512xf32>, vector<200x512xf32> -> vector<200x512xf32>
    %max3A_17 = arith.constant 0.000000e+00 : f32
    %max3A_18 = vector.broadcast %max3A_17 : f32 to vector<200x512xf32>
    %max3A_19 = arith.maximumf %dot_general3A_16, %max3A_18 : vector<200x512xf32>
    %add3A_20 = arith.addf %max3A_12, %max3A_19 : vector<200x512xf32>
    %slice3A_21 = vector.extract_strided_slice %reshape3A_15 {offsets = [0, 0], sizes = [200, 64], strides = [1, 1]} : vector<200x128xf32> to vector<200x64xf32>
    %concatenate3A_22 = tpu.concatenate %slice3A_21, %slice3A_21, %slice3A_21, %slice3A_21, %slice3A_21, %slice3A_21, %slice3A_21, %slice3A_21 in 1 : vector<200x64xf32>, vector<200x64xf32>, vector<200x64xf32>, vector<200x64xf32>, vector<200x64xf32>, vector<200x64xf32>, vector<200x64xf32>, vector<200x64xf32> -> vector<200x512xf32>
    %mul3A_23 = arith.mulf %max3A_19, %concatenate3A_22 : vector<200x512xf32>
    %add3A_24 = arith.addf %mul3A, %mul3A_23 : vector<200x512xf32>
    %slice3A_25 = vector.extract_strided_slice %reshape3A {offsets = [0, 16, 0], sizes = [25, 8, 128], strides = [1, 1, 1]} : vector<25x160x128xf32> to vector<25x8x128xf32>
    %reshape3A_26 = vector.shape_cast %slice3A_25 : vector<25x8x128xf32> to vector<200x128xf32>
    %sub3A_27 = arith.subf %reshape3A_26, %reshape3A_5 : vector<200x128xf32>
    %dot_general3A_28 = arith.constant dense<0.000000e+00> : vector<200x512xf32>
    %dot_general3A_29 = tpu.matmul %sub3A_27, %get3A_1, %dot_general3A_28 {dimension_numbers = #tpu.dot_dimension_numbers<[1], [0], [0], [1], [0, 0, 1, 1], [], []>, transpose_lhs_hint = false} : vector<200x128xf32>, vector<128x512xf32>, vector<200x512xf32> -> vector<200x512xf32>
    %max3A_30 = arith.constant 0.000000e+00 : f32
    %max3A_31 = vector.broadcast %max3A_30 : f32 to vector<200x512xf32>
    %max3A_32 = arith.maximumf %dot_general3A_29, %max3A_31 : vector<200x512xf32>
    %add3A_33 = arith.addf %add3A_20, %max3A_32 : vector<200x512xf32>
    %slice3A_34 = vector.extract_strided_slice %reshape3A_26 {offsets = [0, 0], sizes = [200, 64], strides = [1, 1]} : vector<200x128xf32> to vector<200x64xf32>
    %concatenate3A_35 = tpu.concatenate %slice3A_34, %slice3A_34, %slice3A_34, %slice3A_34, %slice3A_34, %slice3A_34, %slice3A_34, %slice3A_34 in 1 : vector<200x64xf32>, vector<200x64xf32>, vector<200x64xf32>, vector<200x64xf32>, vector<200x64xf32>, vector<200x64xf32>, vector<200x64xf32>, vector<200x64xf32> -> vector<200x512xf32>
    %mul3A_36 = arith.mulf %max3A_32, %concatenate3A_35 : vector<200x512xf32>
    %add3A_37 = arith.addf %add3A_24, %mul3A_36 : vector<200x512xf32>
    %slice3A_38 = vector.extract_strided_slice %reshape3A {offsets = [0, 24, 0], sizes = [25, 8, 128], strides = [1, 1, 1]} : vector<25x160x128xf32> to vector<25x8x128xf32>
    %reshape3A_39 = vector.shape_cast %slice3A_38 : vector<25x8x128xf32> to vector<200x128xf32>
    %sub3A_40 = arith.subf %reshape3A_39, %reshape3A_5 : vector<200x128xf32>
    %dot_general3A_41 = arith.constant dense<0.000000e+00> : vector<200x512xf32>
    %dot_general3A_42 = tpu.matmul %sub3A_40, %get3A_1, %dot_general3A_41 {dimension_numbers = #tpu.dot_dimension_numbers<[1], [0], [0], [1], [0, 0, 1, 1], [], []>, transpose_lhs_hint = false} : vector<200x128xf32>, vector<128x512xf32>, vector<200x512xf32> -> vector<200x512xf32>
    %max3A_43 = arith.constant 0.000000e+00 : f32
    %max3A_44 = vector.broadcast %max3A_43 : f32 to vector<200x512xf32>
    %max3A_45 = arith.maximumf %dot_general3A_42, %max3A_44 : vector<200x512xf32>
    %add3A_46 = arith.addf %add3A_33, %max3A_45 : vector<200x512xf32>
    %slice3A_47 = vector.extract_strided_slice %reshape3A_39 {offsets = [0, 0], sizes = [200, 64], strides = [1, 1]} : vector<200x128xf32> to vector<200x64xf32>
    %concatenate3A_48 = tpu.concatenate %slice3A_47, %slice3A_47, %slice3A_47, %slice3A_47, %slice3A_47, %slice3A_47, %slice3A_47, %slice3A_47 in 1 : vector<200x64xf32>, vector<200x64xf32>, vector<200x64xf32>, vector<200x64xf32>, vector<200x64xf32>, vector<200x64xf32>, vector<200x64xf32>, vector<200x64xf32> -> vector<200x512xf32>
    %mul3A_49 = arith.mulf %max3A_45, %concatenate3A_48 : vector<200x512xf32>
    %add3A_50 = arith.addf %add3A_37, %mul3A_49 : vector<200x512xf32>
    %slice3A_51 = vector.extract_strided_slice %reshape3A {offsets = [0, 32, 0], sizes = [25, 8, 128], strides = [1, 1, 1]} : vector<25x160x128xf32> to vector<25x8x128xf32>
    %reshape3A_52 = vector.shape_cast %slice3A_51 : vector<25x8x128xf32> to vector<200x128xf32>
    %sub3A_53 = arith.subf %reshape3A_52, %reshape3A_5 : vector<200x128xf32>
    %dot_general3A_54 = arith.constant dense<0.000000e+00> : vector<200x512xf32>
    %dot_general3A_55 = tpu.matmul %sub3A_53, %get3A_1, %dot_general3A_54 {dimension_numbers = #tpu.dot_dimension_numbers<[1], [0], [0], [1], [0, 0, 1, 1], [], []>, transpose_lhs_hint = false} : vector<200x128xf32>, vector<128x512xf32>, vector<200x512xf32> -> vector<200x512xf32>
    %max3A_56 = arith.constant 0.000000e+00 : f32
    %max3A_57 = vector.broadcast %max3A_56 : f32 to vector<200x512xf32>
    %max3A_58 = arith.maximumf %dot_general3A_55, %max3A_57 : vector<200x512xf32>
    %add3A_59 = arith.addf %add3A_46, %max3A_58 : vector<200x512xf32>
    %slice3A_60 = vector.extract_strided_slice %reshape3A_52 {offsets = [0, 0], sizes = [200, 64], strides = [1, 1]} : vector<200x128xf32> to vector<200x64xf32>
    %concatenate3A_61 = tpu.concatenate %slice3A_60, %slice3A_60, %slice3A_60, %slice3A_60, %slice3A_60, %slice3A_60, %slice3A_60, %slice3A_60 in 1 : vector<200x64xf32>, vector<200x64xf32>, vector<200x64xf32>, vector<200x64xf32>, vector<200x64xf32>, vector<200x64xf32>, vector<200x64xf32>, vector<200x64xf32> -> vector<200x512xf32>
    %mul3A_62 = arith.mulf %max3A_58, %concatenate3A_61 : vector<200x512xf32>
    %add3A_63 = arith.addf %add3A_50, %mul3A_62 : vector<200x512xf32>
    %slice3A_64 = vector.extract_strided_slice %reshape3A {offsets = [0, 40, 0], sizes = [25, 8, 128], strides = [1, 1, 1]} : vector<25x160x128xf32> to vector<25x8x128xf32>
    %reshape3A_65 = vector.shape_cast %slice3A_64 : vector<25x8x128xf32> to vector<200x128xf32>
    %sub3A_66 = arith.subf %reshape3A_65, %reshape3A_5 : vector<200x128xf32>
    %dot_general3A_67 = arith.constant dense<0.000000e+00> : vector<200x512xf32>
    %dot_general3A_68 = tpu.matmul %sub3A_66, %get3A_1, %dot_general3A_67 {dimension_numbers = #tpu.dot_dimension_numbers<[1], [0], [0], [1], [0, 0, 1, 1], [], []>, transpose_lhs_hint = false} : vector<200x128xf32>, vector<128x512xf32>, vector<200x512xf32> -> vector<200x512xf32>
    %max3A_69 = arith.constant 0.000000e+00 : f32
    %max3A_70 = vector.broadcast %max3A_69 : f32 to vector<200x512xf32>
    %max3A_71 = arith.maximumf %dot_general3A_68, %max3A_70 : vector<200x512xf32>
    %add3A_72 = arith.addf %add3A_59, %max3A_71 : vector<200x512xf32>
    %slice3A_73 = vector.extract_strided_slice %reshape3A_65 {offsets = [0, 0], sizes = [200, 64], strides = [1, 1]} : vector<200x128xf32> to vector<200x64xf32>
    %concatenate3A_74 = tpu.concatenate %slice3A_73, %slice3A_73, %slice3A_73, %slice3A_73, %slice3A_73, %slice3A_73, %slice3A_73, %slice3A_73 in 1 : vector<200x64xf32>, vector<200x64xf32>, vector<200x64xf32>, vector<200x64xf32>, vector<200x64xf32>, vector<200x64xf32>, vector<200x64xf32>, vector<200x64xf32> -> vector<200x512xf32>
    %mul3A_75 = arith.mulf %max3A_71, %concatenate3A_74 : vector<200x512xf32>
    %add3A_76 = arith.addf %add3A_63, %mul3A_75 : vector<200x512xf32>
    %slice3A_77 = vector.extract_strided_slice %reshape3A {offsets = [0, 48, 0], sizes = [25, 8, 128], strides = [1, 1, 1]} : vector<25x160x128xf32> to vector<25x8x128xf32>
    %reshape3A_78 = vector.shape_cast %slice3A_77 : vector<25x8x128xf32> to vector<200x128xf32>
    %sub3A_79 = arith.subf %reshape3A_78, %reshape3A_5 : vector<200x128xf32>
    %dot_general3A_80 = arith.constant dense<0.000000e+00> : vector<200x512xf32>
    %dot_general3A_81 = tpu.matmul %sub3A_79, %get3A_1, %dot_general3A_80 {dimension_numbers = #tpu.dot_dimension_numbers<[1], [0], [0], [1], [0, 0, 1, 1], [], []>, transpose_lhs_hint = false} : vector<200x128xf32>, vector<128x512xf32>, vector<200x512xf32> -> vector<200x512xf32>
    %max3A_82 = arith.constant 0.000000e+00 : f32
    %max3A_83 = vector.broadcast %max3A_82 : f32 to vector<200x512xf32>
    %max3A_84 = arith.maximumf %dot_general3A_81, %max3A_83 : vector<200x512xf32>
    %add3A_85 = arith.addf %add3A_72, %max3A_84 : vector<200x512xf32>
    %slice3A_86 = vector.extract_strided_slice %reshape3A_78 {offsets = [0, 0], sizes = [200, 64], strides = [1, 1]} : vector<200x128xf32> to vector<200x64xf32>
    %concatenate3A_87 = tpu.concatenate %slice3A_86, %slice3A_86, %slice3A_86, %slice3A_86, %slice3A_86, %slice3A_86, %slice3A_86, %slice3A_86 in 1 : vector<200x64xf32>, vector<200x64xf32>, vector<200x64xf32>, vector<200x64xf32>, vector<200x64xf32>, vector<200x64xf32>, vector<200x64xf32>, vector<200x64xf32> -> vector<200x512xf32>
    %mul3A_88 = arith.mulf %max3A_84, %concatenate3A_87 : vector<200x512xf32>
    %add3A_89 = arith.addf %add3A_76, %mul3A_88 : vector<200x512xf32>
    %slice3A_90 = vector.extract_strided_slice %reshape3A {offsets = [0, 56, 0], sizes = [25, 8, 128], strides = [1, 1, 1]} : vector<25x160x128xf32> to vector<25x8x128xf32>
    %reshape3A_91 = vector.shape_cast %slice3A_90 : vector<25x8x128xf32> to vector<200x128xf32>
    %sub3A_92 = arith.subf %reshape3A_91, %reshape3A_5 : vector<200x128xf32>
    %dot_general3A_93 = arith.constant dense<0.000000e+00> : vector<200x512xf32>
    %dot_general3A_94 = tpu.matmul %sub3A_92, %get3A_1, %dot_general3A_93 {dimension_numbers = #tpu.dot_dimension_numbers<[1], [0], [0], [1], [0, 0, 1, 1], [], []>, transpose_lhs_hint = false} : vector<200x128xf32>, vector<128x512xf32>, vector<200x512xf32> -> vector<200x512xf32>
    %max3A_95 = arith.constant 0.000000e+00 : f32
    %max3A_96 = vector.broadcast %max3A_95 : f32 to vector<200x512xf32>
    %max3A_97 = arith.maximumf %dot_general3A_94, %max3A_96 : vector<200x512xf32>
    %add3A_98 = arith.addf %add3A_85, %max3A_97 : vector<200x512xf32>
    %slice3A_99 = vector.extract_strided_slice %reshape3A_91 {offsets = [0, 0], sizes = [200, 64], strides = [1, 1]} : vector<200x128xf32> to vector<200x64xf32>
    %concatenate3A_100 = tpu.concatenate %slice3A_99, %slice3A_99, %slice3A_99, %slice3A_99, %slice3A_99, %slice3A_99, %slice3A_99, %slice3A_99 in 1 : vector<200x64xf32>, vector<200x64xf32>, vector<200x64xf32>, vector<200x64xf32>, vector<200x64xf32>, vector<200x64xf32>, vector<200x64xf32>, vector<200x64xf32> -> vector<200x512xf32>
    %mul3A_101 = arith.mulf %max3A_97, %concatenate3A_100 : vector<200x512xf32>
    %add3A_102 = arith.addf %add3A_89, %mul3A_101 : vector<200x512xf32>
    %slice3A_103 = vector.extract_strided_slice %reshape3A {offsets = [0, 64, 0], sizes = [25, 8, 128], strides = [1, 1, 1]} : vector<25x160x128xf32> to vector<25x8x128xf32>
    %reshape3A_104 = vector.shape_cast %slice3A_103 : vector<25x8x128xf32> to vector<200x128xf32>
    %sub3A_105 = arith.subf %reshape3A_104, %reshape3A_5 : vector<200x128xf32>
    %dot_general3A_106 = arith.constant dense<0.000000e+00> : vector<200x512xf32>
    %dot_general3A_107 = tpu.matmul %sub3A_105, %get3A_1, %dot_general3A_106 {dimension_numbers = #tpu.dot_dimension_numbers<[1], [0], [0], [1], [0, 0, 1, 1], [], []>, transpose_lhs_hint = false} : vector<200x128xf32>, vector<128x512xf32>, vector<200x512xf32> -> vector<200x512xf32>
    %max3A_108 = arith.constant 0.000000e+00 : f32
    %max3A_109 = vector.broadcast %max3A_108 : f32 to vector<200x512xf32>
    %max3A_110 = arith.maximumf %dot_general3A_107, %max3A_109 : vector<200x512xf32>
    %add3A_111 = arith.addf %add3A_98, %max3A_110 : vector<200x512xf32>
    %slice3A_112 = vector.extract_strided_slice %reshape3A_104 {offsets = [0, 0], sizes = [200, 64], strides = [1, 1]} : vector<200x128xf32> to vector<200x64xf32>
    %concatenate3A_113 = tpu.concatenate %slice3A_112, %slice3A_112, %slice3A_112, %slice3A_112, %slice3A_112, %slice3A_112, %slice3A_112, %slice3A_112 in 1 : vector<200x64xf32>, vector<200x64xf32>, vector<200x64xf32>, vector<200x64xf32>, vector<200x64xf32>, vector<200x64xf32>, vector<200x64xf32>, vector<200x64xf32> -> vector<200x512xf32>
    %mul3A_114 = arith.mulf %max3A_110, %concatenate3A_113 : vector<200x512xf32>
    %add3A_115 = arith.addf %add3A_102, %mul3A_114 : vector<200x512xf32>
    %slice3A_116 = vector.extract_strided_slice %reshape3A {offsets = [0, 72, 0], sizes = [25, 8, 128], strides = [1, 1, 1]} : vector<25x160x128xf32> to vector<25x8x128xf32>
    %reshape3A_117 = vector.shape_cast %slice3A_116 : vector<25x8x128xf32> to vector<200x128xf32>
    %sub3A_118 = arith.subf %reshape3A_117, %reshape3A_5 : vector<200x128xf32>
    %dot_general3A_119 = arith.constant dense<0.000000e+00> : vector<200x512xf32>
    %dot_general3A_120 = tpu.matmul %sub3A_118, %get3A_1, %dot_general3A_119 {dimension_numbers = #tpu.dot_dimension_numbers<[1], [0], [0], [1], [0, 0, 1, 1], [], []>, transpose_lhs_hint = false} : vector<200x128xf32>, vector<128x512xf32>, vector<200x512xf32> -> vector<200x512xf32>
    %max3A_121 = arith.constant 0.000000e+00 : f32
    %max3A_122 = vector.broadcast %max3A_121 : f32 to vector<200x512xf32>
    %max3A_123 = arith.maximumf %dot_general3A_120, %max3A_122 : vector<200x512xf32>
    %add3A_124 = arith.addf %add3A_111, %max3A_123 : vector<200x512xf32>
    %slice3A_125 = vector.extract_strided_slice %reshape3A_117 {offsets = [0, 0], sizes = [200, 64], strides = [1, 1]} : vector<200x128xf32> to vector<200x64xf32>
    %concatenate3A_126 = tpu.concatenate %slice3A_125, %slice3A_125, %slice3A_125, %slice3A_125, %slice3A_125, %slice3A_125, %slice3A_125, %slice3A_125 in 1 : vector<200x64xf32>, vector<200x64xf32>, vector<200x64xf32>, vector<200x64xf32>, vector<200x64xf32>, vector<200x64xf32>, vector<200x64xf32>, vector<200x64xf32> -> vector<200x512xf32>
    %mul3A_127 = arith.mulf %max3A_123, %concatenate3A_126 : vector<200x512xf32>
    %add3A_128 = arith.addf %add3A_115, %mul3A_127 : vector<200x512xf32>
    %slice3A_129 = vector.extract_strided_slice %reshape3A {offsets = [0, 80, 0], sizes = [25, 8, 128], strides = [1, 1, 1]} : vector<25x160x128xf32> to vector<25x8x128xf32>
    %reshape3A_130 = vector.shape_cast %slice3A_129 : vector<25x8x128xf32> to vector<200x128xf32>
    %sub3A_131 = arith.subf %reshape3A_130, %reshape3A_5 : vector<200x128xf32>
    %dot_general3A_132 = arith.constant dense<0.000000e+00> : vector<200x512xf32>
    %dot_general3A_133 = tpu.matmul %sub3A_131, %get3A_1, %dot_general3A_132 {dimension_numbers = #tpu.dot_dimension_numbers<[1], [0], [0], [1], [0, 0, 1, 1], [], []>, transpose_lhs_hint = false} : vector<200x128xf32>, vector<128x512xf32>, vector<200x512xf32> -> vector<200x512xf32>
    %max3A_134 = arith.constant 0.000000e+00 : f32
    %max3A_135 = vector.broadcast %max3A_134 : f32 to vector<200x512xf32>
    %max3A_136 = arith.maximumf %dot_general3A_133, %max3A_135 : vector<200x512xf32>
    %add3A_137 = arith.addf %add3A_124, %max3A_136 : vector<200x512xf32>
    %slice3A_138 = vector.extract_strided_slice %reshape3A_130 {offsets = [0, 0], sizes = [200, 64], strides = [1, 1]} : vector<200x128xf32> to vector<200x64xf32>
    %concatenate3A_139 = tpu.concatenate %slice3A_138, %slice3A_138, %slice3A_138, %slice3A_138, %slice3A_138, %slice3A_138, %slice3A_138, %slice3A_138 in 1 : vector<200x64xf32>, vector<200x64xf32>, vector<200x64xf32>, vector<200x64xf32>, vector<200x64xf32>, vector<200x64xf32>, vector<200x64xf32>, vector<200x64xf32> -> vector<200x512xf32>
    %mul3A_140 = arith.mulf %max3A_136, %concatenate3A_139 : vector<200x512xf32>
    %add3A_141 = arith.addf %add3A_128, %mul3A_140 : vector<200x512xf32>
    %slice3A_142 = vector.extract_strided_slice %reshape3A {offsets = [0, 88, 0], sizes = [25, 8, 128], strides = [1, 1, 1]} : vector<25x160x128xf32> to vector<25x8x128xf32>
    %reshape3A_143 = vector.shape_cast %slice3A_142 : vector<25x8x128xf32> to vector<200x128xf32>
    %sub3A_144 = arith.subf %reshape3A_143, %reshape3A_5 : vector<200x128xf32>
    %dot_general3A_145 = arith.constant dense<0.000000e+00> : vector<200x512xf32>
    %dot_general3A_146 = tpu.matmul %sub3A_144, %get3A_1, %dot_general3A_145 {dimension_numbers = #tpu.dot_dimension_numbers<[1], [0], [0], [1], [0, 0, 1, 1], [], []>, transpose_lhs_hint = false} : vector<200x128xf32>, vector<128x512xf32>, vector<200x512xf32> -> vector<200x512xf32>
    %max3A_147 = arith.constant 0.000000e+00 : f32
    %max3A_148 = vector.broadcast %max3A_147 : f32 to vector<200x512xf32>
    %max3A_149 = arith.maximumf %dot_general3A_146, %max3A_148 : vector<200x512xf32>
    %add3A_150 = arith.addf %add3A_137, %max3A_149 : vector<200x512xf32>
    %slice3A_151 = vector.extract_strided_slice %reshape3A_143 {offsets = [0, 0], sizes = [200, 64], strides = [1, 1]} : vector<200x128xf32> to vector<200x64xf32>
    %concatenate3A_152 = tpu.concatenate %slice3A_151, %slice3A_151, %slice3A_151, %slice3A_151, %slice3A_151, %slice3A_151, %slice3A_151, %slice3A_151 in 1 : vector<200x64xf32>, vector<200x64xf32>, vector<200x64xf32>, vector<200x64xf32>, vector<200x64xf32>, vector<200x64xf32>, vector<200x64xf32>, vector<200x64xf32> -> vector<200x512xf32>
    %mul3A_153 = arith.mulf %max3A_149, %concatenate3A_152 : vector<200x512xf32>
    %add3A_154 = arith.addf %add3A_141, %mul3A_153 : vector<200x512xf32>
    %slice3A_155 = vector.extract_strided_slice %reshape3A {offsets = [0, 96, 0], sizes = [25, 8, 128], strides = [1, 1, 1]} : vector<25x160x128xf32> to vector<25x8x128xf32>
    %reshape3A_156 = vector.shape_cast %slice3A_155 : vector<25x8x128xf32> to vector<200x128xf32>
    %sub3A_157 = arith.subf %reshape3A_156, %reshape3A_5 : vector<200x128xf32>
    %dot_general3A_158 = arith.constant dense<0.000000e+00> : vector<200x512xf32>
    %dot_general3A_159 = tpu.matmul %sub3A_157, %get3A_1, %dot_general3A_158 {dimension_numbers = #tpu.dot_dimension_numbers<[1], [0], [0], [1], [0, 0, 1, 1], [], []>, transpose_lhs_hint = false} : vector<200x128xf32>, vector<128x512xf32>, vector<200x512xf32> -> vector<200x512xf32>
    %max3A_160 = arith.constant 0.000000e+00 : f32
    %max3A_161 = vector.broadcast %max3A_160 : f32 to vector<200x512xf32>
    %max3A_162 = arith.maximumf %dot_general3A_159, %max3A_161 : vector<200x512xf32>
    %add3A_163 = arith.addf %add3A_150, %max3A_162 : vector<200x512xf32>
    %slice3A_164 = vector.extract_strided_slice %reshape3A_156 {offsets = [0, 0], sizes = [200, 64], strides = [1, 1]} : vector<200x128xf32> to vector<200x64xf32>
    %concatenate3A_165 = tpu.concatenate %slice3A_164, %slice3A_164, %slice3A_164, %slice3A_164, %slice3A_164, %slice3A_164, %slice3A_164, %slice3A_164 in 1 : vector<200x64xf32>, vector<200x64xf32>, vector<200x64xf32>, vector<200x64xf32>, vector<200x64xf32>, vector<200x64xf32>, vector<200x64xf32>, vector<200x64xf32> -> vector<200x512xf32>
    %mul3A_166 = arith.mulf %max3A_162, %concatenate3A_165 : vector<200x512xf32>
    %add3A_167 = arith.addf %add3A_154, %mul3A_166 : vector<200x512xf32>
    %slice3A_168 = vector.extract_strided_slice %reshape3A {offsets = [0, 104, 0], sizes = [25, 8, 128], strides = [1, 1, 1]} : vector<25x160x128xf32> to vector<25x8x128xf32>
    %reshape3A_169 = vector.shape_cast %slice3A_168 : vector<25x8x128xf32> to vector<200x128xf32>
    %sub3A_170 = arith.subf %reshape3A_169, %reshape3A_5 : vector<200x128xf32>
    %dot_general3A_171 = arith.constant dense<0.000000e+00> : vector<200x512xf32>
    %dot_general3A_172 = tpu.matmul %sub3A_170, %get3A_1, %dot_general3A_171 {dimension_numbers = #tpu.dot_dimension_numbers<[1], [0], [0], [1], [0, 0, 1, 1], [], []>, transpose_lhs_hint = false} : vector<200x128xf32>, vector<128x512xf32>, vector<200x512xf32> -> vector<200x512xf32>
    %max3A_173 = arith.constant 0.000000e+00 : f32
    %max3A_174 = vector.broadcast %max3A_173 : f32 to vector<200x512xf32>
    %max3A_175 = arith.maximumf %dot_general3A_172, %max3A_174 : vector<200x512xf32>
    %add3A_176 = arith.addf %add3A_163, %max3A_175 : vector<200x512xf32>
    %slice3A_177 = vector.extract_strided_slice %reshape3A_169 {offsets = [0, 0], sizes = [200, 64], strides = [1, 1]} : vector<200x128xf32> to vector<200x64xf32>
    %concatenate3A_178 = tpu.concatenate %slice3A_177, %slice3A_177, %slice3A_177, %slice3A_177, %slice3A_177, %slice3A_177, %slice3A_177, %slice3A_177 in 1 : vector<200x64xf32>, vector<200x64xf32>, vector<200x64xf32>, vector<200x64xf32>, vector<200x64xf32>, vector<200x64xf32>, vector<200x64xf32>, vector<200x64xf32> -> vector<200x512xf32>
    %mul3A_179 = arith.mulf %max3A_175, %concatenate3A_178 : vector<200x512xf32>
    %add3A_180 = arith.addf %add3A_167, %mul3A_179 : vector<200x512xf32>
    %slice3A_181 = vector.extract_strided_slice %reshape3A {offsets = [0, 112, 0], sizes = [25, 8, 128], strides = [1, 1, 1]} : vector<25x160x128xf32> to vector<25x8x128xf32>
    %reshape3A_182 = vector.shape_cast %slice3A_181 : vector<25x8x128xf32> to vector<200x128xf32>
    %sub3A_183 = arith.subf %reshape3A_182, %reshape3A_5 : vector<200x128xf32>
    %dot_general3A_184 = arith.constant dense<0.000000e+00> : vector<200x512xf32>
    %dot_general3A_185 = tpu.matmul %sub3A_183, %get3A_1, %dot_general3A_184 {dimension_numbers = #tpu.dot_dimension_numbers<[1], [0], [0], [1], [0, 0, 1, 1], [], []>, transpose_lhs_hint = false} : vector<200x128xf32>, vector<128x512xf32>, vector<200x512xf32> -> vector<200x512xf32>
    %max3A_186 = arith.constant 0.000000e+00 : f32
    %max3A_187 = vector.broadcast %max3A_186 : f32 to vector<200x512xf32>
    %max3A_188 = arith.maximumf %dot_general3A_185, %max3A_187 : vector<200x512xf32>
    %add3A_189 = arith.addf %add3A_176, %max3A_188 : vector<200x512xf32>
    %slice3A_190 = vector.extract_strided_slice %reshape3A_182 {offsets = [0, 0], sizes = [200, 64], strides = [1, 1]} : vector<200x128xf32> to vector<200x64xf32>
    %concatenate3A_191 = tpu.concatenate %slice3A_190, %slice3A_190, %slice3A_190, %slice3A_190, %slice3A_190, %slice3A_190, %slice3A_190, %slice3A_190 in 1 : vector<200x64xf32>, vector<200x64xf32>, vector<200x64xf32>, vector<200x64xf32>, vector<200x64xf32>, vector<200x64xf32>, vector<200x64xf32>, vector<200x64xf32> -> vector<200x512xf32>
    %mul3A_192 = arith.mulf %max3A_188, %concatenate3A_191 : vector<200x512xf32>
    %add3A_193 = arith.addf %add3A_180, %mul3A_192 : vector<200x512xf32>
    %slice3A_194 = vector.extract_strided_slice %reshape3A {offsets = [0, 120, 0], sizes = [25, 8, 128], strides = [1, 1, 1]} : vector<25x160x128xf32> to vector<25x8x128xf32>
    %reshape3A_195 = vector.shape_cast %slice3A_194 : vector<25x8x128xf32> to vector<200x128xf32>
    %sub3A_196 = arith.subf %reshape3A_195, %reshape3A_5 : vector<200x128xf32>
    %dot_general3A_197 = arith.constant dense<0.000000e+00> : vector<200x512xf32>
    %dot_general3A_198 = tpu.matmul %sub3A_196, %get3A_1, %dot_general3A_197 {dimension_numbers = #tpu.dot_dimension_numbers<[1], [0], [0], [1], [0, 0, 1, 1], [], []>, transpose_lhs_hint = false} : vector<200x128xf32>, vector<128x512xf32>, vector<200x512xf32> -> vector<200x512xf32>
    %max3A_199 = arith.constant 0.000000e+00 : f32
    %max3A_200 = vector.broadcast %max3A_199 : f32 to vector<200x512xf32>
    %max3A_201 = arith.maximumf %dot_general3A_198, %max3A_200 : vector<200x512xf32>
    %add3A_202 = arith.addf %add3A_189, %max3A_201 : vector<200x512xf32>
    %slice3A_203 = vector.extract_strided_slice %reshape3A_195 {offsets = [0, 0], sizes = [200, 64], strides = [1, 1]} : vector<200x128xf32> to vector<200x64xf32>
    %concatenate3A_204 = tpu.concatenate %slice3A_203, %slice3A_203, %slice3A_203, %slice3A_203, %slice3A_203, %slice3A_203, %slice3A_203, %slice3A_203 in 1 : vector<200x64xf32>, vector<200x64xf32>, vector<200x64xf32>, vector<200x64xf32>, vector<200x64xf32>, vector<200x64xf32>, vector<200x64xf32>, vector<200x64xf32> -> vector<200x512xf32>
    %mul3A_205 = arith.mulf %max3A_201, %concatenate3A_204 : vector<200x512xf32>
    %add3A_206 = arith.addf %add3A_193, %mul3A_205 : vector<200x512xf32>
    %slice3A_207 = vector.extract_strided_slice %reshape3A {offsets = [0, 128, 0], sizes = [25, 8, 128], strides = [1, 1, 1]} : vector<25x160x128xf32> to vector<25x8x128xf32>
    %reshape3A_208 = vector.shape_cast %slice3A_207 : vector<25x8x128xf32> to vector<200x128xf32>
    %sub3A_209 = arith.subf %reshape3A_208, %reshape3A_5 : vector<200x128xf32>
    %dot_general3A_210 = arith.constant dense<0.000000e+00> : vector<200x512xf32>
    %dot_general3A_211 = tpu.matmul %sub3A_209, %get3A_1, %dot_general3A_210 {dimension_numbers = #tpu.dot_dimension_numbers<[1], [0], [0], [1], [0, 0, 1, 1], [], []>, transpose_lhs_hint = false} : vector<200x128xf32>, vector<128x512xf32>, vector<200x512xf32> -> vector<200x512xf32>
    %max3A_212 = arith.constant 0.000000e+00 : f32
    %max3A_213 = vector.broadcast %max3A_212 : f32 to vector<200x512xf32>
    %max3A_214 = arith.maximumf %dot_general3A_211, %max3A_213 : vector<200x512xf32>
    %add3A_215 = arith.addf %add3A_202, %max3A_214 : vector<200x512xf32>
    %slice3A_216 = vector.extract_strided_slice %reshape3A_208 {offsets = [0, 0], sizes = [200, 64], strides = [1, 1]} : vector<200x128xf32> to vector<200x64xf32>
    %concatenate3A_217 = tpu.concatenate %slice3A_216, %slice3A_216, %slice3A_216, %slice3A_216, %slice3A_216, %slice3A_216, %slice3A_216, %slice3A_216 in 1 : vector<200x64xf32>, vector<200x64xf32>, vector<200x64xf32>, vector<200x64xf32>, vector<200x64xf32>, vector<200x64xf32>, vector<200x64xf32>, vector<200x64xf32> -> vector<200x512xf32>
    %mul3A_218 = arith.mulf %max3A_214, %concatenate3A_217 : vector<200x512xf32>
    %add3A_219 = arith.addf %add3A_206, %mul3A_218 : vector<200x512xf32>
    %slice3A_220 = vector.extract_strided_slice %reshape3A {offsets = [0, 136, 0], sizes = [25, 8, 128], strides = [1, 1, 1]} : vector<25x160x128xf32> to vector<25x8x128xf32>
    %reshape3A_221 = vector.shape_cast %slice3A_220 : vector<25x8x128xf32> to vector<200x128xf32>
    %sub3A_222 = arith.subf %reshape3A_221, %reshape3A_5 : vector<200x128xf32>
    %dot_general3A_223 = arith.constant dense<0.000000e+00> : vector<200x512xf32>
    %dot_general3A_224 = tpu.matmul %sub3A_222, %get3A_1, %dot_general3A_223 {dimension_numbers = #tpu.dot_dimension_numbers<[1], [0], [0], [1], [0, 0, 1, 1], [], []>, transpose_lhs_hint = false} : vector<200x128xf32>, vector<128x512xf32>, vector<200x512xf32> -> vector<200x512xf32>
    %max3A_225 = arith.constant 0.000000e+00 : f32
    %max3A_226 = vector.broadcast %max3A_225 : f32 to vector<200x512xf32>
    %max3A_227 = arith.maximumf %dot_general3A_224, %max3A_226 : vector<200x512xf32>
    %add3A_228 = arith.addf %add3A_215, %max3A_227 : vector<200x512xf32>
    %slice3A_229 = vector.extract_strided_slice %reshape3A_221 {offsets = [0, 0], sizes = [200, 64], strides = [1, 1]} : vector<200x128xf32> to vector<200x64xf32>
    %concatenate3A_230 = tpu.concatenate %slice3A_229, %slice3A_229, %slice3A_229, %slice3A_229, %slice3A_229, %slice3A_229, %slice3A_229, %slice3A_229 in 1 : vector<200x64xf32>, vector<200x64xf32>, vector<200x64xf32>, vector<200x64xf32>, vector<200x64xf32>, vector<200x64xf32>, vector<200x64xf32>, vector<200x64xf32> -> vector<200x512xf32>
    %mul3A_231 = arith.mulf %max3A_227, %concatenate3A_230 : vector<200x512xf32>
    %add3A_232 = arith.addf %add3A_219, %mul3A_231 : vector<200x512xf32>
    %slice3A_233 = vector.extract_strided_slice %reshape3A {offsets = [0, 144, 0], sizes = [25, 8, 128], strides = [1, 1, 1]} : vector<25x160x128xf32> to vector<25x8x128xf32>
    %reshape3A_234 = vector.shape_cast %slice3A_233 : vector<25x8x128xf32> to vector<200x128xf32>
    %sub3A_235 = arith.subf %reshape3A_234, %reshape3A_5 : vector<200x128xf32>
    %dot_general3A_236 = arith.constant dense<0.000000e+00> : vector<200x512xf32>
    %dot_general3A_237 = tpu.matmul %sub3A_235, %get3A_1, %dot_general3A_236 {dimension_numbers = #tpu.dot_dimension_numbers<[1], [0], [0], [1], [0, 0, 1, 1], [], []>, transpose_lhs_hint = false} : vector<200x128xf32>, vector<128x512xf32>, vector<200x512xf32> -> vector<200x512xf32>
    %max3A_238 = arith.constant 0.000000e+00 : f32
    %max3A_239 = vector.broadcast %max3A_238 : f32 to vector<200x512xf32>
    %max3A_240 = arith.maximumf %dot_general3A_237, %max3A_239 : vector<200x512xf32>
    %add3A_241 = arith.addf %add3A_228, %max3A_240 : vector<200x512xf32>
    %slice3A_242 = vector.extract_strided_slice %reshape3A_234 {offsets = [0, 0], sizes = [200, 64], strides = [1, 1]} : vector<200x128xf32> to vector<200x64xf32>
    %concatenate3A_243 = tpu.concatenate %slice3A_242, %slice3A_242, %slice3A_242, %slice3A_242, %slice3A_242, %slice3A_242, %slice3A_242, %slice3A_242 in 1 : vector<200x64xf32>, vector<200x64xf32>, vector<200x64xf32>, vector<200x64xf32>, vector<200x64xf32>, vector<200x64xf32>, vector<200x64xf32>, vector<200x64xf32> -> vector<200x512xf32>
    %mul3A_244 = arith.mulf %max3A_240, %concatenate3A_243 : vector<200x512xf32>
    %add3A_245 = arith.addf %add3A_232, %mul3A_244 : vector<200x512xf32>
    %slice3A_246 = vector.extract_strided_slice %reshape3A {offsets = [0, 152, 0], sizes = [25, 8, 128], strides = [1, 1, 1]} : vector<25x160x128xf32> to vector<25x8x128xf32>
    %reshape3A_247 = vector.shape_cast %slice3A_246 : vector<25x8x128xf32> to vector<200x128xf32>
    %sub3A_248 = arith.subf %reshape3A_247, %reshape3A_5 : vector<200x128xf32>
    %dot_general3A_249 = arith.constant dense<0.000000e+00> : vector<200x512xf32>
    %dot_general3A_250 = tpu.matmul %sub3A_248, %get3A_1, %dot_general3A_249 {dimension_numbers = #tpu.dot_dimension_numbers<[1], [0], [0], [1], [0, 0, 1, 1], [], []>, transpose_lhs_hint = false} : vector<200x128xf32>, vector<128x512xf32>, vector<200x512xf32> -> vector<200x512xf32>
    %max3A_251 = arith.constant 0.000000e+00 : f32
    %max3A_252 = vector.broadcast %max3A_251 : f32 to vector<200x512xf32>
    %max3A_253 = arith.maximumf %dot_general3A_250, %max3A_252 : vector<200x512xf32>
    %add3A_254 = arith.addf %add3A_241, %max3A_253 : vector<200x512xf32>
    %slice3A_255 = vector.extract_strided_slice %reshape3A_247 {offsets = [0, 0], sizes = [200, 64], strides = [1, 1]} : vector<200x128xf32> to vector<200x64xf32>
    %concatenate3A_256 = tpu.concatenate %slice3A_255, %slice3A_255, %slice3A_255, %slice3A_255, %slice3A_255, %slice3A_255, %slice3A_255, %slice3A_255 in 1 : vector<200x64xf32>, vector<200x64xf32>, vector<200x64xf32>, vector<200x64xf32>, vector<200x64xf32>, vector<200x64xf32>, vector<200x64xf32>, vector<200x64xf32> -> vector<200x512xf32>
    %mul3A_257 = arith.mulf %max3A_253, %concatenate3A_256 : vector<200x512xf32>
    %add3A_258 = arith.addf %add3A_245, %mul3A_257 : vector<200x512xf32>
    %add3A_259 = arith.constant 9.99999997E-7 : f32
    %add3A_260 = vector.broadcast %add3A_259 : f32 to vector<200x512xf32>
    %add3A_261 = arith.addf %add3A_254, %add3A_260 : vector<200x512xf32>
    %div3A = arith.constant 1.000000e+00 : f32
    %div3A_262 = vector.broadcast %div3A : f32 to vector<200x512xf32>
    %div3A_263 = arith.divf %div3A_262, %add3A_261 : vector<200x512xf32>
    %mul3A_264 = arith.mulf %add3A_258, %div3A_263 : vector<200x512xf32>
    %get3A_265 = arith.constant 0 : index
    %get3A_266 = arith.constant 0 : index
    %get3A_267 = vector.load %arg5[%get3A_265, %get3A_266] : memref<512x64xf32, #tpu.memory_space<vmem>>, vector<512x64xf32>
    %dot_general3A_268 = arith.constant dense<0.000000e+00> : vector<200x64xf32>
    %dot_general3A_269 = tpu.matmul %mul3A_264, %get3A_267, %dot_general3A_268 {dimension_numbers = #tpu.dot_dimension_numbers<[1], [0], [0], [1], [0, 0, 1, 1], [], []>, transpose_lhs_hint = false} : vector<200x512xf32>, vector<512x64xf32>, vector<200x64xf32> -> vector<200x64xf32>
    %get3A_270 = arith.constant 0 : index
    %get3A_271 = arith.constant 0 : index
    %get3A_272 = vector.load %arg6[%get3A_270, %get3A_271] : memref<1x64xf32, #tpu.memory_space<vmem>>, vector<1x64xf32>
    %add3A_273 = vector.broadcast %get3A_272 : vector<1x64xf32> to vector<200x64xf32>
    %add3A_274 = arith.addf %dot_general3A_269, %add3A_273 : vector<200x64xf32>
    %mul3A_275 = arith.constant 2.000000e-01 : f32
    %mul3A_276 = vector.broadcast %mul3A_275 : f32 to vector<200x64xf32>
    %mul3A_277 = arith.mulf %mul3A_276, %add3A_274 : vector<200x64xf32>
    %max3A_278 = arith.maximumf %add3A_274, %mul3A_277 : vector<200x64xf32>
    %get3A_279 = arith.constant 0 : index
    %get3A_280 = arith.constant 0 : index
    %get3A_281 = vector.load %arg4[%get3A_279, %get3A_280] : memref<200x128xf32, #tpu.memory_space<vmem>>, vector<200x128xf32>
    %slice3A_282 = vector.extract_strided_slice %get3A_281 {offsets = [0, 0], sizes = [200, 64], strides = [1, 1]} : vector<200x128xf32> to vector<200x64xf32>
    %add3A_283 = arith.addf %max3A_278, %slice3A_282 : vector<200x64xf32>
    %swap3A = arith.constant 0 : index
    %swap3A_284 = arith.constant 0 : index
    %swap3A_285 = vector.load %arg7[%swap3A, %swap3A_284] : memref<200x64xf32, #tpu.memory_space<vmem>>, vector<200x64xf32>
    tpu.vector_store %arg7[%swap3A, %swap3A_284], %add3A_283 {strides = array<i32>} : memref<200x64xf32, #tpu.memory_space<vmem>>, vector<200x64xf32>,
    return
  }
  func.func @transform_0(%arg0: i32) -> (i32, i32) {
    %c0_i32 = arith.constant 0 : i32
    %c0_i32_0 = arith.constant 0 : i32
    return %arg0, %c0_i32 : i32, i32
  }
  func.func @transform_1(%arg0: i32) -> (i32, i32) {
    %c0_i32 = arith.constant 0 : i32
    %c0_i32_0 = arith.constant 0 : i32
    %c0_i32_1 = arith.constant 0 : i32
    return %c0_i32, %c0_i32_0 : i32, i32
  }
  func.func @transform_2(%arg0: i32) -> (i32, i32) {
    %c0_i32 = arith.constant 0 : i32
    %c0_i32_0 = arith.constant 0 : i32
    %c0_i32_1 = arith.constant 0 : i32
    return %c0_i32, %c0_i32_0 : i32, i32
  }
  func.func @transform_3(%arg0: i32) -> (i32, i32) {
    %add3A = arith.constant 144 : i32
    %add3A_0 = arith.addi %arg0, %add3A : i32
    %c0_i32 = arith.constant 0 : i32
    %c0_i32_1 = arith.constant 0 : i32
    return %add3A_0, %c0_i32 : i32, i32
  }
  func.func @transform_4(%arg0: i32) -> (i32, i32) {
    %c0_i32 = arith.constant 0 : i32
    %c0_i32_0 = arith.constant 0 : i32
    %c0_i32_1 = arith.constant 0 : i32
    return %c0_i32, %c0_i32_0 : i32, i32
  }
  func.func @transform_5(%arg0: i32) -> (i32, i32) {
    %c0_i32 = arith.constant 0 : i32
    %c0_i32_0 = arith.constant 0 : i32
    %c0_i32_1 = arith.constant 0 : i32
    return %c0_i32, %c0_i32_0 : i32, i32
  }
  func.func @transform_6(%arg0: i32) -> (i32, i32) {
    %c0_i32 = arith.constant 0 : i32
    %c0_i32_0 = arith.constant 0 : i32
    return %arg0, %c0_i32 : i32, i32
  }
}

</mosaic_0001>

<sc_bundles>
// kernel: kernel.10.cloned.1.call-start
scs
__scs_entry_jumppad:
0x0: {  	(pc) =	sbr.rel $0x88, $3  }
0x1: {  	(tag) =	ssettag $0x0;
	lr =	simm.s32 $0x1  }
0x2: {  	[smem:$0x3F9A] =	sst lr;
	_ =	strace $0xD0000000  }
0x3: {  	_ = 	snop  }
0x4: {  	_ = 	snop  }
0x5: {  	_ = 	snop  }
0x6: {  	_ = 	snop  }
0x7: {  	_ = 	snop  }
__scs_overlays_trampoline_lowered:
0x8: {  	[smem:$0x3FA9] =	sst s0  }
0x9: {  	[smem:$0x3FAA] =	sst s1  }
0xa: {  	[smem:$0x3FAB] =	sst s2  }
0xb: {  	[smem:$0x3FAC] =	sst s3  }
0xc: {  	[smem:$0x3FAD] =	sst s4  }
0xd: {  	[smem:$0x3FAE] =	sst s5  }
0xe: {  	[smem:$0x3FAF] =	sst s6  }
0xf: {  	[smem:$0x3FB0] =	sst s7  }
0x10: {  	[smem:$0x3FB1] =	sst s8  }
0x11: {  	[smem:$0x3FB2] =	sst s9;
	s0 =	simm.s32 @!p0 $0x0  }
0x12: {  	s1 =	sld [smem:$0x3F98];
	s0 =	simm.s32 @p0 $0x1  }
0x13: {  	[smem:$0x3FB3] =	sst s0;
	s0 =	simm.s32 @!p1 $0x0  }
0x14: {  	s2 =	sld [smem:$0x3F97];
	s0 =	simm.s32 @p1 $0x1  }
0x15: {  	[smem:$0x3FB4] =	sst s0;
	s0 =	simm.s32 @!p2 $0x0  }
0x16: {  	s3 =	sld [smem:$0x3FDB];
	s0 =	simm.s32 @p2 $0x1  }
0x17: {  	s4 =	simm.s32 $0x1BF5;
	[smem:$0x3FB6] =	sst s0  }
0x18: {  	s0 =	sld [smem:$0x3F99];
	_ =	swait.ge [sflag:s4], $0x0  }
0x19: {  	s7 =	sld [smem:$0x3F9A]  }
0x1a: {  	s8 =	sadd.s32 $0xFFFFE003, lr  }
0x1b: {  	s9 =	sadd.s32 $0xFFFFFEF7, lr;
	s5 =	simm.s32 $0xFFFFFFFF;
	p2 =	slt.u32 s8, $0xFFFFF086  }
0x1c: {  	p1 =	slt.u32 s9, $0xF7A;
	s5 =	simm.s32 @!p2 $0x0  }
0x1d: {  	s5 =	simm.s32 @p1 $0x1;
	p0 =	seq.s32 s7, s2  }
0x1e: {  	s7 =	smul.u32 @!p0 $0xF7A, s2;
	p2 =	seq.s32 @!p0 s5, $0x0  }
0x1f: {  	s9 =	smul.u32 $0xF7A, s1;
	s8 =	simm.s32 @!p0 $0x1BF5;
	p2 =	por !p2, p0  }
0x20: {  	[sflag:s8] =	ssyncset.s32 @!p0 $0xFFFFF086;
	s6 =	sadd.s32 @!p0 s3, s7;
	s7 =	simm.s32 @!p0 $0x108  }
0x21: {  	s3 =	sadd.s32 s3, s9;
	s6 =	sadd.s32 @!p0 $0x88, s6;
	s7 =	simm.s32 @p2 $0x1082  }
0x22: {  	[simem:s7], [sflag:s8] =	dma.local @!p0 [hbm:s6], $0xF7A  }
0x23: {  	s9 =	sor.u32 $0xD0000000, s2;
	s6 =	simm.s32 $0x108;
	_ =	swait.ge @!p0 [sflag:s8], $0x0  }
0x24: {  	s3 =	sadd.s32 $0x88, s3;
	s6 =	simm.s32 @!p1 $0x1082;
	[sflag:s4] =	ssyncset.s32 $0xFFFFF086  }
0x25: {  	[simem:s6], [sflag:s4] =	dma.local [hbm:s3], $0xF7A  }
0x26: {  	[smem:$0x3F9A] =	sst s1;
	(tag) =	ssettag s2;
	_ =	strace s9  }
0x27: {  	s1 =	sld [smem:$0x3FAA]  }
0x28: {  	s2 =	sld [smem:$0x3FAB]  }
0x29: {  	s4 =	sld [smem:$0x3FAD]  }
0x2a: {  	p0 =	seq.s32 s5, $0x0;
	s5 =	sld [smem:$0x3FAE]  }
0x2b: {  	s6 =	sld [smem:$0x3FAF]  }
0x2c: {  	s7 =	sld [smem:$0x3FB0]  }
0x2d: {  	s3 =	simm.s32 $0x108;
	s8 =	sld [smem:$0x3FB1]  }
0x2e: {  	s3 =	simm.s32 @!p0 $0x1082;
	s9 =	sld [smem:$0x3FB2]  }
0x2f: {  	lr =	sadd.s32 s0, s3;
	s0 =	sld [smem:$0x3FA9]  }
0x30: {  	s3 =	sld [smem:$0x3FAC]  }
0x31: {  	[smem:$0x3FB5] =	sst s10  }
0x32: {  	s10 =	sld [smem:$0x3FB3];
	_ =	sdelay $0x3  }
0x33: {  	p0 =	seq.s32 s10, $0x1;
	s10 =	sld [smem:$0x3FB5];
	_ =	sdelay $0x3  }
0x34: {  	[smem:$0x3FB5] =	sst s10  }
0x35: {  	s10 =	sld [smem:$0x3FB4];
	_ =	sdelay $0x3  }
0x36: {  	p1 =	seq.s32 s10, $0x1;
	s10 =	sld [smem:$0x3FB5];
	_ =	sdelay $0x3  }
0x37: {  	[smem:$0x3FB5] =	sst s10  }
0x38: {  	s10 =	sld [smem:$0x3FB6]  }
0x39: {  	_ = 	snop;
	(pc) =	sbr.ind lr, $3  }
0x3a: {  	_ = 	snop  }
0x3b: {  	_ = 	snop  }
0x3c: {  	p2 =	seq.s32 s10, $0x1;
	s10 =	sld [smem:$0x3FB5]  }
0x3d: {  	_ =	shalt  }
0x3e: {  	_ =	shalt  }
0x3f: {  	_ =	shalt  }
0x40: {  	_ =	shalt  }
0x41: {  	_ =	shalt  }
0x42: {  	_ =	shalt  }
0x43: {  	_ =	shalt  }
0x44: {  	_ =	shalt  }
0x45: {  	_ =	shalt  }
0x46: {  	_ =	shalt  }
0x47: {  	_ =	shalt  }
0x48: {  	_ =	shalt  }
0x49: {  	_ =	shalt  }
0x4a: {  	_ =	shalt  }
0x4b: {  	_ =	shalt  }
0x4c: {  	_ =	shalt  }
0x4d: {  	_ =	shalt  }
0x4e: {  	_ =	shalt  }
0x4f: {  	_ =	shalt  }
0x50: {  	_ =	shalt  }
0x51: {  	_ =	shalt  }
0x52: {  	_ =	shalt  }
0x53: {  	_ =	shalt  }
0x54: {  	_ =	shalt  }
0x55: {  	_ =	shalt  }
0x56: {  	_ =	shalt  }
0x57: {  	_ =	shalt  }
0x58: {  	_ =	shalt  }
0x59: {  	_ =	shalt  }
0x5a: {  	_ =	shalt  }
0x5b: {  	_ =	shalt  }
0x5c: {  	_ =	shalt  }
0x5d: {  	_ =	shalt  }
0x5e: {  	_ =	shalt  }
0x5f: {  	_ =	shalt  }
0x60: {  	_ =	shalt  }
0x61: {  	_ =	shalt  }
0x62: {  	_ =	shalt  }
0x63: {  	_ =	shalt  }
0x64: {  	_ =	shalt  }
0x65: {  	_ =	shalt  }
0x66: {  	_ =	shalt  }
0x67: {  	_ =	shalt  }
0x68: {  	_ =	shalt  }
0x69: {  	_ =	shalt  }
0x6a: {  	_ =	shalt  }
0x6b: {  	_ =	shalt  }
0x6c: {  	_ =	shalt  }
0x6d: {  	_ =	shalt  }
0x6e: {  	_ =	shalt  }
0x6f: {  	_ =	shalt  }
0x70: {  	_ =	shalt  }
0x71: {  	_ =	shalt  }
0x72: {  	_ =	shalt  }
0x73: {  	_ =	shalt  }
0x74: {  	_ =	shalt  }
0x75: {  	_ =	shalt  }
0x76: {  	_ =	shalt  }
0x77: {  	_ =	shalt  }
0x78: {  	_ =	shalt  }
0x79: {  	_ =	shalt  }
0x7a: {  	_ =	shalt  }
0x7b: {  	_ =	shalt  }
0x7c: {  	_ =	shalt  }
0x7d: {  	_ =	shalt  }
0x7e: {  	_ =	shalt  }
0x7f: {  	_ =	shalt  }
0x80: {  	_ =	shalt  }
0x81: {  	_ =	shalt  }
0x82: {  	_ =	shalt  }
0x83: {  	_ =	shalt  }
0x84: {  	_ =	shalt  }
0x85: {  	_ =	shalt  }
0x86: {  	_ =	shalt  }
0x87: {  	_ =	shalt  }
.Lfunc_end0:
.L_simem_size_0:
called_computation_lowered:
.L_overlay_start_0:
0x88: {  	s2 =	sld [smem:$0x3FD9]  }
0x89: {  	s3 =	sld [smem:$0x3FFE];
	_ =	sdelay $0x1  }
0x8a: {  	s1 =	srdreg.scid  }
0x8b: {  	s0 =	sand.u32 $0x1, s1  }
0x8c: {  	s17 =	sshll.u32 s0, $0xA;
	s2 =	sadd.s32 s3, s2  }
0x8d: {  	s2 =	sadd.s32 s2, s17  }
0x8e: {  	[smem:$0x3FC1] =	sst s2  }
0x8f: {  	_ = 	snop  }
0x90: {  	(tm) =	ssettm $0x1  }
0x91: {  	s18 =	sld [smem:$0x3FFB];
	_ =	sdelay $0x3  }
0x92: {  	_ =	strace s18  }
0x93: {  	s2 =	sld [smem:$0x3FFC];
	_ =	sdelay $0x3  }
0x94: {  	_ =	strace s2  }
0x95: {  	s2 =	sld [smem:$0x3FFD];
	_ =	sdelay $0x3  }
0x96: {  	_ =	strace s2  }
0x97: {  	_ =	strace $0x8FFFFFFF  }
0x98: {  	s19 =	sld [smem:$0x3FDB];
	_ =	sdelay $0x1  }
0x99: {  	s20 =	simm.s32 $_scs_section_size  }
0x9a: {  	s4 =	simm.s32 $_size__tile_overlayer_lowered;
	s5 =	simm.s32 $_tile_overlayer_lowered  }
0x9b: {  	s6 =	simm.s32 $0x1BFF;
	s21 =	sshll.u32 s5, $0x1;
	s3 =	sadd.s32 s20, s19  }
0x9c: {  	s22 =	simm.s32 $0x0;
	s4 =	sshll.u32 s4, $0x1;
	s5 =	sadd.s32 s21, s3  }
0x9d: {  	[timem:s22], [sflag:s6] =	dma.local [hbm:s5], s4  }
0x9e: {  	_ =	swait.ge [sflag:s6], s4  }
0x9f: {  	s4 =	ssub.s32 $0x0, s4;
	[sflag:s6] =	ssyncset.done $0x0  }
0xa0: {  	[sflag:s6] =	ssyncadd.s32 s4;
	_ =	sdelay $0x1  }
0xa1: {  	s23 =	simm.s32 $0x1B8B  }
0xa2: {  	_ =	swait.ge [sflag:s23], $0x1  }
0xa3: {  	[sflag:s23] =	ssyncset.done $0x0  }
0xa4: {  	[sflag:s23] =	ssyncadd.s32 $0xFFFFFFFF  }
0xa5: {  	s4 =	sld [smem:$0x0]  }
0xa6: {  	s5 =	sand.u32 $0xFFFFFFFE, s1  }
0xa7: {  	p0 =	sne.s32 s1, s5  }
0xa8: {  	s5 =	sshll.u32 @p0 s5, $0xE  }
0xa9: {  	s5 =	sadd.s32 @p0 $0x11B8D, s5;
	s6 =	sshll.u32 @p0 s4, $0x11  }
0xaa: {  	s5 =	sor.u32 @p0 s6, s5  }
0xab: {  	[sflag:s5] =	ssyncadd.remote.s32 @p0 $0x1;
	_ =	sdelay $0x1  }
0xac: {  	s5 =	simm.s32 @p0 $0x1B8D  }
0xad: {  	_ =	swait.eq @p0 [sflag:s5], $0x1  }
0xae: {  	[sflag:s5] =	ssyncadd.s32 @p0 $0xFFFFFFFF  }
0xaf: {  	s6 =	sshll.u32 @!p0 s1, $0xE  }
0xb0: {  	s6 =	sor.u32 @!p0 $0x4000, s6;
	s5 =	simm.s32 @!p0 $0x1B8D  }
0xb1: {  	s4 =	sshll.u32 @!p0 s4, $0x11;
	s6 =	sadd.s32 @!p0 $0x11B8D, s6;
	_ =	swait.eq @!p0 [sflag:s5], $0x1  }
0xb2: {  	s4 =	sor.u32 @!p0 s4, s6;
	[sflag:s5] =	ssyncadd.s32 @!p0 $0xFFFFFFFF  }
0xb3: {  	s25 =	simm.s32 $0x1B8E;
	s24 =	sld [smem:$0x3FFE];
	[sflag:s4] =	ssyncadd.remote.s32 @!p0 $0x1  }
0xb4: {  	s26 =	simm.s32 $execute0_lowered;
	[smem:$0x3FD2] =	sst s25  }
0xb5: {  	s5 =	sshll.u32 s26, $0x1;
	_ =	strace $0x8000004C;
	[dreg:$0x1] =	wrdreg $0xFFFFFFFF  }
0xb6: {  	s28 =	simm.s32 $_size_execute0_lowered;
	s3 =	sadd.s32 s3, s5;
	[dreg:$0x0] =	wrdreg $0x0  }
0xb7: {  	s5 =	sshll.u32 s28, $0x1;
	[dreg:$0x2] =	wrdreg s3  }
0xb8: {  	[dreg:$0x3] =	wrdreg s5  }
0xb9: {  	[dreg:$0x4] =	wrdreg $0xC0  }
0xba: {  	_ =	task [dreg:s22], $0x5FFFF  }
0xbb: {  	[dreg:$0x1] =	wrdreg $0xFFFFFFFF  }
0xbc: {  	[dreg:$0x0] =	wrdreg $0x60  }
0xbd: {  	[dreg:$0x2] =	wrdreg s24  }
0xbe: {  	[dreg:$0x3] =	wrdreg $0x9  }
0xbf: {  	_ =	task.clear_ibuf [dreg:s22], $0x4FFFF;
	_ =	strace $0x9000004C  }
0xc0: {  	s29 =	simm.s32 $0x9;
	_ =	strace $0x8000004E  }
0xc1: {  	_ =	swait.ge [sflag:s29], $0x1  }
0xc2: {  	[sflag:s29] =	ssyncadd.s32 $0xFFFFFFFF  }
0xc3: {  	_ =	strace $0x9000004E  }
0xc4: {  	_ =	sfence  }
0xc5: {  	s30 =	sld [smem:$0x0];
	_ =	sdelay $0x2  }
0xc6: {  	s31 =	sshll.u32 s1, $0xD;
	s1 =	sshrl.u32 s1, $0x2  }
0xc7: {  	s4 =	sand.u32 $0x4000, s31;
	s1 =	sadd.s32 s1, s30  }
0xc8: {  	s0 =	sor.u32 s4, s0;
	s1 =	sshll.u32 s1, $0x11  }
0xc9: {  	s0 =	sor.u32 s1, s0  }
0xca: {  	s0 =	sadd.s32 $0x8F2B, s0  }
0xcb: {  	[sflag:s0] =	ssyncadd.remote.s32 $0x1  }
0xcc: {  	_ =	sfence.sel $0xFFFF  }
0xcd: {  	[dreg:$0x0] =	wrdreg $0xFFFFFFFF;
	(pc) =	sbr.abs _section_cstart, $3  }
0xce: {  	[dreg:$0x1] =	wrdreg $0xFFFFFFFF  }
0xcf: {  	_ =	task.clear_ibuf [dreg:s22], $0x2FFFF;
	_ =	strace $0x9FFFFFFF  }
0xd0: {  	(tm) =	ssettm $0x7FFFFFFF  }
0xd1: {  	_ =	shalt  }
tec
execute0_lowered:
.L_overlay_start_1:
0x0: {  	(tag) =	ssettag $0x1  }
0x1: {  	s1 =	srdreg.scid  }
0x2: {  	s0 =	stileid.u32;
	s4 =	rddreg [dreg:$0x0]  }
0x3: {  	s20 =	simm.s32 $0x1;
	s21 =	simm.s32 $0x3;
	s18 =	smul.u32 $0x32, s0  }
0x4: {  	s22 =	simm.s32 $0x2;
	s12 =	sand.u32 $0x1, s1;
	s19 =	smul.u32 $0x1900, s0  }
0x5: {  	s23 =	simm.s32 $0x4;
	s2 =	sshll.u32 s0, $0x1;
	s30 =	smul.u32 $0xC80, s12  }
0x6: {  	s24 =	simm.s32 $0x0;
	s5 =	sor.u32 s12, s2;
	s31 =	smul.u32 $0x19, s12  }
0x7: {  	s1 =	rddreg [dreg:$0x1];
	s3 =	sadd.s32 $0xA0400, s4;
	s6 =	smul.u32 $0x19, s5  }
0x8: {  	s13 =	sadd.s32 $0x4000, s4;
	s7 =	sor.u32 $0x20, s5;
	s10 =	smul.u32 $0xC80, s5  }
0x9: {  	s15 =	sadd.s32 $0x7C0800, s4;
	s9 =	sor.u32 $0x40, s5;
	s8 =	smul.u32 $0x19, s7  }
0xa: {  	s2 =	simm.s32 $0x0;
	s11 =	ssub.s32 $0x2, s12;
	s9 =	smul.u32 $0x19, s9  }
0xb: {  	[smem:$0x7FF] =	sst s2;
	s5 =	sor.u32 $0x3A0, s5;
	s14 =	smul.u32 $0xC80, s7  }
0xc: {  	s28 =	sshrl.u32 s11, $0x1;
	s19 =	sadd.s32 s19, s15;
	s16 =	smul.u32 $0x19, s5  }
0xd: {  	_ =	strace $0x8000004D;
	s29 =	ssub.s32 s11, s28;
	s17 =	smul.u32 $0xC80, s5  }
0xe: {  	s4 =	sadd.s32 s13, s6;
	s5 =	smax.u32 s29, $0x1;
	s7 =	sadd.s32 s15, s10  }
0xf: {  	s6 =	sadd.s32 s13, s8;
	s8 =	sadd.s32 s13, s9;
	s9 =	sadd.s32 s15, s14  }
0x10: {  	s10 =	sadd.s32 s13, s16;
	s11 =	sadd.s32 $0x2BC000, s7;
	s12 =	sadd.s32 s15, s17  }
0x11: {  	s13 =	sadd.s32 s18, s13;
	s14 =	sadd.s32 s30, s19;
	s15 =	simm.s32 $0x5  }
0x12: {  	s16 =	simm.s32 $0xC8;
	s17 =	simm.s32 $0x200;
	s18 =	simm.s32 $0x100  }
0x13: {  	s19 =	simm.s32 $0x6600;
	s13 =	sadd.s32 s31, s13;
	s14 =	sadd.s32 $0x32000, s14  }
.LBB2_1:
0x14: {  	[tilespmem:s2], [sflag:$0x5] =	stream.linear.gather [hbm4b:s4+s2], $0xC8, $0x38;
	[tilespmem:$0xCA00] =	vst v63  }
0x15: {  	_ =	swait.ge [sflag:s15], $0xC8  }
0x16: {  	[sflag:s15] =	ssyncset.done $0x0  }
0x17: {  	[sflag:s15] =	ssyncadd.s32 $0xFFFFFF38  }
0x18: {  	[tilespmem:s17], [sflag:$0x1] =	stream.indirect.gather [hbm4b:s3+s16], $0x80, s2, s16, $0xb8;
	[tilespmem:$0xCA00] =	vst v63  }
0x19: {  	_ = 	snop  }
0x1a: {  	[tilespmem:s18], [sflag:$0x5] =	stream.linear.gather [hbm4b:s6+s2], $0xC8, $0x38;
	[tilespmem:$0xCA00] =	vst v63  }
0x1b: {  	_ =	swait.ge [sflag:s15], $0xC8  }
0x1c: {  	[sflag:s15] =	ssyncset.done $0x0  }
0x1d: {  	[sflag:s15] =	ssyncadd.s32 $0xFFFFFF38  }
0x1e: {  	[tilespmem:s19], [sflag:$0x2] =	stream.indirect.gather [hbm4b:s3+s16], $0x80, s18, s16, $0xb8;
	[tilespmem:$0xCA00] =	vst v63  }
0x1f: {  	_ =	swait.ge [sflag:s20], $0x6400  }
0x20: {  	[sflag:s20] =	ssyncset.done $0x0  }
0x21: {  	[sflag:s20] =	ssyncadd.s32 $0xFFFF9C00  }
0x22: {  	[hbm4b:s7+s2] =	stream.linear.scatter [tilespmem:s17], [sflag:$0x3], $0x6400, $0x38;
	[tilespmem:$0xCA00] =	vst v63  }
0x23: {  	_ =	swait.ge [sflag:s21], $0x6400  }
0x24: {  	[sflag:s21] =	ssyncset.done $0x0  }
0x25: {  	[sflag:s21] =	ssyncadd.s32 $0xFFFF9C00  }
0x26: {  	[tilespmem:s2], [sflag:$0x5] =	stream.linear.gather [hbm4b:s8+s2], $0xC8, $0x38;
	[tilespmem:$0xCA00] =	vst v63  }
0x27: {  	_ =	swait.ge [sflag:s15], $0xC8  }
0x28: {  	[sflag:s15] =	ssyncset.done $0x0  }
0x29: {  	[sflag:s15] =	ssyncadd.s32 $0xFFFFFF38  }
0x2a: {  	[tilespmem:s17], [sflag:$0x1] =	stream.indirect.gather [hbm4b:s3+s16], $0x80, s2, s16, $0xb8;
	[tilespmem:$0xCA00] =	vst v63  }
0x2b: {  	_ =	swait.ge [sflag:s22], $0x6400  }
0x2c: {  	[sflag:s22] =	ssyncset.done $0x0  }
0x2d: {  	[sflag:s22] =	ssyncadd.s32 $0xFFFF9C00  }
0x2e: {  	[hbm4b:s9+s2] =	stream.linear.scatter [tilespmem:s19], [sflag:$0x4], $0x6400, $0x38;
	[tilespmem:$0xCA00] =	vst v63  }
0x2f: {  	_ =	swait.ge [sflag:s23], $0x6400  }
0x30: {  	s25 =	sadd.s32 $0x0, s13;
	[sflag:s23] =	ssyncset.done $0x0  }
0x31: {  	s26 =	sadd.s32 $0x960, s25;
	[sflag:s23] =	ssyncadd.s32 $0xFFFF9C00  }
0x32: {  	[tilespmem:s18], [sflag:$0x5] =	stream.linear.gather [hbm4b:s26+s2], $0xC8, $0x38;
	[tilespmem:$0xCA00] =	vst v63  }
0x33: {  	_ =	swait.ge [sflag:s15], $0xC8  }
0x34: {  	[sflag:s15] =	ssyncset.done $0x0  }
0x35: {  	[sflag:s15] =	ssyncadd.s32 $0xFFFFFF38  }
0x36: {  	[tilespmem:s19], [sflag:$0x2] =	stream.indirect.gather [hbm4b:s3+s16], $0x80, s18, s16, $0xb8;
	[tilespmem:$0xCA00] =	vst v63  }
0x37: {  	_ =	swait.ge [sflag:s20], $0x6400  }
0x38: {  	[sflag:s20] =	ssyncset.done $0x0  }
0x39: {  	[sflag:s20] =	ssyncadd.s32 $0xFFFF9C00  }
0x3a: {  	[hbm4b:s14+s2] =	stream.linear.scatter [tilespmem:s17], [sflag:$0x3], $0x6400, $0x38;
	[tilespmem:$0xCA00] =	vst v63  }
0x3b: {  	_ =	swait.ge [sflag:s21], $0x6400  }
0x3c: {  	[sflag:s21] =	ssyncset.done $0x0  }
0x3d: {  	s25 =	sadd.s32 $0xC80, s25;
	[sflag:s21] =	ssyncadd.s32 $0xFFFF9C00  }
0x3e: {  	[tilespmem:s2], [sflag:$0x5] =	stream.linear.gather [hbm4b:s25+s2], $0xC8, $0x38;
	[tilespmem:$0xCA00] =	vst v63  }
0x3f: {  	_ =	swait.ge [sflag:s15], $0xC8  }
0x40: {  	[sflag:s15] =	ssyncset.done $0x0  }
0x41: {  	[sflag:s15] =	ssyncadd.s32 $0xFFFFFF38  }
0x42: {  	[tilespmem:s17], [sflag:$0x1] =	stream.indirect.gather [hbm4b:s3+s16], $0x80, s2, s16, $0xb8;
	[tilespmem:$0xCA00] =	vst v63  }
0x43: {  	_ =	swait.ge [sflag:s22], $0x6400  }
0x44: {  	s28 =	sadd.s32 $0x19000, s14;
	[sflag:s22] =	ssyncset.done $0x0  }
0x45: {  	s26 =	sadd.s32 $0x32000, s14;
	s25 =	simm.s32 $0x640;
	[sflag:s22] =	ssyncadd.s32 $0xFFFF9C00  }
.LBB2_2:
0x46: {  	[hbm4b:s28+s2] =	stream.linear.scatter [tilespmem:s19], [sflag:$0x4], $0x6400, $0x38;
	[tilespmem:$0xCA00] =	vst v63  }
0x47: {  	s28 =	smov.u32 s25  }
0x48: {  	p0 =	sne.s32 s25, $0x4B00;
	s25 =	sadd.s32 $0x640, s25;
	_ =	swait.ge [sflag:s23], $0x6400  }
0x49: {  	s28 =	sadd.s32 s28, s13;
	[sflag:s23] =	ssyncset.done $0x0  }
0x4a: {  	s29 =	sadd.s32 $0x960, s28;
	[sflag:s23] =	ssyncadd.s32 $0xFFFF9C00  }
0x4b: {  	[tilespmem:s18], [sflag:$0x5] =	stream.linear.gather [hbm4b:s29+s2], $0xC8, $0x38;
	[tilespmem:$0xCA00] =	vst v63  }
0x4c: {  	_ =	swait.ge [sflag:s15], $0xC8  }
0x4d: {  	[sflag:s15] =	ssyncset.done $0x0  }
0x4e: {  	[sflag:s15] =	ssyncadd.s32 $0xFFFFFF38  }
0x4f: {  	[tilespmem:s19], [sflag:$0x2] =	stream.indirect.gather [hbm4b:s3+s16], $0x80, s18, s16, $0xb8;
	[tilespmem:$0xCA00] =	vst v63  }
0x50: {  	_ =	swait.ge [sflag:s20], $0x6400  }
0x51: {  	[sflag:s20] =	ssyncset.done $0x0  }
0x52: {  	[sflag:s20] =	ssyncadd.s32 $0xFFFF9C00  }
0x53: {  	[hbm4b:s26+s2] =	stream.linear.scatter [tilespmem:s17], [sflag:$0x3], $0x6400, $0x38;
	[tilespmem:$0xCA00] =	vst v63  }
0x54: {  	_ =	swait.ge [sflag:s21], $0x6400  }
0x55: {  	[sflag:s21] =	ssyncset.done $0x0  }
0x56: {  	s28 =	sadd.s32 $0xC80, s28;
	[sflag:s21] =	ssyncadd.s32 $0xFFFF9C00  }
0x57: {  	[tilespmem:s2], [sflag:$0x5] =	stream.linear.gather [hbm4b:s28+s2], $0xC8, $0x38;
	[tilespmem:$0xCA00] =	vst v63  }
0x58: {  	_ =	swait.ge [sflag:s15], $0xC8  }
0x59: {  	[sflag:s15] =	ssyncset.done $0x0  }
.Ltmp0:
0x5a: {  	[sflag:s15] =	ssyncadd.s32 $0xFFFFFF38;
	(pc) =	sbr.rel @p0 .LBB2_2-.Ltmp0, $4  }
0x5b: {  	[tilespmem:s17], [sflag:$0x1] =	stream.indirect.gather [hbm4b:s3+s16], $0x80, s2, s16, $0xb8;
	[tilespmem:$0xCA00] =	vst v63  }
0x5c: {  	_ =	swait.ge [sflag:s22], $0x6400  }
0x5d: {  	[sflag:s22] =	ssyncset.done $0x0  }
0x5e: {  	s28 =	sadd.s32 $0x19000, s26;
	s26 =	sadd.s32 $0x32000, s26;
	[sflag:s22] =	ssyncadd.s32 $0xFFFF9C00  }
0x5f: {  	[hbm4b:s28+s2] =	stream.linear.scatter [tilespmem:s19], [sflag:$0x4], $0x6400, $0x38;
	[tilespmem:$0xCA00] =	vst v63  }
0x60: {  	_ =	swait.ge [sflag:s23], $0x6400  }
0x61: {  	[sflag:s23] =	ssyncset.done $0x0  }
0x62: {  	[sflag:s23] =	ssyncadd.s32 $0xFFFF9C00  }
0x63: {  	[tilespmem:s18], [sflag:$0x5] =	stream.linear.gather [hbm4b:s10+s2], $0xC8, $0x38;
	[tilespmem:$0xCA00] =	vst v63  }
0x64: {  	_ =	swait.ge [sflag:s15], $0xC8  }
0x65: {  	[sflag:s15] =	ssyncset.done $0x0  }
0x66: {  	[sflag:s15] =	ssyncadd.s32 $0xFFFFFF38  }
0x67: {  	[tilespmem:s19], [sflag:$0x2] =	stream.indirect.gather [hbm4b:s3+s16], $0x80, s18, s16, $0xb8;
	[tilespmem:$0xCA00] =	vst v63  }
0x68: {  	_ =	swait.ge [sflag:s20], $0x6400  }
0x69: {  	[sflag:s20] =	ssyncset.done $0x0  }
0x6a: {  	[sflag:s20] =	ssyncadd.s32 $0xFFFF9C00  }
0x6b: {  	[hbm4b:s11+s2] =	stream.linear.scatter [tilespmem:s17], [sflag:$0x3], $0x6400, $0x38;
	[tilespmem:$0xCA00] =	vst v63  }
0x6c: {  	_ =	swait.ge [sflag:s22], $0x6400  }
0x6d: {  	[sflag:s22] =	ssyncset.done $0x0  }
0x6e: {  	s24 =	sadd.s32 $0x1, s24;
	[sflag:s22] =	ssyncadd.s32 $0xFFFF9C00  }
0x6f: {  	[hbm4b:s12+s2] =	stream.linear.scatter [tilespmem:s19], [sflag:$0x4], $0x6400, $0x38;
	[tilespmem:$0xCA00] =	vst v63  }
0x70: {  	p0 =	sne.s32 s24, s5;
	_ =	swait.ge [sflag:s23], $0x6400  }
.Ltmp1:
0x71: {  	[sflag:s23] =	ssyncset.done $0x0;
	(pc) =	sbr.rel @p0 .LBB2_1-.Ltmp1, $4  }
0x72: {  	[sflag:s23] =	ssyncadd.s32 $0xFFFF9C00  }
0x73: {  	_ =	swait.ge [sflag:s21], $0x6400  }
0x74: {  	[sflag:s21] =	ssyncset.done $0x0  }
0x75: {  	[sflag:s21] =	ssyncadd.s32 $0xFFFF9C00  }
0x76: {  	_ =	sfence.sel $0x180000  }
0x77: {  	[bflag:$0x0] =	sbarrier.arrive $0xFFFF  }
0x78: {  	p0 =	sne.s32 s0, $0x0;
	_ =	strace $0x9000004D  }
0x79: {  	s0 =	sadd.s32 @!p0 $0x100000, s1;
	[bflag:$0x2] =	sbarrier.arrive $0xFFFF  }
0x7a: {  	[sflag:s0] =	ssyncadd.tile.s32 @!p0 $0x1;
	_ =	shalt  }
.Lfunc_end2:
_tile_overlayer_lowered:
.L_overlay_start_2:
0x7b: {  	(tag) =	ssettag $0x2  }
0x7c: {  	s0 =	rddreg [dreg:$0x0];
	s2 =	stileid.u32  }
0x7d: {  	s1 =	rddreg [dreg:$0x1];
	p0 =	sne.s32 s2, $0x0  }
0x7e: {  	s3 =	rddreg [dreg:$0x2];
	[bflag:$0x3] =	sbarrier.arrive $0xFFFF;
	s2 =	simm.s32 @!p0 $0x1C05  }
0x7f: {  	[timem:s3], [sflag:s2] =	dma.local @!p0 [hbm:s0], s1  }
0x80: {  	s0 =	simm.s32 @!p0 $0x5  }
0x81: {  	_ =	swait.ge @!p0 [sflag:s0], s1  }
0x82: {  	s1 =	ssub.s32 @!p0 $0x0, s1;
	[sflag:s0] =	ssyncset.done @!p0 $0x0  }
0x83: {  	[sflag:s0] =	ssyncadd.s32 @!p0 s1  }
0x84: {  	[bflag:$0x3] =	sbarrier.arrive $0xFFFF  }
0x85: {  	_ =	shalt  }

// kernel: kernel.13.cloned.1.call-start
scs
__scs_entry_jumppad:
0x0: {  	(pc) =	sbr.rel $0x88, $3  }
0x1: {  	(tag) =	ssettag $0x0;
	lr =	simm.s32 $0x1  }
0x2: {  	[smem:$0x3F9A] =	sst lr;
	_ =	strace $0xD0000000  }
0x3: {  	_ = 	snop  }
0x4: {  	_ = 	snop  }
0x5: {  	_ = 	snop  }
0x6: {  	_ = 	snop  }
0x7: {  	_ = 	snop  }
__scs_overlays_trampoline_lowered:
0x8: {  	[smem:$0x3FA9] =	sst s0  }
0x9: {  	[smem:$0x3FAA] =	sst s1  }
0xa: {  	[smem:$0x3FAB] =	sst s2  }
0xb: {  	[smem:$0x3FAC] =	sst s3  }
0xc: {  	[smem:$0x3FAD] =	sst s4  }
0xd: {  	[smem:$0x3FAE] =	sst s5  }
0xe: {  	[smem:$0x3FAF] =	sst s6  }
0xf: {  	[smem:$0x3FB0] =	sst s7  }
0x10: {  	[smem:$0x3FB1] =	sst s8  }
0x11: {  	[smem:$0x3FB2] =	sst s9;
	s0 =	simm.s32 @!p0 $0x0  }
0x12: {  	s1 =	sld [smem:$0x3F98];
	s0 =	simm.s32 @p0 $0x1  }
0x13: {  	[smem:$0x3FB3] =	sst s0;
	s0 =	simm.s32 @!p1 $0x0  }
0x14: {  	s2 =	sld [smem:$0x3F97];
	s0 =	simm.s32 @p1 $0x1  }
0x15: {  	[smem:$0x3FB4] =	sst s0;
	s0 =	simm.s32 @!p2 $0x0  }
0x16: {  	s3 =	sld [smem:$0x3FDB];
	s0 =	simm.s32 @p2 $0x1  }
0x17: {  	s4 =	simm.s32 $0x1BF5;
	[smem:$0x3FB6] =	sst s0  }
0x18: {  	s0 =	sld [smem:$0x3F99];
	_ =	swait.ge [sflag:s4], $0x0  }
0x19: {  	s7 =	sld [smem:$0x3F9A]  }
0x1a: {  	s8 =	sadd.s32 $0xFFFFE003, lr  }
0x1b: {  	s9 =	sadd.s32 $0xFFFFFEF7, lr;
	s5 =	simm.s32 $0xFFFFFFFF;
	p2 =	slt.u32 s8, $0xFFFFF086  }
0x1c: {  	p1 =	slt.u32 s9, $0xF7A;
	s5 =	simm.s32 @!p2 $0x0  }
0x1d: {  	s5 =	simm.s32 @p1 $0x1;
	p0 =	seq.s32 s7, s2  }
0x1e: {  	s7 =	smul.u32 @!p0 $0xF7A, s2;
	p2 =	seq.s32 @!p0 s5, $0x0  }
0x1f: {  	s9 =	smul.u32 $0xF7A, s1;
	s8 =	simm.s32 @!p0 $0x1BF5;
	p2 =	por !p2, p0  }
0x20: {  	[sflag:s8] =	ssyncset.s32 @!p0 $0xFFFFF086;
	s6 =	sadd.s32 @!p0 s3, s7;
	s7 =	simm.s32 @!p0 $0x108  }
0x21: {  	s3 =	sadd.s32 s3, s9;
	s6 =	sadd.s32 @!p0 $0x88, s6;
	s7 =	simm.s32 @p2 $0x1082  }
0x22: {  	[simem:s7], [sflag:s8] =	dma.local @!p0 [hbm:s6], $0xF7A  }
0x23: {  	s9 =	sor.u32 $0xD0000000, s2;
	s6 =	simm.s32 $0x108;
	_ =	swait.ge @!p0 [sflag:s8], $0x0  }
0x24: {  	s3 =	sadd.s32 $0x88, s3;
	s6 =	simm.s32 @!p1 $0x1082;
	[sflag:s4] =	ssyncset.s32 $0xFFFFF086  }
0x25: {  	[simem:s6], [sflag:s4] =	dma.local [hbm:s3], $0xF7A  }
0x26: {  	[smem:$0x3F9A] =	sst s1;
	(tag) =	ssettag s2;
	_ =	strace s9  }
0x27: {  	s1 =	sld [smem:$0x3FAA]  }
0x28: {  	s2 =	sld [smem:$0x3FAB]  }
0x29: {  	s4 =	sld [smem:$0x3FAD]  }
0x2a: {  	p0 =	seq.s32 s5, $0x0;
	s5 =	sld [smem:$0x3FAE]  }
0x2b: {  	s6 =	sld [smem:$0x3FAF]  }
0x2c: {  	s7 =	sld [smem:$0x3FB0]  }
0x2d: {  	s3 =	simm.s32 $0x108;
	s8 =	sld [smem:$0x3FB1]  }
0x2e: {  	s3 =	simm.s32 @!p0 $0x1082;
	s9 =	sld [smem:$0x3FB2]  }
0x2f: {  	lr =	sadd.s32 s0, s3;
	s0 =	sld [smem:$0x3FA9]  }
0x30: {  	s3 =	sld [smem:$0x3FAC]  }
0x31: {  	[smem:$0x3FB5] =	sst s10  }
0x32: {  	s10 =	sld [smem:$0x3FB3];
	_ =	sdelay $0x3  }
0x33: {  	p0 =	seq.s32 s10, $0x1;
	s10 =	sld [smem:$0x3FB5];
	_ =	sdelay $0x3  }
0x34: {  	[smem:$0x3FB5] =	sst s10  }
0x35: {  	s10 =	sld [smem:$0x3FB4];
	_ =	sdelay $0x3  }
0x36: {  	p1 =	seq.s32 s10, $0x1;
	s10 =	sld [smem:$0x3FB5];
	_ =	sdelay $0x3  }
0x37: {  	[smem:$0x3FB5] =	sst s10  }
0x38: {  	s10 =	sld [smem:$0x3FB6]  }
0x39: {  	_ = 	snop;
	(pc) =	sbr.ind lr, $3  }
0x3a: {  	_ = 	snop  }
0x3b: {  	_ = 	snop  }
0x3c: {  	p2 =	seq.s32 s10, $0x1;
	s10 =	sld [smem:$0x3FB5]  }
0x3d: {  	_ =	shalt  }
0x3e: {  	_ =	shalt  }
0x3f: {  	_ =	shalt  }
0x40: {  	_ =	shalt  }
0x41: {  	_ =	shalt  }
0x42: {  	_ =	shalt  }
0x43: {  	_ =	shalt  }
0x44: {  	_ =	shalt  }
0x45: {  	_ =	shalt  }
0x46: {  	_ =	shalt  }
0x47: {  	_ =	shalt  }
0x48: {  	_ =	shalt  }
0x49: {  	_ =	shalt  }
0x4a: {  	_ =	shalt  }
0x4b: {  	_ =	shalt  }
0x4c: {  	_ =	shalt  }
0x4d: {  	_ =	shalt  }
0x4e: {  	_ =	shalt  }
0x4f: {  	_ =	shalt  }
0x50: {  	_ =	shalt  }
0x51: {  	_ =	shalt  }
0x52: {  	_ =	shalt  }
0x53: {  	_ =	shalt  }
0x54: {  	_ =	shalt  }
0x55: {  	_ =	shalt  }
0x56: {  	_ =	shalt  }
0x57: {  	_ =	shalt  }
0x58: {  	_ =	shalt  }
0x59: {  	_ =	shalt  }
0x5a: {  	_ =	shalt  }
0x5b: {  	_ =	shalt  }
0x5c: {  	_ =	shalt  }
0x5d: {  	_ =	shalt  }
0x5e: {  	_ =	shalt  }
0x5f: {  	_ =	shalt  }
0x60: {  	_ =	shalt  }
0x61: {  	_ =	shalt  }
0x62: {  	_ =	shalt  }
0x63: {  	_ =	shalt  }
0x64: {  	_ =	shalt  }
0x65: {  	_ =	shalt  }
0x66: {  	_ =	shalt  }
0x67: {  	_ =	shalt  }
0x68: {  	_ =	shalt  }
0x69: {  	_ =	shalt  }
0x6a: {  	_ =	shalt  }
0x6b: {  	_ =	shalt  }
0x6c: {  	_ =	shalt  }
0x6d: {  	_ =	shalt  }
0x6e: {  	_ =	shalt  }
0x6f: {  	_ =	shalt  }
0x70: {  	_ =	shalt  }
0x71: {  	_ =	shalt  }
0x72: {  	_ =	shalt  }
0x73: {  	_ =	shalt  }
0x74: {  	_ =	shalt  }
0x75: {  	_ =	shalt  }
0x76: {  	_ =	shalt  }
0x77: {  	_ =	shalt  }
0x78: {  	_ =	shalt  }
0x79: {  	_ =	shalt  }
0x7a: {  	_ =	shalt  }
0x7b: {  	_ =	shalt  }
0x7c: {  	_ =	shalt  }
0x7d: {  	_ =	shalt  }
0x7e: {  	_ =	shalt  }
0x7f: {  	_ =	shalt  }
0x80: {  	_ =	shalt  }
0x81: {  	_ =	shalt  }
0x82: {  	_ =	shalt  }
0x83: {  	_ =	shalt  }
0x84: {  	_ =	shalt  }
0x85: {  	_ =	shalt  }
0x86: {  	_ =	shalt  }
0x87: {  	_ =	shalt  }
.Lfunc_end0:
.L_simem_size_0:
called_computation.1_lowered:
.L_overlay_start_0:
0x88: {  	s2 =	sld [smem:$0x3FD9]  }
0x89: {  	s3 =	sld [smem:$0x3FFE];
	_ =	sdelay $0x1  }
0x8a: {  	s1 =	srdreg.scid  }
0x8b: {  	s0 =	sand.u32 $0x1, s1  }
0x8c: {  	s16 =	sshll.u32 s0, $0xA;
	s2 =	sadd.s32 s3, s2  }
0x8d: {  	s2 =	sadd.s32 s2, s16  }
0x8e: {  	[smem:$0x3FC1] =	sst s2  }
0x8f: {  	_ = 	snop  }
0x90: {  	(tm) =	ssettm $0x1  }
0x91: {  	s17 =	sld [smem:$0x3FFB];
	_ =	sdelay $0x3  }
0x92: {  	_ =	strace s17  }
0x93: {  	s2 =	sld [smem:$0x3FFC];
	_ =	sdelay $0x3  }
0x94: {  	_ =	strace s2  }
0x95: {  	s2 =	sld [smem:$0x3FFD];
	_ =	sdelay $0x3  }
0x96: {  	_ =	strace s2  }
0x97: {  	_ =	strace $0x8FFFFFFF  }
0x98: {  	s18 =	sld [smem:$0x3FDB];
	_ =	sdelay $0x1  }
0x99: {  	s19 =	simm.s32 $_scs_section_size  }
0x9a: {  	s4 =	simm.s32 $_size__tile_overlayer_lowered;
	s5 =	simm.s32 $_tile_overlayer_lowered  }
0x9b: {  	s22 =	simm.s32 $0x1BFF;
	s21 =	sshll.u32 s5, $0x1;
	s2 =	sadd.s32 s19, s18  }
0x9c: {  	s6 =	simm.s32 $0x0;
	s20 =	sshll.u32 s4, $0x1;
	s4 =	sadd.s32 s21, s2  }
0x9d: {  	[timem:s6], [sflag:s22] =	dma.local [hbm:s4], s20  }
0x9e: {  	_ =	swait.ge [sflag:s22], s20  }
0x9f: {  	s3 =	ssub.s32 $0x0, s20;
	[sflag:s22] =	ssyncset.done $0x0  }
0xa0: {  	[sflag:s22] =	ssyncadd.s32 s3;
	_ =	sdelay $0x1  }
0xa1: {  	s23 =	simm.s32 $0x1B8B  }
0xa2: {  	_ =	swait.ge [sflag:s23], $0x1  }
0xa3: {  	[sflag:s23] =	ssyncset.done $0x0  }
0xa4: {  	s25 =	simm.s32 $0x1B8E;
	s24 =	sld [smem:$0x3FFE];
	[sflag:s23] =	ssyncadd.s32 $0xFFFFFFFF  }
0xa5: {  	s26 =	simm.s32 $execute0_lowered;
	[smem:$0x3FD2] =	sst s25  }
0xa6: {  	s4 =	sshll.u32 s26, $0x1;
	_ =	strace $0x80000046;
	[dreg:$0x1] =	wrdreg $0xFFFFFFFF  }
0xa7: {  	s28 =	simm.s32 $_size_execute0_lowered;
	s2 =	sadd.s32 s2, s4;
	[dreg:$0x0] =	wrdreg $0x0  }
0xa8: {  	s4 =	sshll.u32 s28, $0x1;
	[dreg:$0x2] =	wrdreg s2  }
0xa9: {  	[dreg:$0x3] =	wrdreg s4  }
0xaa: {  	[dreg:$0x4] =	wrdreg $0xC0  }
0xab: {  	_ =	task [dreg:s6], $0x5FFFF  }
0xac: {  	[dreg:$0x1] =	wrdreg $0xFFFFFFFF  }
0xad: {  	[dreg:$0x0] =	wrdreg $0x60  }
0xae: {  	[dreg:$0x2] =	wrdreg s24  }
0xaf: {  	[dreg:$0x3] =	wrdreg $0xA  }
0xb0: {  	_ =	task.clear_ibuf [dreg:s6], $0x4FFFF;
	_ =	strace $0x90000046  }
0xb1: {  	s29 =	simm.s32 $0xA;
	_ =	strace $0x80000048  }
0xb2: {  	_ =	swait.ge [sflag:s29], $0x1  }
0xb3: {  	[sflag:s29] =	ssyncadd.s32 $0xFFFFFFFF  }
0xb4: {  	_ =	strace $0x90000048  }
0xb5: {  	_ =	sfence  }
0xb6: {  	s30 =	sld [smem:$0x0];
	_ =	sdelay $0x2  }
0xb7: {  	s31 =	sshll.u32 s1, $0xD;
	s1 =	sshrl.u32 s1, $0x2  }
0xb8: {  	s3 =	sand.u32 $0x4000, s31;
	s1 =	sadd.s32 s1, s30  }
0xb9: {  	s0 =	sor.u32 s3, s0;
	s1 =	sshll.u32 s1, $0x11  }
0xba: {  	s0 =	sor.u32 s1, s0  }
0xbb: {  	s0 =	sadd.s32 $0x8F2B, s0  }
0xbc: {  	[sflag:s0] =	ssyncadd.remote.s32 $0x1  }
0xbd: {  	_ =	sfence.sel $0xFFFF  }
0xbe: {  	[dreg:$0x0] =	wrdreg $0xFFFFFFFF;
	(pc) =	sbr.abs _section_cstart, $3  }
0xbf: {  	[dreg:$0x1] =	wrdreg $0xFFFFFFFF  }
0xc0: {  	_ =	task.clear_ibuf [dreg:s6], $0x2FFFF;
	_ =	strace $0x9FFFFFFF  }
0xc1: {  	(tm) =	ssettm $0x7FFFFFFF  }
tec
execute0_lowered:
.L_overlay_start_1:
0x0: {  	(tag) =	ssettag $0x1  }
0x1: {  	s1 =	srdreg.scid  }
0x2: {  	s0 =	stileid.u32;
	s4 =	rddreg [dreg:$0x0]  }
0x3: {  	s20 =	simm.s32 $0x1;
	s21 =	simm.s32 $0x3;
	s18 =	smul.u32 $0x32, s0  }
0x4: {  	s22 =	simm.s32 $0x2;
	s12 =	sand.u32 $0x1, s1;
	s19 =	smul.u32 $0x1900, s0  }
0x5: {  	s23 =	simm.s32 $0x4;
	s2 =	sshll.u32 s0, $0x1;
	s30 =	smul.u32 $0xC80, s12  }
0x6: {  	s24 =	simm.s32 $0x0;
	s5 =	sor.u32 s12, s2;
	s31 =	smul.u32 $0x19, s12  }
0x7: {  	s1 =	rddreg [dreg:$0x1];
	s3 =	sadd.s32 $0xA0400, s4;
	s6 =	smul.u32 $0x19, s5  }
0x8: {  	s13 =	sadd.s32 $0x1D8C00, s4;
	s7 =	sor.u32 $0x20, s5;
	s10 =	smul.u32 $0xC80, s5  }
0x9: {  	s15 =	sadd.s32 $0x1E4800, s4;
	s9 =	sor.u32 $0x40, s5;
	s8 =	smul.u32 $0x19, s7  }
0xa: {  	s2 =	simm.s32 $0x0;
	s11 =	ssub.s32 $0x2, s12;
	s9 =	smul.u32 $0x19, s9  }
0xb: {  	[smem:$0x7FF] =	sst s2;
	s5 =	sor.u32 $0x3A0, s5;
	s14 =	smul.u32 $0xC80, s7  }
0xc: {  	s28 =	sshrl.u32 s11, $0x1;
	s19 =	sadd.s32 s19, s15;
	s16 =	smul.u32 $0x19, s5  }
0xd: {  	_ =	strace $0x80000047;
	s29 =	ssub.s32 s11, s28;
	s17 =	smul.u32 $0xC80, s5  }
0xe: {  	s4 =	sadd.s32 s13, s6;
	s5 =	smax.u32 s29, $0x1;
	s7 =	sadd.s32 s15, s10  }
0xf: {  	s6 =	sadd.s32 s13, s8;
	s8 =	sadd.s32 s13, s9;
	s9 =	sadd.s32 s15, s14  }
0x10: {  	s10 =	sadd.s32 s13, s16;
	s11 =	sadd.s32 $0x2BC000, s7;
	s12 =	sadd.s32 s15, s17  }
0x11: {  	s13 =	sadd.s32 s18, s13;
	s14 =	sadd.s32 s30, s19;
	s15 =	simm.s32 $0x5  }
0x12: {  	s16 =	simm.s32 $0xC8;
	s17 =	simm.s32 $0x200;
	s18 =	simm.s32 $0x100  }
0x13: {  	s19 =	simm.s32 $0x6600;
	s13 =	sadd.s32 s31, s13;
	s14 =	sadd.s32 $0x32000, s14  }
.LBB2_1:
0x14: {  	[tilespmem:s2], [sflag:$0x5] =	stream.linear.gather [hbm4b:s4+s2], $0xC8, $0x38;
	[tilespmem:$0xCA00] =	vst v63  }
0x15: {  	_ =	swait.ge [sflag:s15], $0xC8  }
0x16: {  	[sflag:s15] =	ssyncset.done $0x0  }
0x17: {  	[sflag:s15] =	ssyncadd.s32 $0xFFFFFF38  }
0x18: {  	[tilespmem:s17], [sflag:$0x1] =	stream.indirect.gather [hbm4b:s3+s16], $0x80, s2, s16, $0xb8;
	[tilespmem:$0xCA00] =	vst v63  }
0x19: {  	_ = 	snop  }
0x1a: {  	[tilespmem:s18], [sflag:$0x5] =	stream.linear.gather [hbm4b:s6+s2], $0xC8, $0x38;
	[tilespmem:$0xCA00] =	vst v63  }
0x1b: {  	_ =	swait.ge [sflag:s15], $0xC8  }
0x1c: {  	[sflag:s15] =	ssyncset.done $0x0  }
0x1d: {  	[sflag:s15] =	ssyncadd.s32 $0xFFFFFF38  }
0x1e: {  	[tilespmem:s19], [sflag:$0x2] =	stream.indirect.gather [hbm4b:s3+s16], $0x80, s18, s16, $0xb8;
	[tilespmem:$0xCA00] =	vst v63  }
0x1f: {  	_ =	swait.ge [sflag:s20], $0x6400  }
0x20: {  	[sflag:s20] =	ssyncset.done $0x0  }
0x21: {  	[sflag:s20] =	ssyncadd.s32 $0xFFFF9C00  }
0x22: {  	[hbm4b:s7+s2] =	stream.linear.scatter [tilespmem:s17], [sflag:$0x3], $0x6400, $0x38;
	[tilespmem:$0xCA00] =	vst v63  }
0x23: {  	_ =	swait.ge [sflag:s21], $0x6400  }
0x24: {  	[sflag:s21] =	ssyncset.done $0x0  }
0x25: {  	[sflag:s21] =	ssyncadd.s32 $0xFFFF9C00  }
0x26: {  	[tilespmem:s2], [sflag:$0x5] =	stream.linear.gather [hbm4b:s8+s2], $0xC8, $0x38;
	[tilespmem:$0xCA00] =	vst v63  }
0x27: {  	_ =	swait.ge [sflag:s15], $0xC8  }
0x28: {  	[sflag:s15] =	ssyncset.done $0x0  }
0x29: {  	[sflag:s15] =	ssyncadd.s32 $0xFFFFFF38  }
0x2a: {  	[tilespmem:s17], [sflag:$0x1] =	stream.indirect.gather [hbm4b:s3+s16], $0x80, s2, s16, $0xb8;
	[tilespmem:$0xCA00] =	vst v63  }
0x2b: {  	_ =	swait.ge [sflag:s22], $0x6400  }
0x2c: {  	[sflag:s22] =	ssyncset.done $0x0  }
0x2d: {  	[sflag:s22] =	ssyncadd.s32 $0xFFFF9C00  }
0x2e: {  	[hbm4b:s9+s2] =	stream.linear.scatter [tilespmem:s19], [sflag:$0x4], $0x6400, $0x38;
	[tilespmem:$0xCA00] =	vst v63  }
0x2f: {  	_ =	swait.ge [sflag:s23], $0x6400  }
0x30: {  	s25 =	sadd.s32 $0x0, s13;
	[sflag:s23] =	ssyncset.done $0x0  }
0x31: {  	s26 =	sadd.s32 $0x960, s25;
	[sflag:s23] =	ssyncadd.s32 $0xFFFF9C00  }
0x32: {  	[tilespmem:s18], [sflag:$0x5] =	stream.linear.gather [hbm4b:s26+s2], $0xC8, $0x38;
	[tilespmem:$0xCA00] =	vst v63  }
0x33: {  	_ =	swait.ge [sflag:s15], $0xC8  }
0x34: {  	[sflag:s15] =	ssyncset.done $0x0  }
0x35: {  	[sflag:s15] =	ssyncadd.s32 $0xFFFFFF38  }
0x36: {  	[tilespmem:s19], [sflag:$0x2] =	stream.indirect.gather [hbm4b:s3+s16], $0x80, s18, s16, $0xb8;
	[tilespmem:$0xCA00] =	vst v63  }
0x37: {  	_ =	swait.ge [sflag:s20], $0x6400  }
0x38: {  	[sflag:s20] =	ssyncset.done $0x0  }
0x39: {  	[sflag:s20] =	ssyncadd.s32 $0xFFFF9C00  }
0x3a: {  	[hbm4b:s14+s2] =	stream.linear.scatter [tilespmem:s17], [sflag:$0x3], $0x6400, $0x38;
	[tilespmem:$0xCA00] =	vst v63  }
0x3b: {  	_ =	swait.ge [sflag:s21], $0x6400  }
0x3c: {  	[sflag:s21] =	ssyncset.done $0x0  }
0x3d: {  	s25 =	sadd.s32 $0xC80, s25;
	[sflag:s21] =	ssyncadd.s32 $0xFFFF9C00  }
0x3e: {  	[tilespmem:s2], [sflag:$0x5] =	stream.linear.gather [hbm4b:s25+s2], $0xC8, $0x38;
	[tilespmem:$0xCA00] =	vst v63  }
0x3f: {  	_ =	swait.ge [sflag:s15], $0xC8  }
0x40: {  	[sflag:s15] =	ssyncset.done $0x0  }
0x41: {  	[sflag:s15] =	ssyncadd.s32 $0xFFFFFF38  }
0x42: {  	[tilespmem:s17], [sflag:$0x1] =	stream.indirect.gather [hbm4b:s3+s16], $0x80, s2, s16, $0xb8;
	[tilespmem:$0xCA00] =	vst v63  }
0x43: {  	_ =	swait.ge [sflag:s22], $0x6400  }
0x44: {  	s28 =	sadd.s32 $0x19000, s14;
	[sflag:s22] =	ssyncset.done $0x0  }
0x45: {  	s26 =	sadd.s32 $0x32000, s14;
	s25 =	simm.s32 $0x640;
	[sflag:s22] =	ssyncadd.s32 $0xFFFF9C00  }
.LBB2_2:
0x46: {  	[hbm4b:s28+s2] =	stream.linear.scatter [tilespmem:s19], [sflag:$0x4], $0x6400, $0x38;
	[tilespmem:$0xCA00] =	vst v63  }
0x47: {  	s28 =	smov.u32 s25  }
0x48: {  	p0 =	sne.s32 s25, $0x4B00;
	s25 =	sadd.s32 $0x640, s25;
	_ =	swait.ge [sflag:s23], $0x6400  }
0x49: {  	s28 =	sadd.s32 s28, s13;
	[sflag:s23] =	ssyncset.done $0x0  }
0x4a: {  	s29 =	sadd.s32 $0x960, s28;
	[sflag:s23] =	ssyncadd.s32 $0xFFFF9C00  }
0x4b: {  	[tilespmem:s18], [sflag:$0x5] =	stream.linear.gather [hbm4b:s29+s2], $0xC8, $0x38;
	[tilespmem:$0xCA00] =	vst v63  }
0x4c: {  	_ =	swait.ge [sflag:s15], $0xC8  }
0x4d: {  	[sflag:s15] =	ssyncset.done $0x0  }
0x4e: {  	[sflag:s15] =	ssyncadd.s32 $0xFFFFFF38  }
0x4f: {  	[tilespmem:s19], [sflag:$0x2] =	stream.indirect.gather [hbm4b:s3+s16], $0x80, s18, s16, $0xb8;
	[tilespmem:$0xCA00] =	vst v63  }
0x50: {  	_ =	swait.ge [sflag:s20], $0x6400  }
0x51: {  	[sflag:s20] =	ssyncset.done $0x0  }
0x52: {  	[sflag:s20] =	ssyncadd.s32 $0xFFFF9C00  }
0x53: {  	[hbm4b:s26+s2] =	stream.linear.scatter [tilespmem:s17], [sflag:$0x3], $0x6400, $0x38;
	[tilespmem:$0xCA00] =	vst v63  }
0x54: {  	_ =	swait.ge [sflag:s21], $0x6400  }
0x55: {  	[sflag:s21] =	ssyncset.done $0x0  }
0x56: {  	s28 =	sadd.s32 $0xC80, s28;
	[sflag:s21] =	ssyncadd.s32 $0xFFFF9C00  }
0x57: {  	[tilespmem:s2], [sflag:$0x5] =	stream.linear.gather [hbm4b:s28+s2], $0xC8, $0x38;
	[tilespmem:$0xCA00] =	vst v63  }
0x58: {  	_ =	swait.ge [sflag:s15], $0xC8  }
0x59: {  	[sflag:s15] =	ssyncset.done $0x0  }
.Ltmp0:
0x5a: {  	[sflag:s15] =	ssyncadd.s32 $0xFFFFFF38;
	(pc) =	sbr.rel @p0 .LBB2_2-.Ltmp0, $4  }
0x5b: {  	[tilespmem:s17], [sflag:$0x1] =	stream.indirect.gather [hbm4b:s3+s16], $0x80, s2, s16, $0xb8;
	[tilespmem:$0xCA00] =	vst v63  }
0x5c: {  	_ =	swait.ge [sflag:s22], $0x6400  }
0x5d: {  	[sflag:s22] =	ssyncset.done $0x0  }
0x5e: {  	s28 =	sadd.s32 $0x19000, s26;
	s26 =	sadd.s32 $0x32000, s26;
	[sflag:s22] =	ssyncadd.s32 $0xFFFF9C00  }
0x5f: {  	[hbm4b:s28+s2] =	stream.linear.scatter [tilespmem:s19], [sflag:$0x4], $0x6400, $0x38;
	[tilespmem:$0xCA00] =	vst v63  }
0x60: {  	_ =	swait.ge [sflag:s23], $0x6400  }
0x61: {  	[sflag:s23] =	ssyncset.done $0x0  }
0x62: {  	[sflag:s23] =	ssyncadd.s32 $0xFFFF9C00  }
0x63: {  	[tilespmem:s18], [sflag:$0x5] =	stream.linear.gather [hbm4b:s10+s2], $0xC8, $0x38;
	[tilespmem:$0xCA00] =	vst v63  }
0x64: {  	_ =	swait.ge [sflag:s15], $0xC8  }
0x65: {  	[sflag:s15] =	ssyncset.done $0x0  }
0x66: {  	[sflag:s15] =	ssyncadd.s32 $0xFFFFFF38  }
0x67: {  	[tilespmem:s19], [sflag:$0x2] =	stream.indirect.gather [hbm4b:s3+s16], $0x80, s18, s16, $0xb8;
	[tilespmem:$0xCA00] =	vst v63  }
0x68: {  	_ =	swait.ge [sflag:s20], $0x6400  }
0x69: {  	[sflag:s20] =	ssyncset.done $0x0  }
0x6a: {  	[sflag:s20] =	ssyncadd.s32 $0xFFFF9C00  }
0x6b: {  	[hbm4b:s11+s2] =	stream.linear.scatter [tilespmem:s17], [sflag:$0x3], $0x6400, $0x38;
	[tilespmem:$0xCA00] =	vst v63  }
0x6c: {  	_ =	swait.ge [sflag:s22], $0x6400  }
0x6d: {  	[sflag:s22] =	ssyncset.done $0x0  }
0x6e: {  	s24 =	sadd.s32 $0x1, s24;
	[sflag:s22] =	ssyncadd.s32 $0xFFFF9C00  }
0x6f: {  	[hbm4b:s12+s2] =	stream.linear.scatter [tilespmem:s19], [sflag:$0x4], $0x6400, $0x38;
	[tilespmem:$0xCA00] =	vst v63  }
0x70: {  	p0 =	sne.s32 s24, s5;
	_ =	swait.ge [sflag:s23], $0x6400  }
.Ltmp1:
0x71: {  	[sflag:s23] =	ssyncset.done $0x0;
	(pc) =	sbr.rel @p0 .LBB2_1-.Ltmp1, $4  }
0x72: {  	[sflag:s23] =	ssyncadd.s32 $0xFFFF9C00  }
0x73: {  	_ =	swait.ge [sflag:s21], $0x6400  }
0x74: {  	[sflag:s21] =	ssyncset.done $0x0  }
0x75: {  	[sflag:s21] =	ssyncadd.s32 $0xFFFF9C00  }
0x76: {  	_ =	sfence.sel $0x180000  }
0x77: {  	[bflag:$0x0] =	sbarrier.arrive $0xFFFF  }
0x78: {  	p0 =	sne.s32 s0, $0x0;
	_ =	strace $0x90000047  }
0x79: {  	s0 =	sadd.s32 @!p0 $0x100000, s1;
	[bflag:$0x2] =	sbarrier.arrive $0xFFFF  }
0x7a: {  	[sflag:s0] =	ssyncadd.tile.s32 @!p0 $0x1;
	_ =	shalt  }
.Lfunc_end2:
_tile_overlayer_lowered:
.L_overlay_start_2:
0x7b: {  	(tag) =	ssettag $0x2  }
0x7c: {  	s0 =	rddreg [dreg:$0x0];
	s2 =	stileid.u32  }
0x7d: {  	s1 =	rddreg [dreg:$0x1];
	p0 =	sne.s32 s2, $0x0  }
0x7e: {  	s3 =	rddreg [dreg:$0x2];
	[bflag:$0x3] =	sbarrier.arrive $0xFFFF;
	s2 =	simm.s32 @!p0 $0x1C05  }
0x7f: {  	[timem:s3], [sflag:s2] =	dma.local @!p0 [hbm:s0], s1  }
0x80: {  	s0 =	simm.s32 @!p0 $0x5  }
0x81: {  	_ =	swait.ge @!p0 [sflag:s0], s1  }
0x82: {  	s1 =	ssub.s32 @!p0 $0x0, s1;
	[sflag:s0] =	ssyncset.done @!p0 $0x0  }
0x83: {  	[sflag:s0] =	ssyncadd.s32 @!p0 s1  }
0x84: {  	[bflag:$0x3] =	sbarrier.arrive $0xFFFF  }
0x85: {  	_ =	shalt  }

// kernel: kernel.16.cloned.1.call-start
scs
__scs_entry_jumppad:
0x0: {  	(pc) =	sbr.rel $0x88, $3  }
0x1: {  	(tag) =	ssettag $0x0;
	lr =	simm.s32 $0x1  }
0x2: {  	[smem:$0x3F9A] =	sst lr;
	_ =	strace $0xD0000000  }
0x3: {  	_ = 	snop  }
0x4: {  	_ = 	snop  }
0x5: {  	_ = 	snop  }
0x6: {  	_ = 	snop  }
0x7: {  	_ = 	snop  }
__scs_overlays_trampoline_lowered:
0x8: {  	[smem:$0x3FA9] =	sst s0  }
0x9: {  	[smem:$0x3FAA] =	sst s1  }
0xa: {  	[smem:$0x3FAB] =	sst s2  }
0xb: {  	[smem:$0x3FAC] =	sst s3  }
0xc: {  	[smem:$0x3FAD] =	sst s4  }
0xd: {  	[smem:$0x3FAE] =	sst s5  }
0xe: {  	[smem:$0x3FAF] =	sst s6  }
0xf: {  	[smem:$0x3FB0] =	sst s7  }
0x10: {  	[smem:$0x3FB1] =	sst s8  }
0x11: {  	[smem:$0x3FB2] =	sst s9;
	s0 =	simm.s32 @!p0 $0x0  }
0x12: {  	s1 =	sld [smem:$0x3F98];
	s0 =	simm.s32 @p0 $0x1  }
0x13: {  	[smem:$0x3FB3] =	sst s0;
	s0 =	simm.s32 @!p1 $0x0  }
0x14: {  	s2 =	sld [smem:$0x3F97];
	s0 =	simm.s32 @p1 $0x1  }
0x15: {  	[smem:$0x3FB4] =	sst s0;
	s0 =	simm.s32 @!p2 $0x0  }
0x16: {  	s3 =	sld [smem:$0x3FDB];
	s0 =	simm.s32 @p2 $0x1  }
0x17: {  	s4 =	simm.s32 $0x1BF5;
	[smem:$0x3FB6] =	sst s0  }
0x18: {  	s0 =	sld [smem:$0x3F99];
	_ =	swait.ge [sflag:s4], $0x0  }
0x19: {  	s7 =	sld [smem:$0x3F9A]  }
0x1a: {  	s8 =	sadd.s32 $0xFFFFE003, lr  }
0x1b: {  	s9 =	sadd.s32 $0xFFFFFEF7, lr;
	s5 =	simm.s32 $0xFFFFFFFF;
	p2 =	slt.u32 s8, $0xFFFFF086  }
0x1c: {  	p1 =	slt.u32 s9, $0xF7A;
	s5 =	simm.s32 @!p2 $0x0  }
0x1d: {  	s5 =	simm.s32 @p1 $0x1;
	p0 =	seq.s32 s7, s2  }
0x1e: {  	s7 =	smul.u32 @!p0 $0xF7A, s2;
	p2 =	seq.s32 @!p0 s5, $0x0  }
0x1f: {  	s9 =	smul.u32 $0xF7A, s1;
	s8 =	simm.s32 @!p0 $0x1BF5;
	p2 =	por !p2, p0  }
0x20: {  	[sflag:s8] =	ssyncset.s32 @!p0 $0xFFFFF086;
	s6 =	sadd.s32 @!p0 s3, s7;
	s7 =	simm.s32 @!p0 $0x108  }
0x21: {  	s3 =	sadd.s32 s3, s9;
	s6 =	sadd.s32 @!p0 $0x88, s6;
	s7 =	simm.s32 @p2 $0x1082  }
0x22: {  	[simem:s7], [sflag:s8] =	dma.local @!p0 [hbm:s6], $0xF7A  }
0x23: {  	s9 =	sor.u32 $0xD0000000, s2;
	s6 =	simm.s32 $0x108;
	_ =	swait.ge @!p0 [sflag:s8], $0x0  }
0x24: {  	s3 =	sadd.s32 $0x88, s3;
	s6 =	simm.s32 @!p1 $0x1082;
	[sflag:s4] =	ssyncset.s32 $0xFFFFF086  }
0x25: {  	[simem:s6], [sflag:s4] =	dma.local [hbm:s3], $0xF7A  }
0x26: {  	[smem:$0x3F9A] =	sst s1;
	(tag) =	ssettag s2;
	_ =	strace s9  }
0x27: {  	s1 =	sld [smem:$0x3FAA]  }
0x28: {  	s2 =	sld [smem:$0x3FAB]  }
0x29: {  	s4 =	sld [smem:$0x3FAD]  }
0x2a: {  	p0 =	seq.s32 s5, $0x0;
	s5 =	sld [smem:$0x3FAE]  }
0x2b: {  	s6 =	sld [smem:$0x3FAF]  }
0x2c: {  	s7 =	sld [smem:$0x3FB0]  }
0x2d: {  	s3 =	simm.s32 $0x108;
	s8 =	sld [smem:$0x3FB1]  }
0x2e: {  	s3 =	simm.s32 @!p0 $0x1082;
	s9 =	sld [smem:$0x3FB2]  }
0x2f: {  	lr =	sadd.s32 s0, s3;
	s0 =	sld [smem:$0x3FA9]  }
0x30: {  	s3 =	sld [smem:$0x3FAC]  }
0x31: {  	[smem:$0x3FB5] =	sst s10  }
0x32: {  	s10 =	sld [smem:$0x3FB3];
	_ =	sdelay $0x3  }
0x33: {  	p0 =	seq.s32 s10, $0x1;
	s10 =	sld [smem:$0x3FB5];
	_ =	sdelay $0x3  }
0x34: {  	[smem:$0x3FB5] =	sst s10  }
0x35: {  	s10 =	sld [smem:$0x3FB4];
	_ =	sdelay $0x3  }
0x36: {  	p1 =	seq.s32 s10, $0x1;
	s10 =	sld [smem:$0x3FB5];
	_ =	sdelay $0x3  }
0x37: {  	[smem:$0x3FB5] =	sst s10  }
0x38: {  	s10 =	sld [smem:$0x3FB6]  }
0x39: {  	_ = 	snop;
	(pc) =	sbr.ind lr, $3  }
0x3a: {  	_ = 	snop  }
0x3b: {  	_ = 	snop  }
0x3c: {  	p2 =	seq.s32 s10, $0x1;
	s10 =	sld [smem:$0x3FB5]  }
0x3d: {  	_ =	shalt  }
0x3e: {  	_ =	shalt  }
0x3f: {  	_ =	shalt  }
0x40: {  	_ =	shalt  }
0x41: {  	_ =	shalt  }
0x42: {  	_ =	shalt  }
0x43: {  	_ =	shalt  }
0x44: {  	_ =	shalt  }
0x45: {  	_ =	shalt  }
0x46: {  	_ =	shalt  }
0x47: {  	_ =	shalt  }
0x48: {  	_ =	shalt  }
0x49: {  	_ =	shalt  }
0x4a: {  	_ =	shalt  }
0x4b: {  	_ =	shalt  }
0x4c: {  	_ =	shalt  }
0x4d: {  	_ =	shalt  }
0x4e: {  	_ =	shalt  }
0x4f: {  	_ =	shalt  }
0x50: {  	_ =	shalt  }
0x51: {  	_ =	shalt  }
0x52: {  	_ =	shalt  }
0x53: {  	_ =	shalt  }
0x54: {  	_ =	shalt  }
0x55: {  	_ =	shalt  }
0x56: {  	_ =	shalt  }
0x57: {  	_ =	shalt  }
0x58: {  	_ =	shalt  }
0x59: {  	_ =	shalt  }
0x5a: {  	_ =	shalt  }
0x5b: {  	_ =	shalt  }
0x5c: {  	_ =	shalt  }
0x5d: {  	_ =	shalt  }
0x5e: {  	_ =	shalt  }
0x5f: {  	_ =	shalt  }
0x60: {  	_ =	shalt  }
0x61: {  	_ =	shalt  }
0x62: {  	_ =	shalt  }
0x63: {  	_ =	shalt  }
0x64: {  	_ =	shalt  }
0x65: {  	_ =	shalt  }
0x66: {  	_ =	shalt  }
0x67: {  	_ =	shalt  }
0x68: {  	_ =	shalt  }
0x69: {  	_ =	shalt  }
0x6a: {  	_ =	shalt  }
0x6b: {  	_ =	shalt  }
0x6c: {  	_ =	shalt  }
0x6d: {  	_ =	shalt  }
0x6e: {  	_ =	shalt  }
0x6f: {  	_ =	shalt  }
0x70: {  	_ =	shalt  }
0x71: {  	_ =	shalt  }
0x72: {  	_ =	shalt  }
0x73: {  	_ =	shalt  }
0x74: {  	_ =	shalt  }
0x75: {  	_ =	shalt  }
0x76: {  	_ =	shalt  }
0x77: {  	_ =	shalt  }
0x78: {  	_ =	shalt  }
0x79: {  	_ =	shalt  }
0x7a: {  	_ =	shalt  }
0x7b: {  	_ =	shalt  }
0x7c: {  	_ =	shalt  }
0x7d: {  	_ =	shalt  }
0x7e: {  	_ =	shalt  }
0x7f: {  	_ =	shalt  }
0x80: {  	_ =	shalt  }
0x81: {  	_ =	shalt  }
0x82: {  	_ =	shalt  }
0x83: {  	_ =	shalt  }
0x84: {  	_ =	shalt  }
0x85: {  	_ =	shalt  }
0x86: {  	_ =	shalt  }
0x87: {  	_ =	shalt  }
.Lfunc_end0:
.L_simem_size_0:
called_computation.2_lowered:
.L_overlay_start_0:
0x88: {  	s2 =	sld [smem:$0x3FD9]  }
0x89: {  	s3 =	sld [smem:$0x3FFE];
	_ =	sdelay $0x1  }
0x8a: {  	s1 =	srdreg.scid  }
0x8b: {  	s0 =	sand.u32 $0x1, s1  }
0x8c: {  	s17 =	sshll.u32 s0, $0xA;
	s2 =	sadd.s32 s3, s2  }
0x8d: {  	s2 =	sadd.s32 s2, s17  }
0x8e: {  	[smem:$0x3FC1] =	sst s2  }
0x8f: {  	_ = 	snop  }
0x90: {  	(tm) =	ssettm $0x1  }
0x91: {  	s18 =	sld [smem:$0x3FFB];
	_ =	sdelay $0x3  }
0x92: {  	_ =	strace s18  }
0x93: {  	s2 =	sld [smem:$0x3FFC];
	_ =	sdelay $0x3  }
0x94: {  	_ =	strace s2  }
0x95: {  	s2 =	sld [smem:$0x3FFD];
	_ =	sdelay $0x3  }
0x96: {  	_ =	strace s2  }
0x97: {  	_ =	strace $0x8FFFFFFF  }
0x98: {  	s19 =	sld [smem:$0x3FDB];
	_ =	sdelay $0x1  }
0x99: {  	s20 =	simm.s32 $_scs_section_size  }
0x9a: {  	s4 =	simm.s32 $_size__tile_overlayer_lowered;
	s5 =	simm.s32 $_tile_overlayer_lowered  }
0x9b: {  	s6 =	simm.s32 $0x1BFF;
	s21 =	sshll.u32 s5, $0x1;
	s3 =	sadd.s32 s20, s19  }
0x9c: {  	s22 =	simm.s32 $0x0;
	s4 =	sshll.u32 s4, $0x1;
	s5 =	sadd.s32 s21, s3  }
0x9d: {  	[timem:s22], [sflag:s6] =	dma.local [hbm:s5], s4  }
0x9e: {  	_ =	swait.ge [sflag:s6], s4  }
0x9f: {  	s4 =	ssub.s32 $0x0, s4;
	[sflag:s6] =	ssyncset.done $0x0  }
0xa0: {  	[sflag:s6] =	ssyncadd.s32 s4;
	_ =	sdelay $0x1  }
0xa1: {  	s23 =	simm.s32 $0x1B8B  }
0xa2: {  	_ =	swait.ge [sflag:s23], $0x1  }
0xa3: {  	[sflag:s23] =	ssyncset.done $0x0  }
0xa4: {  	[sflag:s23] =	ssyncadd.s32 $0xFFFFFFFF  }
0xa5: {  	s4 =	sld [smem:$0x0]  }
0xa6: {  	s5 =	sand.u32 $0xFFFFFFFE, s1  }
0xa7: {  	p0 =	sne.s32 s1, s5  }
0xa8: {  	s5 =	sshll.u32 @p0 s5, $0xE  }
0xa9: {  	s5 =	sadd.s32 @p0 $0x11B8D, s5;
	s6 =	sshll.u32 @p0 s4, $0x11  }
0xaa: {  	s5 =	sor.u32 @p0 s6, s5  }
0xab: {  	[sflag:s5] =	ssyncadd.remote.s32 @p0 $0x1;
	_ =	sdelay $0x1  }
0xac: {  	s5 =	simm.s32 @p0 $0x1B8D  }
0xad: {  	_ =	swait.eq @p0 [sflag:s5], $0x1  }
0xae: {  	[sflag:s5] =	ssyncadd.s32 @p0 $0xFFFFFFFF  }
0xaf: {  	s6 =	sshll.u32 @!p0 s1, $0xE  }
0xb0: {  	s6 =	sor.u32 @!p0 $0x4000, s6;
	s5 =	simm.s32 @!p0 $0x1B8D  }
0xb1: {  	s4 =	sshll.u32 @!p0 s4, $0x11;
	s6 =	sadd.s32 @!p0 $0x11B8D, s6;
	_ =	swait.eq @!p0 [sflag:s5], $0x1  }
0xb2: {  	s4 =	sor.u32 @!p0 s4, s6;
	[sflag:s5] =	ssyncadd.s32 @!p0 $0xFFFFFFFF  }
0xb3: {  	s25 =	simm.s32 $0x1B8E;
	s24 =	sld [smem:$0x3FFE];
	[sflag:s4] =	ssyncadd.remote.s32 @!p0 $0x1  }
0xb4: {  	s26 =	simm.s32 $execute0_lowered;
	[smem:$0x3FD2] =	sst s25  }
0xb5: {  	s5 =	sshll.u32 s26, $0x1;
	_ =	strace $0x80000049;
	[dreg:$0x1] =	wrdreg $0xFFFFFFFF  }
0xb6: {  	s28 =	simm.s32 $_size_execute0_lowered;
	s3 =	sadd.s32 s3, s5;
	[dreg:$0x0] =	wrdreg $0x0  }
0xb7: {  	s5 =	sshll.u32 s28, $0x1;
	[dreg:$0x2] =	wrdreg s3  }
0xb8: {  	[dreg:$0x3] =	wrdreg s5  }
0xb9: {  	[dreg:$0x4] =	wrdreg $0xC0  }
0xba: {  	_ =	task [dreg:s22], $0x5FFFF  }
0xbb: {  	[dreg:$0x1] =	wrdreg $0xFFFFFFFF  }
0xbc: {  	[dreg:$0x0] =	wrdreg $0x60  }
0xbd: {  	[dreg:$0x2] =	wrdreg s24  }
0xbe: {  	[dreg:$0x3] =	wrdreg $0xB  }
0xbf: {  	_ =	task.clear_ibuf [dreg:s22], $0x4FFFF;
	_ =	strace $0x90000049  }
0xc0: {  	s29 =	simm.s32 $0xB;
	_ =	strace $0x8000004B  }
0xc1: {  	_ =	swait.ge [sflag:s29], $0x1  }
0xc2: {  	[sflag:s29] =	ssyncadd.s32 $0xFFFFFFFF  }
0xc3: {  	_ =	strace $0x9000004B  }
0xc4: {  	_ =	sfence  }
0xc5: {  	s30 =	sld [smem:$0x0];
	_ =	sdelay $0x2  }
0xc6: {  	s31 =	sshll.u32 s1, $0xD;
	s1 =	sshrl.u32 s1, $0x2  }
0xc7: {  	s4 =	sand.u32 $0x4000, s31;
	s1 =	sadd.s32 s1, s30  }
0xc8: {  	s0 =	sor.u32 s4, s0;
	s1 =	sshll.u32 s1, $0x11  }
0xc9: {  	s0 =	sor.u32 s1, s0  }
0xca: {  	s0 =	sadd.s32 $0x8F2B, s0  }
0xcb: {  	[sflag:s0] =	ssyncadd.remote.s32 $0x1  }
0xcc: {  	_ =	sfence.sel $0xFFFF  }
0xcd: {  	[dreg:$0x0] =	wrdreg $0xFFFFFFFF;
	(pc) =	sbr.abs _section_cstart, $3  }
0xce: {  	[dreg:$0x1] =	wrdreg $0xFFFFFFFF  }
0xcf: {  	_ =	task.clear_ibuf [dreg:s22], $0x2FFFF;
	_ =	strace $0x9FFFFFFF  }
0xd0: {  	(tm) =	ssettm $0x7FFFFFFF  }
0xd1: {  	_ =	shalt  }
tec
execute0_lowered:
.L_overlay_start_1:
0x0: {  	(tag) =	ssettag $0x1  }
0x1: {  	s1 =	srdreg.scid  }
0x2: {  	s0 =	stileid.u32;
	s4 =	rddreg [dreg:$0x0]  }
0x3: {  	s20 =	simm.s32 $0x1;
	s21 =	simm.s32 $0x3;
	s18 =	smul.u32 $0x32, s0  }
0x4: {  	s22 =	simm.s32 $0x2;
	s12 =	sand.u32 $0x1, s1;
	s19 =	smul.u32 $0x1900, s0  }
0x5: {  	s23 =	simm.s32 $0x4;
	s2 =	sshll.u32 s0, $0x1;
	s30 =	smul.u32 $0xC80, s12  }
0x6: {  	s24 =	simm.s32 $0x0;
	s5 =	sor.u32 s12, s2;
	s31 =	smul.u32 $0x19, s12  }
0x7: {  	s1 =	rddreg [dreg:$0x1];
	s3 =	sadd.s32 $0xA0400, s4;
	s6 =	smul.u32 $0x19, s5  }
0x8: {  	s13 =	sadd.s32 $0x1DEA00, s4;
	s7 =	sor.u32 $0x20, s5;
	s10 =	smul.u32 $0xC80, s5  }
0x9: {  	s15 =	sadd.s32 $0x4D2800, s4;
	s9 =	sor.u32 $0x40, s5;
	s8 =	smul.u32 $0x19, s7  }
0xa: {  	s2 =	simm.s32 $0x0;
	s11 =	ssub.s32 $0x2, s12;
	s9 =	smul.u32 $0x19, s9  }
0xb: {  	[smem:$0x7FF] =	sst s2;
	s5 =	sor.u32 $0x3A0, s5;
	s14 =	smul.u32 $0xC80, s7  }
0xc: {  	s28 =	sshrl.u32 s11, $0x1;
	s19 =	sadd.s32 s19, s15;
	s16 =	smul.u32 $0x19, s5  }
0xd: {  	_ =	strace $0x8000004A;
	s29 =	ssub.s32 s11, s28;
	s17 =	smul.u32 $0xC80, s5  }
0xe: {  	s4 =	sadd.s32 s13, s6;
	s5 =	smax.u32 s29, $0x1;
	s7 =	sadd.s32 s15, s10  }
0xf: {  	s6 =	sadd.s32 s13, s8;
	s8 =	sadd.s32 s13, s9;
	s9 =	sadd.s32 s15, s14  }
0x10: {  	s10 =	sadd.s32 s13, s16;
	s11 =	sadd.s32 $0x2BC000, s7;
	s12 =	sadd.s32 s15, s17  }
0x11: {  	s13 =	sadd.s32 s18, s13;
	s14 =	sadd.s32 s30, s19;
	s15 =	simm.s32 $0x5  }
0x12: {  	s16 =	simm.s32 $0xC8;
	s17 =	simm.s32 $0x200;
	s18 =	simm.s32 $0x100  }
0x13: {  	s19 =	simm.s32 $0x6600;
	s13 =	sadd.s32 s31, s13;
	s14 =	sadd.s32 $0x32000, s14  }
.LBB2_1:
0x14: {  	[tilespmem:s2], [sflag:$0x5] =	stream.linear.gather [hbm4b:s4+s2], $0xC8, $0x38;
	[tilespmem:$0xCA00] =	vst v63  }
0x15: {  	_ =	swait.ge [sflag:s15], $0xC8  }
0x16: {  	[sflag:s15] =	ssyncset.done $0x0  }
0x17: {  	[sflag:s15] =	ssyncadd.s32 $0xFFFFFF38  }
0x18: {  	[tilespmem:s17], [sflag:$0x1] =	stream.indirect.gather [hbm4b:s3+s16], $0x80, s2, s16, $0xb8;
	[tilespmem:$0xCA00] =	vst v63  }
0x19: {  	_ = 	snop  }
0x1a: {  	[tilespmem:s18], [sflag:$0x5] =	stream.linear.gather [hbm4b:s6+s2], $0xC8, $0x38;
	[tilespmem:$0xCA00] =	vst v63  }
0x1b: {  	_ =	swait.ge [sflag:s15], $0xC8  }
0x1c: {  	[sflag:s15] =	ssyncset.done $0x0  }
0x1d: {  	[sflag:s15] =	ssyncadd.s32 $0xFFFFFF38  }
0x1e: {  	[tilespmem:s19], [sflag:$0x2] =	stream.indirect.gather [hbm4b:s3+s16], $0x80, s18, s16, $0xb8;
	[tilespmem:$0xCA00] =	vst v63  }
0x1f: {  	_ =	swait.ge [sflag:s20], $0x6400  }
0x20: {  	[sflag:s20] =	ssyncset.done $0x0  }
0x21: {  	[sflag:s20] =	ssyncadd.s32 $0xFFFF9C00  }
0x22: {  	[hbm4b:s7+s2] =	stream.linear.scatter [tilespmem:s17], [sflag:$0x3], $0x6400, $0x38;
	[tilespmem:$0xCA00] =	vst v63  }
0x23: {  	_ =	swait.ge [sflag:s21], $0x6400  }
0x24: {  	[sflag:s21] =	ssyncset.done $0x0  }
0x25: {  	[sflag:s21] =	ssyncadd.s32 $0xFFFF9C00  }
0x26: {  	[tilespmem:s2], [sflag:$0x5] =	stream.linear.gather [hbm4b:s8+s2], $0xC8, $0x38;
	[tilespmem:$0xCA00] =	vst v63  }
0x27: {  	_ =	swait.ge [sflag:s15], $0xC8  }
0x28: {  	[sflag:s15] =	ssyncset.done $0x0  }
0x29: {  	[sflag:s15] =	ssyncadd.s32 $0xFFFFFF38  }
0x2a: {  	[tilespmem:s17], [sflag:$0x1] =	stream.indirect.gather [hbm4b:s3+s16], $0x80, s2, s16, $0xb8;
	[tilespmem:$0xCA00] =	vst v63  }
0x2b: {  	_ =	swait.ge [sflag:s22], $0x6400  }
0x2c: {  	[sflag:s22] =	ssyncset.done $0x0  }
0x2d: {  	[sflag:s22] =	ssyncadd.s32 $0xFFFF9C00  }
0x2e: {  	[hbm4b:s9+s2] =	stream.linear.scatter [tilespmem:s19], [sflag:$0x4], $0x6400, $0x38;
	[tilespmem:$0xCA00] =	vst v63  }
0x2f: {  	_ =	swait.ge [sflag:s23], $0x6400  }
0x30: {  	s25 =	sadd.s32 $0x0, s13;
	[sflag:s23] =	ssyncset.done $0x0  }
0x31: {  	s26 =	sadd.s32 $0x960, s25;
	[sflag:s23] =	ssyncadd.s32 $0xFFFF9C00  }
0x32: {  	[tilespmem:s18], [sflag:$0x5] =	stream.linear.gather [hbm4b:s26+s2], $0xC8, $0x38;
	[tilespmem:$0xCA00] =	vst v63  }
0x33: {  	_ =	swait.ge [sflag:s15], $0xC8  }
0x34: {  	[sflag:s15] =	ssyncset.done $0x0  }
0x35: {  	[sflag:s15] =	ssyncadd.s32 $0xFFFFFF38  }
0x36: {  	[tilespmem:s19], [sflag:$0x2] =	stream.indirect.gather [hbm4b:s3+s16], $0x80, s18, s16, $0xb8;
	[tilespmem:$0xCA00] =	vst v63  }
0x37: {  	_ =	swait.ge [sflag:s20], $0x6400  }
0x38: {  	[sflag:s20] =	ssyncset.done $0x0  }
0x39: {  	[sflag:s20] =	ssyncadd.s32 $0xFFFF9C00  }
0x3a: {  	[hbm4b:s14+s2] =	stream.linear.scatter [tilespmem:s17], [sflag:$0x3], $0x6400, $0x38;
	[tilespmem:$0xCA00] =	vst v63  }
0x3b: {  	_ =	swait.ge [sflag:s21], $0x6400  }
0x3c: {  	[sflag:s21] =	ssyncset.done $0x0  }
0x3d: {  	s25 =	sadd.s32 $0xC80, s25;
	[sflag:s21] =	ssyncadd.s32 $0xFFFF9C00  }
0x3e: {  	[tilespmem:s2], [sflag:$0x5] =	stream.linear.gather [hbm4b:s25+s2], $0xC8, $0x38;
	[tilespmem:$0xCA00] =	vst v63  }
0x3f: {  	_ =	swait.ge [sflag:s15], $0xC8  }
0x40: {  	[sflag:s15] =	ssyncset.done $0x0  }
0x41: {  	[sflag:s15] =	ssyncadd.s32 $0xFFFFFF38  }
0x42: {  	[tilespmem:s17], [sflag:$0x1] =	stream.indirect.gather [hbm4b:s3+s16], $0x80, s2, s16, $0xb8;
	[tilespmem:$0xCA00] =	vst v63  }
0x43: {  	_ =	swait.ge [sflag:s22], $0x6400  }
0x44: {  	s28 =	sadd.s32 $0x19000, s14;
	[sflag:s22] =	ssyncset.done $0x0  }
0x45: {  	s26 =	sadd.s32 $0x32000, s14;
	s25 =	simm.s32 $0x640;
	[sflag:s22] =	ssyncadd.s32 $0xFFFF9C00  }
.LBB2_2:
0x46: {  	[hbm4b:s28+s2] =	stream.linear.scatter [tilespmem:s19], [sflag:$0x4], $0x6400, $0x38;
	[tilespmem:$0xCA00] =	vst v63  }
0x47: {  	s28 =	smov.u32 s25  }
0x48: {  	p0 =	sne.s32 s25, $0x4B00;
	s25 =	sadd.s32 $0x640, s25;
	_ =	swait.ge [sflag:s23], $0x6400  }
0x49: {  	s28 =	sadd.s32 s28, s13;
	[sflag:s23] =	ssyncset.done $0x0  }
0x4a: {  	s29 =	sadd.s32 $0x960, s28;
	[sflag:s23] =	ssyncadd.s32 $0xFFFF9C00  }
0x4b: {  	[tilespmem:s18], [sflag:$0x5] =	stream.linear.gather [hbm4b:s29+s2], $0xC8, $0x38;
	[tilespmem:$0xCA00] =	vst v63  }
0x4c: {  	_ =	swait.ge [sflag:s15], $0xC8  }
0x4d: {  	[sflag:s15] =	ssyncset.done $0x0  }
0x4e: {  	[sflag:s15] =	ssyncadd.s32 $0xFFFFFF38  }
0x4f: {  	[tilespmem:s19], [sflag:$0x2] =	stream.indirect.gather [hbm4b:s3+s16], $0x80, s18, s16, $0xb8;
	[tilespmem:$0xCA00] =	vst v63  }
0x50: {  	_ =	swait.ge [sflag:s20], $0x6400  }
0x51: {  	[sflag:s20] =	ssyncset.done $0x0  }
0x52: {  	[sflag:s20] =	ssyncadd.s32 $0xFFFF9C00  }
0x53: {  	[hbm4b:s26+s2] =	stream.linear.scatter [tilespmem:s17], [sflag:$0x3], $0x6400, $0x38;
	[tilespmem:$0xCA00] =	vst v63  }
0x54: {  	_ =	swait.ge [sflag:s21], $0x6400  }
0x55: {  	[sflag:s21] =	ssyncset.done $0x0  }
0x56: {  	s28 =	sadd.s32 $0xC80, s28;
	[sflag:s21] =	ssyncadd.s32 $0xFFFF9C00  }
0x57: {  	[tilespmem:s2], [sflag:$0x5] =	stream.linear.gather [hbm4b:s28+s2], $0xC8, $0x38;
	[tilespmem:$0xCA00] =	vst v63  }
0x58: {  	_ =	swait.ge [sflag:s15], $0xC8  }
0x59: {  	[sflag:s15] =	ssyncset.done $0x0  }
.Ltmp0:
0x5a: {  	[sflag:s15] =	ssyncadd.s32 $0xFFFFFF38;
	(pc) =	sbr.rel @p0 .LBB2_2-.Ltmp0, $4  }
0x5b: {  	[tilespmem:s17], [sflag:$0x1] =	stream.indirect.gather [hbm4b:s3+s16], $0x80, s2, s16, $0xb8;
	[tilespmem:$0xCA00] =	vst v63  }
0x5c: {  	_ =	swait.ge [sflag:s22], $0x6400  }
0x5d: {  	[sflag:s22] =	ssyncset.done $0x0  }
0x5e: {  	s28 =	sadd.s32 $0x19000, s26;
	s26 =	sadd.s32 $0x32000, s26;
	[sflag:s22] =	ssyncadd.s32 $0xFFFF9C00  }
0x5f: {  	[hbm4b:s28+s2] =	stream.linear.scatter [tilespmem:s19], [sflag:$0x4], $0x6400, $0x38;
	[tilespmem:$0xCA00] =	vst v63  }
0x60: {  	_ =	swait.ge [sflag:s23], $0x6400  }
0x61: {  	[sflag:s23] =	ssyncset.done $0x0  }
0x62: {  	[sflag:s23] =	ssyncadd.s32 $0xFFFF9C00  }
0x63: {  	[tilespmem:s18], [sflag:$0x5] =	stream.linear.gather [hbm4b:s10+s2], $0xC8, $0x38;
	[tilespmem:$0xCA00] =	vst v63  }
0x64: {  	_ =	swait.ge [sflag:s15], $0xC8  }
0x65: {  	[sflag:s15] =	ssyncset.done $0x0  }
0x66: {  	[sflag:s15] =	ssyncadd.s32 $0xFFFFFF38  }
0x67: {  	[tilespmem:s19], [sflag:$0x2] =	stream.indirect.gather [hbm4b:s3+s16], $0x80, s18, s16, $0xb8;
	[tilespmem:$0xCA00] =	vst v63  }
0x68: {  	_ =	swait.ge [sflag:s20], $0x6400  }
0x69: {  	[sflag:s20] =	ssyncset.done $0x0  }
0x6a: {  	[sflag:s20] =	ssyncadd.s32 $0xFFFF9C00  }
0x6b: {  	[hbm4b:s11+s2] =	stream.linear.scatter [tilespmem:s17], [sflag:$0x3], $0x6400, $0x38;
	[tilespmem:$0xCA00] =	vst v63  }
0x6c: {  	_ =	swait.ge [sflag:s22], $0x6400  }
0x6d: {  	[sflag:s22] =	ssyncset.done $0x0  }
0x6e: {  	s24 =	sadd.s32 $0x1, s24;
	[sflag:s22] =	ssyncadd.s32 $0xFFFF9C00  }
0x6f: {  	[hbm4b:s12+s2] =	stream.linear.scatter [tilespmem:s19], [sflag:$0x4], $0x6400, $0x38;
	[tilespmem:$0xCA00] =	vst v63  }
0x70: {  	p0 =	sne.s32 s24, s5;
	_ =	swait.ge [sflag:s23], $0x6400  }
.Ltmp1:
0x71: {  	[sflag:s23] =	ssyncset.done $0x0;
	(pc) =	sbr.rel @p0 .LBB2_1-.Ltmp1, $4  }
0x72: {  	[sflag:s23] =	ssyncadd.s32 $0xFFFF9C00  }
0x73: {  	_ =	swait.ge [sflag:s21], $0x6400  }
0x74: {  	[sflag:s21] =	ssyncset.done $0x0  }
0x75: {  	[sflag:s21] =	ssyncadd.s32 $0xFFFF9C00  }
0x76: {  	_ =	sfence.sel $0x180000  }
0x77: {  	[bflag:$0x0] =	sbarrier.arrive $0xFFFF  }
0x78: {  	p0 =	sne.s32 s0, $0x0;
	_ =	strace $0x9000004A  }
0x79: {  	s0 =	sadd.s32 @!p0 $0x100000, s1;
	[bflag:$0x2] =	sbarrier.arrive $0xFFFF  }
0x7a: {  	[sflag:s0] =	ssyncadd.tile.s32 @!p0 $0x1;
	_ =	shalt  }
.Lfunc_end2:
_tile_overlayer_lowered:
.L_overlay_start_2:
0x7b: {  	(tag) =	ssettag $0x2  }
0x7c: {  	s0 =	rddreg [dreg:$0x0];
	s2 =	stileid.u32  }
0x7d: {  	s1 =	rddreg [dreg:$0x1];
	p0 =	sne.s32 s2, $0x0  }
0x7e: {  	s3 =	rddreg [dreg:$0x2];
	[bflag:$0x3] =	sbarrier.arrive $0xFFFF;
	s2 =	simm.s32 @!p0 $0x1C05  }
0x7f: {  	[timem:s3], [sflag:s2] =	dma.local @!p0 [hbm:s0], s1  }
0x80: {  	s0 =	simm.s32 @!p0 $0x5  }
0x81: {  	_ =	swait.ge @!p0 [sflag:s0], s1  }
0x82: {  	s1 =	ssub.s32 @!p0 $0x0, s1;
	[sflag:s0] =	ssyncset.done @!p0 $0x0  }
0x83: {  	[sflag:s0] =	ssyncadd.s32 @!p0 s1  }
0x84: {  	[bflag:$0x3] =	sbarrier.arrive $0xFFFF  }
0x85: {  	_ =	shalt  }

// kernel: kernel.19.cloned.1.call-start
scs
__scs_entry_jumppad:
0x0: {  	(pc) =	sbr.rel $0x88, $3  }
0x1: {  	(tag) =	ssettag $0x0;
	lr =	simm.s32 $0x1  }
0x2: {  	[smem:$0x3F9A] =	sst lr;
	_ =	strace $0xD0000000  }
0x3: {  	_ = 	snop  }
0x4: {  	_ = 	snop  }
0x5: {  	_ = 	snop  }
0x6: {  	_ = 	snop  }
0x7: {  	_ = 	snop  }
__scs_overlays_trampoline_lowered:
0x8: {  	[smem:$0x3FA9] =	sst s0  }
0x9: {  	[smem:$0x3FAA] =	sst s1  }
0xa: {  	[smem:$0x3FAB] =	sst s2  }
0xb: {  	[smem:$0x3FAC] =	sst s3  }
0xc: {  	[smem:$0x3FAD] =	sst s4  }
0xd: {  	[smem:$0x3FAE] =	sst s5  }
0xe: {  	[smem:$0x3FAF] =	sst s6  }
0xf: {  	[smem:$0x3FB0] =	sst s7  }
0x10: {  	[smem:$0x3FB1] =	sst s8  }
0x11: {  	[smem:$0x3FB2] =	sst s9;
	s0 =	simm.s32 @!p0 $0x0  }
0x12: {  	s1 =	sld [smem:$0x3F98];
	s0 =	simm.s32 @p0 $0x1  }
0x13: {  	[smem:$0x3FB3] =	sst s0;
	s0 =	simm.s32 @!p1 $0x0  }
0x14: {  	s2 =	sld [smem:$0x3F97];
	s0 =	simm.s32 @p1 $0x1  }
0x15: {  	[smem:$0x3FB4] =	sst s0;
	s0 =	simm.s32 @!p2 $0x0  }
0x16: {  	s3 =	sld [smem:$0x3FDB];
	s0 =	simm.s32 @p2 $0x1  }
0x17: {  	s4 =	simm.s32 $0x1BF5;
	[smem:$0x3FB6] =	sst s0  }
0x18: {  	s0 =	sld [smem:$0x3F99];
	_ =	swait.ge [sflag:s4], $0x0  }
0x19: {  	s7 =	sld [smem:$0x3F9A]  }
0x1a: {  	s8 =	sadd.s32 $0xFFFFE003, lr  }
0x1b: {  	s9 =	sadd.s32 $0xFFFFFEF7, lr;
	s5 =	simm.s32 $0xFFFFFFFF;
	p2 =	slt.u32 s8, $0xFFFFF086  }
0x1c: {  	p1 =	slt.u32 s9, $0xF7A;
	s5 =	simm.s32 @!p2 $0x0  }
0x1d: {  	s5 =	simm.s32 @p1 $0x1;
	p0 =	seq.s32 s7, s2  }
0x1e: {  	s7 =	smul.u32 @!p0 $0xF7A, s2;
	p2 =	seq.s32 @!p0 s5, $0x0  }
0x1f: {  	s9 =	smul.u32 $0xF7A, s1;
	s8 =	simm.s32 @!p0 $0x1BF5;
	p2 =	por !p2, p0  }
0x20: {  	[sflag:s8] =	ssyncset.s32 @!p0 $0xFFFFF086;
	s6 =	sadd.s32 @!p0 s3, s7;
	s7 =	simm.s32 @!p0 $0x108  }
0x21: {  	s3 =	sadd.s32 s3, s9;
	s6 =	sadd.s32 @!p0 $0x88, s6;
	s7 =	simm.s32 @p2 $0x1082  }
0x22: {  	[simem:s7], [sflag:s8] =	dma.local @!p0 [hbm:s6], $0xF7A  }
0x23: {  	s9 =	sor.u32 $0xD0000000, s2;
	s6 =	simm.s32 $0x108;
	_ =	swait.ge @!p0 [sflag:s8], $0x0  }
0x24: {  	s3 =	sadd.s32 $0x88, s3;
	s6 =	simm.s32 @!p1 $0x1082;
	[sflag:s4] =	ssyncset.s32 $0xFFFFF086  }
0x25: {  	[simem:s6], [sflag:s4] =	dma.local [hbm:s3], $0xF7A  }
0x26: {  	[smem:$0x3F9A] =	sst s1;
	(tag) =	ssettag s2;
	_ =	strace s9  }
0x27: {  	s1 =	sld [smem:$0x3FAA]  }
0x28: {  	s2 =	sld [smem:$0x3FAB]  }
0x29: {  	s4 =	sld [smem:$0x3FAD]  }
0x2a: {  	p0 =	seq.s32 s5, $0x0;
	s5 =	sld [smem:$0x3FAE]  }
0x2b: {  	s6 =	sld [smem:$0x3FAF]  }
0x2c: {  	s7 =	sld [smem:$0x3FB0]  }
0x2d: {  	s3 =	simm.s32 $0x108;
	s8 =	sld [smem:$0x3FB1]  }
0x2e: {  	s3 =	simm.s32 @!p0 $0x1082;
	s9 =	sld [smem:$0x3FB2]  }
0x2f: {  	lr =	sadd.s32 s0, s3;
	s0 =	sld [smem:$0x3FA9]  }
0x30: {  	s3 =	sld [smem:$0x3FAC]  }
0x31: {  	[smem:$0x3FB5] =	sst s10  }
0x32: {  	s10 =	sld [smem:$0x3FB3];
	_ =	sdelay $0x3  }
0x33: {  	p0 =	seq.s32 s10, $0x1;
	s10 =	sld [smem:$0x3FB5];
	_ =	sdelay $0x3  }
0x34: {  	[smem:$0x3FB5] =	sst s10  }
0x35: {  	s10 =	sld [smem:$0x3FB4];
	_ =	sdelay $0x3  }
0x36: {  	p1 =	seq.s32 s10, $0x1;
	s10 =	sld [smem:$0x3FB5];
	_ =	sdelay $0x3  }
0x37: {  	[smem:$0x3FB5] =	sst s10  }
0x38: {  	s10 =	sld [smem:$0x3FB6]  }
0x39: {  	_ = 	snop;
	(pc) =	sbr.ind lr, $3  }
0x3a: {  	_ = 	snop  }
0x3b: {  	_ = 	snop  }
0x3c: {  	p2 =	seq.s32 s10, $0x1;
	s10 =	sld [smem:$0x3FB5]  }
0x3d: {  	_ =	shalt  }
0x3e: {  	_ =	shalt  }
0x3f: {  	_ =	shalt  }
0x40: {  	_ =	shalt  }
0x41: {  	_ =	shalt  }
0x42: {  	_ =	shalt  }
0x43: {  	_ =	shalt  }
0x44: {  	_ =	shalt  }
0x45: {  	_ =	shalt  }
0x46: {  	_ =	shalt  }
0x47: {  	_ =	shalt  }
0x48: {  	_ =	shalt  }
0x49: {  	_ =	shalt  }
0x4a: {  	_ =	shalt  }
0x4b: {  	_ =	shalt  }
0x4c: {  	_ =	shalt  }
0x4d: {  	_ =	shalt  }
0x4e: {  	_ =	shalt  }
0x4f: {  	_ =	shalt  }
0x50: {  	_ =	shalt  }
0x51: {  	_ =	shalt  }
0x52: {  	_ =	shalt  }
0x53: {  	_ =	shalt  }
0x54: {  	_ =	shalt  }
0x55: {  	_ =	shalt  }
0x56: {  	_ =	shalt  }
0x57: {  	_ =	shalt  }
0x58: {  	_ =	shalt  }
0x59: {  	_ =	shalt  }
0x5a: {  	_ =	shalt  }
0x5b: {  	_ =	shalt  }
0x5c: {  	_ =	shalt  }
0x5d: {  	_ =	shalt  }
0x5e: {  	_ =	shalt  }
0x5f: {  	_ =	shalt  }
0x60: {  	_ =	shalt  }
0x61: {  	_ =	shalt  }
0x62: {  	_ =	shalt  }
0x63: {  	_ =	shalt  }
0x64: {  	_ =	shalt  }
0x65: {  	_ =	shalt  }
0x66: {  	_ =	shalt  }
0x67: {  	_ =	shalt  }
0x68: {  	_ =	shalt  }
0x69: {  	_ =	shalt  }
0x6a: {  	_ =	shalt  }
0x6b: {  	_ =	shalt  }
0x6c: {  	_ =	shalt  }
0x6d: {  	_ =	shalt  }
0x6e: {  	_ =	shalt  }
0x6f: {  	_ =	shalt  }
0x70: {  	_ =	shalt  }
0x71: {  	_ =	shalt  }
0x72: {  	_ =	shalt  }
0x73: {  	_ =	shalt  }
0x74: {  	_ =	shalt  }
0x75: {  	_ =	shalt  }
0x76: {  	_ =	shalt  }
0x77: {  	_ =	shalt  }
0x78: {  	_ =	shalt  }
0x79: {  	_ =	shalt  }
0x7a: {  	_ =	shalt  }
0x7b: {  	_ =	shalt  }
0x7c: {  	_ =	shalt  }
0x7d: {  	_ =	shalt  }
0x7e: {  	_ =	shalt  }
0x7f: {  	_ =	shalt  }
0x80: {  	_ =	shalt  }
0x81: {  	_ =	shalt  }
0x82: {  	_ =	shalt  }
0x83: {  	_ =	shalt  }
0x84: {  	_ =	shalt  }
0x85: {  	_ =	shalt  }
0x86: {  	_ =	shalt  }
0x87: {  	_ =	shalt  }
.Lfunc_end0:
.L_simem_size_0:
called_computation.3_lowered:
.L_overlay_start_0:
0x88: {  	s2 =	sld [smem:$0x3FD9]  }
0x89: {  	s3 =	sld [smem:$0x3FFE];
	_ =	sdelay $0x1  }
0x8a: {  	s1 =	srdreg.scid  }
0x8b: {  	s0 =	sand.u32 $0x1, s1  }
0x8c: {  	s17 =	sshll.u32 s0, $0xA;
	s2 =	sadd.s32 s3, s2  }
0x8d: {  	s2 =	sadd.s32 s2, s17  }
0x8e: {  	[smem:$0x3FC1] =	sst s2  }
0x8f: {  	_ = 	snop  }
0x90: {  	(tm) =	ssettm $0x1  }
0x91: {  	s18 =	sld [smem:$0x3FFB];
	_ =	sdelay $0x3  }
0x92: {  	_ =	strace s18  }
0x93: {  	s2 =	sld [smem:$0x3FFC];
	_ =	sdelay $0x3  }
0x94: {  	_ =	strace s2  }
0x95: {  	s2 =	sld [smem:$0x3FFD];
	_ =	sdelay $0x3  }
0x96: {  	_ =	strace s2  }
0x97: {  	_ =	strace $0x8FFFFFFF  }
0x98: {  	s19 =	sld [smem:$0x3FDB];
	_ =	sdelay $0x1  }
0x99: {  	s20 =	simm.s32 $_scs_section_size  }
0x9a: {  	s4 =	simm.s32 $_size__tile_overlayer_lowered;
	s5 =	simm.s32 $_tile_overlayer_lowered  }
0x9b: {  	s6 =	simm.s32 $0x1BFF;
	s21 =	sshll.u32 s5, $0x1;
	s3 =	sadd.s32 s20, s19  }
0x9c: {  	s22 =	simm.s32 $0x0;
	s4 =	sshll.u32 s4, $0x1;
	s5 =	sadd.s32 s21, s3  }
0x9d: {  	[timem:s22], [sflag:s6] =	dma.local [hbm:s5], s4  }
0x9e: {  	_ =	swait.ge [sflag:s6], s4  }
0x9f: {  	s4 =	ssub.s32 $0x0, s4;
	[sflag:s6] =	ssyncset.done $0x0  }
0xa0: {  	[sflag:s6] =	ssyncadd.s32 s4;
	_ =	sdelay $0x1  }
0xa1: {  	s23 =	simm.s32 $0x1B8B  }
0xa2: {  	_ =	swait.ge [sflag:s23], $0x1  }
0xa3: {  	[sflag:s23] =	ssyncset.done $0x0  }
0xa4: {  	[sflag:s23] =	ssyncadd.s32 $0xFFFFFFFF  }
0xa5: {  	s4 =	sld [smem:$0x0]  }
0xa6: {  	s5 =	sand.u32 $0xFFFFFFFE, s1  }
0xa7: {  	p0 =	sne.s32 s1, s5  }
0xa8: {  	s5 =	sshll.u32 @p0 s5, $0xE  }
0xa9: {  	s5 =	sadd.s32 @p0 $0x11B8D, s5;
	s6 =	sshll.u32 @p0 s4, $0x11  }
0xaa: {  	s5 =	sor.u32 @p0 s6, s5  }
0xab: {  	[sflag:s5] =	ssyncadd.remote.s32 @p0 $0x1;
	_ =	sdelay $0x1  }
0xac: {  	s5 =	simm.s32 @p0 $0x1B8D  }
0xad: {  	_ =	swait.eq @p0 [sflag:s5], $0x1  }
0xae: {  	[sflag:s5] =	ssyncadd.s32 @p0 $0xFFFFFFFF  }
0xaf: {  	s6 =	sshll.u32 @!p0 s1, $0xE  }
0xb0: {  	s6 =	sor.u32 @!p0 $0x4000, s6;
	s5 =	simm.s32 @!p0 $0x1B8D  }
0xb1: {  	s4 =	sshll.u32 @!p0 s4, $0x11;
	s6 =	sadd.s32 @!p0 $0x11B8D, s6;
	_ =	swait.eq @!p0 [sflag:s5], $0x1  }
0xb2: {  	s4 =	sor.u32 @!p0 s4, s6;
	[sflag:s5] =	ssyncadd.s32 @!p0 $0xFFFFFFFF  }
0xb3: {  	s25 =	simm.s32 $0x1B8E;
	s24 =	sld [smem:$0x3FFE];
	[sflag:s4] =	ssyncadd.remote.s32 @!p0 $0x1  }
0xb4: {  	s26 =	simm.s32 $execute0_lowered;
	[smem:$0x3FD2] =	sst s25  }
0xb5: {  	s5 =	sshll.u32 s26, $0x1;
	_ =	strace $0x8000004F;
	[dreg:$0x1] =	wrdreg $0xFFFFFFFF  }
0xb6: {  	s28 =	simm.s32 $_size_execute0_lowered;
	s3 =	sadd.s32 s3, s5;
	[dreg:$0x0] =	wrdreg $0x0  }
0xb7: {  	s5 =	sshll.u32 s28, $0x1;
	[dreg:$0x2] =	wrdreg s3  }
0xb8: {  	[dreg:$0x3] =	wrdreg s5  }
0xb9: {  	[dreg:$0x4] =	wrdreg $0xC0  }
0xba: {  	_ =	task [dreg:s22], $0x5FFFF  }
0xbb: {  	[dreg:$0x1] =	wrdreg $0xFFFFFFFF  }
0xbc: {  	[dreg:$0x0] =	wrdreg $0x60  }
0xbd: {  	[dreg:$0x2] =	wrdreg s24  }
0xbe: {  	[dreg:$0x3] =	wrdreg $0xC  }
0xbf: {  	_ =	task.clear_ibuf [dreg:s22], $0x4FFFF;
	_ =	strace $0x9000004F  }
0xc0: {  	s29 =	simm.s32 $0xC;
	_ =	strace $0x80000051  }
0xc1: {  	_ =	swait.ge [sflag:s29], $0x1  }
0xc2: {  	[sflag:s29] =	ssyncadd.s32 $0xFFFFFFFF  }
0xc3: {  	_ =	strace $0x90000051  }
0xc4: {  	_ =	sfence  }
0xc5: {  	s30 =	sld [smem:$0x0];
	_ =	sdelay $0x2  }
0xc6: {  	s31 =	sshll.u32 s1, $0xD;
	s1 =	sshrl.u32 s1, $0x2  }
0xc7: {  	s4 =	sand.u32 $0x4000, s31;
	s1 =	sadd.s32 s1, s30  }
0xc8: {  	s0 =	sor.u32 s4, s0;
	s1 =	sshll.u32 s1, $0x11  }
0xc9: {  	s0 =	sor.u32 s1, s0  }
0xca: {  	s0 =	sadd.s32 $0x8F2B, s0  }
0xcb: {  	[sflag:s0] =	ssyncadd.remote.s32 $0x1  }
0xcc: {  	_ =	sfence.sel $0xFFFF  }
0xcd: {  	[dreg:$0x0] =	wrdreg $0xFFFFFFFF;
	(pc) =	sbr.abs _section_cstart, $3  }
0xce: {  	[dreg:$0x1] =	wrdreg $0xFFFFFFFF  }
0xcf: {  	_ =	task.clear_ibuf [dreg:s22], $0x2FFFF;
	_ =	strace $0x9FFFFFFF  }
0xd0: {  	(tm) =	ssettm $0x7FFFFFFF  }
0xd1: {  	_ =	shalt  }
tec
execute0_lowered:
.L_overlay_start_1:
0x0: {  	(tag) =	ssettag $0x1  }
0x1: {  	s1 =	srdreg.scid  }
0x2: {  	s0 =	stileid.u32;
	s4 =	rddreg [dreg:$0x0];
	s2 =	simm.s32 $0x0  }
0x3: {  	s18 =	simm.s32 $0x1;
	s19 =	simm.s32 $0x3;
	s17 =	smul.u32 $0x32, s0  }
0x4: {  	s20 =	simm.s32 $0x2;
	s10 =	sand.u32 $0x1, s1;
	s29 =	smul.u32 $0x1900, s0  }
0x5: {  	s21 =	simm.s32 $0x4;
	s3 =	sshll.u32 s0, $0x1;
	s30 =	smul.u32 $0xC80, s10  }
0x6: {  	s1 =	rddreg [dreg:$0x1];
	s5 =	sor.u32 s10, s3;
	s31 =	smul.u32 $0x19, s10  }
0x7: {  	s22 =	simm.s32 $0x0;
	[smem:$0x7FF] =	sst s2;
	s6 =	smul.u32 $0x19, s5  }
0x8: {  	s11 =	sadd.s32 $0x9E00, s4;
	s15 =	sadd.s32 $0xAAE800, s4;
	s7 =	smul.u32 $0x6400, s5  }
0x9: {  	_ =	strace $0x80000050;
	s8 =	sor.u32 $0x20, s5;
	s14 =	smul.u32 $0xC80, s5  }
0xa: {  	s12 =	ssub.s32 $0x2, s10;
	s13 =	sor.u32 $0x40, s5;
	s9 =	smul.u32 $0x19, s8  }
0xb: {  	s3 =	sadd.s32 $0xA0400, s4;
	s26 =	sshrl.u32 s12, $0x1;
	s13 =	smul.u32 $0x19, s13  }
0xc: {  	s12 =	ssub.s32 s12, s26;
	s16 =	smul.u32 $0xC80, s8;
	s28 =	sshrl.u32 s7, $0x3  }
0xd: {  	s4 =	sadd.s32 s11, s6;
	s6 =	smax.u32 s12, $0x1;
	s8 =	sadd.s32 s15, s14  }
0xe: {  	s12 =	sadd.s32 s29, s15;
	s14 =	simm.s32 $0xC8;
	s5 =	sadd.s32 s15, s28  }
0xf: {  	s7 =	sadd.s32 s11, s9;
	s9 =	sadd.s32 s11, s13;
	s10 =	sadd.s32 s15, s16  }
0x10: {  	s11 =	sadd.s32 s17, s11;
	s12 =	sadd.s32 s30, s12;
	s13 =	simm.s32 $0x5  }
0x11: {  	s15 =	simm.s32 $0x200;
	s16 =	simm.s32 $0x100;
	s17 =	simm.s32 $0x6600  }
0x12: {  	s5 =	sadd.s32 $0x352000, s5;
	s11 =	sadd.s32 s31, s11;
	s12 =	sadd.s32 $0x32000, s12  }
.LBB2_1:
0x13: {  	[tilespmem:s2], [sflag:$0x5] =	stream.linear.gather [hbm4b:s4+s2], $0xC8, $0x38;
	[tilespmem:$0xCA00] =	vst v63  }
0x14: {  	_ =	swait.ge [sflag:s13], $0xC8  }
0x15: {  	[sflag:s13] =	ssyncset.done $0x0  }
0x16: {  	[sflag:s13] =	ssyncadd.s32 $0xFFFFFF38  }
0x17: {  	[tilespmem:s15], [sflag:$0x1] =	stream.indirect.gather [hbm4b:s3+s14], $0x80, s2, s14, $0xb8;
	[tilespmem:$0xCA00] =	vst v63  }
0x18: {  	_ = 	snop  }
0x19: {  	[tilespmem:s16], [sflag:$0x5] =	stream.linear.gather [hbm4b:s7+s2], $0xC8, $0x38;
	[tilespmem:$0xCA00] =	vst v63  }
0x1a: {  	_ =	swait.ge [sflag:s13], $0xC8  }
0x1b: {  	[sflag:s13] =	ssyncset.done $0x0  }
0x1c: {  	[sflag:s13] =	ssyncadd.s32 $0xFFFFFF38  }
0x1d: {  	[tilespmem:s17], [sflag:$0x2] =	stream.indirect.gather [hbm4b:s3+s14], $0x80, s16, s14, $0xb8;
	[tilespmem:$0xCA00] =	vst v63  }
0x1e: {  	_ =	swait.ge [sflag:s18], $0x6400  }
0x1f: {  	[sflag:s18] =	ssyncset.done $0x0  }
0x20: {  	[sflag:s18] =	ssyncadd.s32 $0xFFFF9C00  }
0x21: {  	[hbm4b:s8+s2] =	stream.linear.scatter [tilespmem:s15], [sflag:$0x3], $0x6400, $0x38;
	[tilespmem:$0xCA00] =	vst v63  }
0x22: {  	_ =	swait.ge [sflag:s19], $0x6400  }
0x23: {  	[sflag:s19] =	ssyncset.done $0x0  }
0x24: {  	[sflag:s19] =	ssyncadd.s32 $0xFFFF9C00  }
0x25: {  	[tilespmem:s2], [sflag:$0x5] =	stream.linear.gather [hbm4b:s9+s2], $0xC8, $0x38;
	[tilespmem:$0xCA00] =	vst v63  }
0x26: {  	_ =	swait.ge [sflag:s13], $0xC8  }
0x27: {  	[sflag:s13] =	ssyncset.done $0x0  }
0x28: {  	[sflag:s13] =	ssyncadd.s32 $0xFFFFFF38  }
0x29: {  	[tilespmem:s15], [sflag:$0x1] =	stream.indirect.gather [hbm4b:s3+s14], $0x80, s2, s14, $0xb8;
	[tilespmem:$0xCA00] =	vst v63  }
0x2a: {  	_ =	swait.ge [sflag:s20], $0x6400  }
0x2b: {  	[sflag:s20] =	ssyncset.done $0x0  }
0x2c: {  	[sflag:s20] =	ssyncadd.s32 $0xFFFF9C00  }
0x2d: {  	[hbm4b:s10+s2] =	stream.linear.scatter [tilespmem:s17], [sflag:$0x4], $0x6400, $0x38;
	[tilespmem:$0xCA00] =	vst v63  }
0x2e: {  	_ =	swait.ge [sflag:s21], $0x6400  }
0x2f: {  	s23 =	sadd.s32 $0x0, s11;
	[sflag:s21] =	ssyncset.done $0x0  }
0x30: {  	s24 =	sadd.s32 $0x960, s23;
	[sflag:s21] =	ssyncadd.s32 $0xFFFF9C00  }
0x31: {  	[tilespmem:s16], [sflag:$0x5] =	stream.linear.gather [hbm4b:s24+s2], $0xC8, $0x38;
	[tilespmem:$0xCA00] =	vst v63  }
0x32: {  	_ =	swait.ge [sflag:s13], $0xC8  }
0x33: {  	[sflag:s13] =	ssyncset.done $0x0  }
0x34: {  	[sflag:s13] =	ssyncadd.s32 $0xFFFFFF38  }
0x35: {  	[tilespmem:s17], [sflag:$0x2] =	stream.indirect.gather [hbm4b:s3+s14], $0x80, s16, s14, $0xb8;
	[tilespmem:$0xCA00] =	vst v63  }
0x36: {  	_ =	swait.ge [sflag:s18], $0x6400  }
0x37: {  	[sflag:s18] =	ssyncset.done $0x0  }
0x38: {  	[sflag:s18] =	ssyncadd.s32 $0xFFFF9C00  }
0x39: {  	[hbm4b:s12+s2] =	stream.linear.scatter [tilespmem:s15], [sflag:$0x3], $0x6400, $0x38;
	[tilespmem:$0xCA00] =	vst v63  }
0x3a: {  	_ =	swait.ge [sflag:s19], $0x6400  }
0x3b: {  	[sflag:s19] =	ssyncset.done $0x0  }
0x3c: {  	s23 =	sadd.s32 $0xC80, s23;
	[sflag:s19] =	ssyncadd.s32 $0xFFFF9C00  }
0x3d: {  	[tilespmem:s2], [sflag:$0x5] =	stream.linear.gather [hbm4b:s23+s2], $0xC8, $0x38;
	[tilespmem:$0xCA00] =	vst v63  }
0x3e: {  	_ =	swait.ge [sflag:s13], $0xC8  }
0x3f: {  	[sflag:s13] =	ssyncset.done $0x0  }
0x40: {  	[sflag:s13] =	ssyncadd.s32 $0xFFFFFF38  }
0x41: {  	[tilespmem:s15], [sflag:$0x1] =	stream.indirect.gather [hbm4b:s3+s14], $0x80, s2, s14, $0xb8;
	[tilespmem:$0xCA00] =	vst v63  }
0x42: {  	_ =	swait.ge [sflag:s20], $0x6400  }
0x43: {  	s25 =	sadd.s32 $0x19000, s12;
	[sflag:s20] =	ssyncset.done $0x0  }
0x44: {  	s24 =	sadd.s32 $0x32000, s12;
	s23 =	simm.s32 $0x640;
	[sflag:s20] =	ssyncadd.s32 $0xFFFF9C00  }
.LBB2_2:
0x45: {  	[hbm4b:s25+s2] =	stream.linear.scatter [tilespmem:s17], [sflag:$0x4], $0x6400, $0x38;
	[tilespmem:$0xCA00] =	vst v63  }
0x46: {  	s25 =	smov.u32 s23  }
0x47: {  	p0 =	sne.s32 s23, $0x5DC0;
	s23 =	sadd.s32 $0x640, s23;
	_ =	swait.ge [sflag:s21], $0x6400  }
0x48: {  	s25 =	sadd.s32 s25, s11;
	[sflag:s21] =	ssyncset.done $0x0  }
0x49: {  	s26 =	sadd.s32 $0x960, s25;
	[sflag:s21] =	ssyncadd.s32 $0xFFFF9C00  }
0x4a: {  	[tilespmem:s16], [sflag:$0x5] =	stream.linear.gather [hbm4b:s26+s2], $0xC8, $0x38;
	[tilespmem:$0xCA00] =	vst v63  }
0x4b: {  	_ =	swait.ge [sflag:s13], $0xC8  }
0x4c: {  	[sflag:s13] =	ssyncset.done $0x0  }
0x4d: {  	[sflag:s13] =	ssyncadd.s32 $0xFFFFFF38  }
0x4e: {  	[tilespmem:s17], [sflag:$0x2] =	stream.indirect.gather [hbm4b:s3+s14], $0x80, s16, s14, $0xb8;
	[tilespmem:$0xCA00] =	vst v63  }
0x4f: {  	_ =	swait.ge [sflag:s18], $0x6400  }
0x50: {  	[sflag:s18] =	ssyncset.done $0x0  }
0x51: {  	[sflag:s18] =	ssyncadd.s32 $0xFFFF9C00  }
0x52: {  	[hbm4b:s24+s2] =	stream.linear.scatter [tilespmem:s15], [sflag:$0x3], $0x6400, $0x38;
	[tilespmem:$0xCA00] =	vst v63  }
0x53: {  	_ =	swait.ge [sflag:s19], $0x6400  }
0x54: {  	[sflag:s19] =	ssyncset.done $0x0  }
0x55: {  	s25 =	sadd.s32 $0xC80, s25;
	[sflag:s19] =	ssyncadd.s32 $0xFFFF9C00  }
0x56: {  	[tilespmem:s2], [sflag:$0x5] =	stream.linear.gather [hbm4b:s25+s2], $0xC8, $0x38;
	[tilespmem:$0xCA00] =	vst v63  }
0x57: {  	_ =	swait.ge [sflag:s13], $0xC8  }
0x58: {  	[sflag:s13] =	ssyncset.done $0x0  }
.Ltmp0:
0x59: {  	[sflag:s13] =	ssyncadd.s32 $0xFFFFFF38;
	(pc) =	sbr.rel @p0 .LBB2_2-.Ltmp0, $4  }
0x5a: {  	[tilespmem:s15], [sflag:$0x1] =	stream.indirect.gather [hbm4b:s3+s14], $0x80, s2, s14, $0xb8;
	[tilespmem:$0xCA00] =	vst v63  }
0x5b: {  	_ =	swait.ge [sflag:s20], $0x6400  }
0x5c: {  	[sflag:s20] =	ssyncset.done $0x0  }
0x5d: {  	s25 =	sadd.s32 $0x19000, s24;
	s24 =	sadd.s32 $0x32000, s24;
	[sflag:s20] =	ssyncadd.s32 $0xFFFF9C00  }
0x5e: {  	[hbm4b:s25+s2] =	stream.linear.scatter [tilespmem:s17], [sflag:$0x4], $0x6400, $0x38;
	[tilespmem:$0xCA00] =	vst v63  }
0x5f: {  	_ =	swait.ge [sflag:s18], $0x6400  }
0x60: {  	[sflag:s18] =	ssyncset.done $0x0  }
0x61: {  	s22 =	sadd.s32 $0x1, s22;
	[sflag:s18] =	ssyncadd.s32 $0xFFFF9C00  }
0x62: {  	[hbm4b:s5+s2] =	stream.linear.scatter [tilespmem:s15], [sflag:$0x3], $0x6400, $0x38;
	[tilespmem:$0xCA00] =	vst v63  }
0x63: {  	p0 =	sne.s32 s22, s6;
	_ =	swait.ge [sflag:s21], $0x6400  }
.Ltmp1:
0x64: {  	[sflag:s21] =	ssyncset.done $0x0;
	(pc) =	sbr.rel @p0 .LBB2_1-.Ltmp1, $4  }
0x65: {  	[sflag:s21] =	ssyncadd.s32 $0xFFFF9C00  }
0x66: {  	_ =	swait.ge [sflag:s19], $0x6400  }
0x67: {  	[sflag:s19] =	ssyncset.done $0x0  }
0x68: {  	[sflag:s19] =	ssyncadd.s32 $0xFFFF9C00  }
0x69: {  	_ =	sfence.sel $0x180000  }
0x6a: {  	[bflag:$0x0] =	sbarrier.arrive $0xFFFF  }
0x6b: {  	p0 =	sne.s32 s0, $0x0;
	_ =	strace $0x90000050  }
0x6c: {  	s0 =	sadd.s32 @!p0 $0x100000, s1;
	[bflag:$0x2] =	sbarrier.arrive $0xFFFF  }
0x6d: {  	[sflag:s0] =	ssyncadd.tile.s32 @!p0 $0x1;
	_ =	shalt  }
.Lfunc_end2:
_tile_overlayer_lowered:
.L_overlay_start_2:
0x6e: {  	(tag) =	ssettag $0x2  }
0x6f: {  	s0 =	rddreg [dreg:$0x0];
	s2 =	stileid.u32  }
0x70: {  	s1 =	rddreg [dreg:$0x1];
	p0 =	sne.s32 s2, $0x0  }
0x71: {  	s3 =	rddreg [dreg:$0x2];
	[bflag:$0x3] =	sbarrier.arrive $0xFFFF;
	s2 =	simm.s32 @!p0 $0x1C05  }
0x72: {  	[timem:s3], [sflag:s2] =	dma.local @!p0 [hbm:s0], s1  }
0x73: {  	s0 =	simm.s32 @!p0 $0x5  }
0x74: {  	_ =	swait.ge @!p0 [sflag:s0], s1  }
0x75: {  	s1 =	ssub.s32 @!p0 $0x0, s1;
	[sflag:s0] =	ssyncset.done @!p0 $0x0  }
0x76: {  	[sflag:s0] =	ssyncadd.s32 @!p0 s1  }
0x77: {  	[bflag:$0x3] =	sbarrier.arrive $0xFFFF  }
0x78: {  	_ =	shalt  }

</sc_bundles>
